<compile_context>
chip_gen: v7x
topology: tpu7x:2x2x1
jax: 0.10.2.dev20260603
libtpu: 0.0.44.dev20260713+nightly
codegen_flags: <defaults>
</compile_context>

<pallas_src>
import functools

import jax
import jax.numpy as jnp
from jax import lax
from jax.experimental import pallas as pl
from jax.experimental.pallas import tpu as pltpu
from jax.experimental.pallas import tpu_sc as plsc

N = 10000
E = 160000
D = 256
DH = 128
NSC = 2
NT = 16
BATCH = 128
RING = 8
NGRP = 10
NBATCH = RING * NGRP
EPT = E // NT
EPT_PAD = NBATCH * BATCH
NPAD = EPT_PAD
ZCH = NPAD // NT // BATCH

RB = 1000
NRB = N // RB
DCH = 8000
DG = 100


def _mm_body(x_ref, w_ref, o_ref):
    o_ref[...] = jnp.dot(x_ref[...], w_ref[...],
                         preferred_element_type=jnp.float32)


def _matmul_halves(x, w):
    return pl.pallas_call(
        _mm_body,
        grid=(NRB, 2),
        in_specs=[
            pl.BlockSpec((RB, D), lambda i, j: (i, 0)),
            pl.BlockSpec((D, DH), lambda i, j: (0, j)),
        ],
        out_specs=pl.BlockSpec((RB, DH), lambda i, j: (i + NRB * j, 0)),
        out_shape=jax.ShapeDtypeStruct((NSC * N, DH), jnp.float32),
    )(x, w)


def _deg_body(dst_ref, o_ref):
    i = pl.program_id(0)
    dstv = dst_ref[0, 0, :]
    hi = (dstv // DG)[:, None]
    lo = (dstv % DG)[:, None]
    cols = lax.broadcasted_iota(jnp.int32, (DCH, DG), 1)
    oh_hi = (hi == cols).astype(jnp.float32)
    oh_lo = (lo == cols).astype(jnp.float32)
    part = lax.dot_general(oh_hi, oh_lo, (((0,), (0,)), ((), ())),
                           preferred_element_type=jnp.float32)

    @pl.when(i == 0)
    def _():
        o_ref[...] = part

    @pl.when(i > 0)
    def _():
        o_ref[...] += part


def _degree(dst):
    dst3 = dst.reshape(E // DCH, 1, DCH)
    degm = pl.pallas_call(
        _deg_body,
        grid=(E // DCH,),
        in_specs=[pl.BlockSpec((1, 1, DCH), lambda i: (i, 0, 0))],
        out_specs=pl.BlockSpec((DG, DG), lambda i: (0, 0)),
        out_shape=jax.ShapeDtypeStruct((DG, DG), jnp.float32),
    )(dst3)
    return degm.reshape(N, 1)


def _mid_body(slo, shi, glo, ghi, dref, b, a, w_ref, o_ref):
    denom = dref[...] + 1.0
    tlo = (slo[...] + glo[...]) / denom + b[:, :DH]
    thi = (shi[...] + ghi[...]) / denom + b[:, DH:]
    h = jnp.concatenate([tlo, thi], axis=1)
    h = jnp.where(h >= 0, h, a[0, 0] * h)
    o_ref[...] = jnp.dot(h, w_ref[...], preferred_element_type=jnp.float32)


def _mid_layer(s_lo, s_hi, g, d, b, a, w):
    lo = lambda i, j: (i, 0)
    hi = lambda i, j: (i + NRB, 0)
    return pl.pallas_call(
        _mid_body,
        grid=(NRB, 2),
        in_specs=[
            pl.BlockSpec((RB, DH), lo), pl.BlockSpec((RB, DH), lo),
            pl.BlockSpec((RB, DH), lo), pl.BlockSpec((RB, DH), hi),
            pl.BlockSpec((RB, 1), lo),
            pl.BlockSpec((1, D), lambda i, j: (0, 0)),
            pl.BlockSpec((1, 1), lambda i, j: (0, 0)),
            pl.BlockSpec((D, DH), lambda i, j: (0, j)),
        ],
        out_specs=pl.BlockSpec((RB, DH), lambda i, j: (i + NRB * j, 0)),
        out_shape=jax.ShapeDtypeStruct((NSC * N, DH), jnp.float32),
    )(s_lo, s_hi, g, g, d, b, a, w)


def _fin_body(slo, shi, glo, ghi, dref, b, a, o_ref):
    denom = dref[...] + 1.0
    tlo = (slo[...] + glo[...]) / denom + b[:, :DH]
    thi = (shi[...] + ghi[...]) / denom + b[:, DH:]
    t = jnp.concatenate([tlo, thi], axis=1)
    o_ref[...] = jnp.where(t >= 0, t, a[0, 0] * t)


def _fin_layer(s_lo, s_hi, g, d, b, a):
    lo = lambda i: (i, 0)
    hi = lambda i: (i + NRB, 0)
    return pl.pallas_call(
        _fin_body,
        grid=(NRB,),
        in_specs=[
            pl.BlockSpec((RB, DH), lo), pl.BlockSpec((RB, DH), lo),
            pl.BlockSpec((RB, DH), lo), pl.BlockSpec((RB, DH), hi),
            pl.BlockSpec((RB, 1), lo),
            pl.BlockSpec((1, D), lambda i: (0, 0)),
            pl.BlockSpec((1, 1), lambda i: (0, 0)),
        ],
        out_specs=pl.BlockSpec((RB, D), lambda i: (i, 0)),
        out_shape=jax.ShapeDtypeStruct((N, D), jnp.float32),
    )(s_lo, s_hi, g, g, d, b, a)


@functools.lru_cache(maxsize=None)
def _build_sc_agg():
    mesh = plsc.VectorSubcoreMesh(core_axis_name="c", subcore_axis_name="s",
                                  num_cores=NSC, num_subcores=NT)
    out_type = [jax.ShapeDtypeStruct((NPAD, DH), jnp.float32),
                jax.ShapeDtypeStruct((NPAD, DH), jnp.float32)]
    scratch = [
        pltpu.VMEM((RING, BATCH), jnp.int32),
        pltpu.VMEM((RING, BATCH), jnp.int32),
        pltpu.VMEM((RING, BATCH), jnp.int32),
        pltpu.VMEM((RING, BATCH), jnp.int32),
        pltpu.VMEM((BATCH, DH), jnp.float32),
        pltpu.VMEM((BATCH, DH), jnp.float32),
        pltpu.VMEM_SHARED((NPAD, DH), jnp.float32),
        pltpu.SemaphoreType.DMA,
        pltpu.SemaphoreType.DMA,
        pltpu.SemaphoreType.DMA,
        pltpu.SemaphoreType.DMA,
    ]

    def body(g_hbm, src_hbm, dst_hbm, z_hbm, out_lo, out_hi,
             srcA, dstA, srcB, dstB, buf0, buf1, agg_sh,
             sem0, sem1, rsemA, rsemB):
        c = lax.axis_index("c")
        s = lax.axis_index("s")
        w = c * NT + s

        def start_rings(srcR, dstR, g, sem):
            pltpu.async_copy(src_hbm.at[w * NGRP + g], srcR, sem)
            pltpu.async_copy(dst_hbm.at[s * NGRP + g], dstR, sem)

        def wait_rings(srcR, dstR, g, sem):
            pltpu.make_async_copy(src_hbm.at[w * NGRP + g], srcR, sem).wait()
            pltpu.make_async_copy(dst_hbm.at[s * NGRP + g], dstR, sem).wait()

        start_rings(srcA, dstA, 0, rsemA)
        pltpu.sync_copy(z_hbm, buf0)
        for i in range(ZCH):
            pltpu.sync_copy(buf0,
                            agg_sh.at[pl.ds((s * ZCH + i) * BATCH, BATCH)])
        plsc.subcore_barrier()

        def process_group(src_v, dst_v):
            pltpu.async_copy(g_hbm.at[src_v.at[0]], buf0, sem0)

            def pair(k, _):
                j0 = 2 * k
                pltpu.async_copy(g_hbm.at[src_v.at[j0 + 1]], buf1, sem1)
                pltpu.make_async_copy(g_hbm.at[src_v.at[j0]], buf0,
                                      sem0).wait()
                pltpu.sync_copy(buf0, agg_sh.at[dst_v.at[j0]], add=True)

                @pl.when(k < RING // 2 - 1)
                def _():
                    pltpu.async_copy(g_hbm.at[src_v.at[j0 + 2]], buf0, sem0)

                pltpu.make_async_copy(g_hbm.at[src_v.at[j0 + 1]], buf1,
                                      sem1).wait()
                pltpu.sync_copy(buf1, agg_sh.at[dst_v.at[j0 + 1]], add=True)
                return 0

            lax.fori_loop(0, RING // 2, pair, 0)

        def superstep(si, _):
            gA = 2 * si
            wait_rings(srcA, dstA, gA, rsemA)
            start_rings(srcB, dstB, gA + 1, rsemB)
            process_group(srcA, dstA)
            wait_rings(srcB, dstB, gA + 1, rsemB)

            @pl.when(si < NGRP // 2 - 1)
            def _():
                start_rings(srcA, dstA, gA + 2, rsemA)

            process_group(srcB, dstB)
            return 0

        lax.fori_loop(0, NGRP // 2, superstep, 0)
        plsc.subcore_barrier()

        for i in range(ZCH):
            r0 = (s * ZCH + i) * BATCH
            pltpu.sync_copy(agg_sh.at[pl.ds(r0, BATCH)], buf0)

            @pl.when(c == 0)
            def _():
                pltpu.sync_copy(buf0, out_lo.at[pl.ds(r0, BATCH)])

            @pl.when(c == 1)
            def _():
                pltpu.sync_copy(buf0, out_hi.at[pl.ds(r0, BATCH)])

    return pl.kernel(body, out_type=out_type, mesh=mesh,
                     scratch_types=scratch)


def kernel(input_feats, edge_index, W1, b1, a1, W2, b2, a2):
    src = edge_index[0]
    dst = edge_index[1]

    pad = EPT_PAD - EPT
    pad_src = jnp.broadcast_to((jnp.arange(pad, dtype=jnp.int32) * 37) % N,
                               (NT, pad))
    pad_dst = jnp.broadcast_to(N + jnp.arange(pad, dtype=jnp.int32),
                               (NT, pad))
    srcr = jnp.concatenate([src.reshape(NT, EPT), pad_src], axis=1)
    dstr = jnp.concatenate([dst.reshape(NT, EPT), pad_dst], axis=1)
    srcr = srcr.reshape(NT, NBATCH, BATCH)
    src2 = jnp.concatenate([srcr, srcr + N]).reshape(NSC * NT * NGRP,
                                                     RING, BATCH)
    dst3 = dstr.reshape(NT * NGRP, RING, BATCH)

    zeros = jnp.zeros((BATCH, DH), jnp.float32)
    b1r = b1.reshape(1, D)
    b2r = b2.reshape(1, D)
    a1r = a1.reshape(1, 1)
    a2r = a2.reshape(1, 1)

    d = _degree(dst)
    sc_agg = _build_sc_agg()
    g1 = _matmul_halves(input_feats, W1)
    s1_lo, s1_hi = sc_agg(g1, src2, dst3, zeros)
    g2 = _mid_layer(s1_lo, s1_hi, g1, d, b1r, a1r, W2)
    s2_lo, s2_hi = sc_agg(g2, src2, dst3, zeros)
    return _fin_layer(s2_lo, s2_hi, g2, d, b2r, a2r)

# --- scband reference (transcript-rebuilt; emitter-appended) ---
"""Pipeline reference for scband-dgiembed-26929444945969 (READ-ONLY COPY).

The authoritative reference and input builder live on the scoring server;
editing this copy changes nothing except your own understanding.
"""

import jax, jax.numpy as jnp
import numpy as np

N = 10000
E = 160000
D = 256


def setup_inputs(seed: int = 0) -> dict:
    key = jax.random.key(seed)
    ks = jax.random.split(key, 8)
    x = jax.random.normal(ks[0], (N, D), dtype=jnp.float32)
    edge_index = jax.random.randint(ks[1], (2, E), 0, N, dtype=jnp.int32)
    scale = 1.0 / np.sqrt(D)
    W1 = jax.random.normal(ks[2], (D, D), dtype=jnp.float32) * scale
    b1 = jnp.zeros((D,), dtype=jnp.float32)
    a1 = jnp.full((1,), 0.25, dtype=jnp.float32)
    W2 = jax.random.normal(ks[3], (D, D), dtype=jnp.float32) * scale
    b2 = jnp.zeros((D,), dtype=jnp.float32)
    a2 = jnp.full((1,), 0.25, dtype=jnp.float32)
    return {"input_feats": x, "edge_index": edge_index, "W1": W1, "b1": b1, "a1": a1, "W2": W2, "b2": b2, "a2": a2}


def reference(input_feats, edge_index, W1, b1, a1, W2, b2, a2):
    # MultiLayerGNN with SAGEConv aggregator_type='gcn':
    # h_dst = fc((sum_{src->dst} h_src + h_dst) / (deg_dst + 1)); PReLU activation per layer.
    src = edge_index[0]
    dst = edge_index[1]
    h = input_feats
    ones = jnp.ones((E,), dtype=h.dtype)
    deg = jax.ops.segment_sum(ones, dst, num_segments=N)
    for (W, b, a) in ((W1, b1, a1), (W2, b2, a2)):
        msgs = jnp.take(h, src, axis=0)
        agg = jax.ops.segment_sum(msgs, dst, num_segments=N)
        h_neigh = (agg + h) / (deg[:, None] + 1.0)
        h = h_neigh @ W + b
        # PReLU with single learnable parameter
        h = jnp.where(h >= 0, h, a * h)
    return h

if __name__ == "__main__":
    import jax
    _d = setup_inputs()
    print(jax.jit(kernel)(*tuple(_d.values())))

</pallas_src>

<mosaic_0001>
#map = affine_map<(d0, d1) -> (0, 0)>
#map1 = affine_map<(d0, d1) -> (0, 0, 0)>
module attributes {stable_mosaic.version = 14 : i64} {
  func.func @body(%arg0: i32, %arg1: i32, %arg2: memref<20000x128xf32, #tpu.memory_space<hbm>>, %arg3: memref<320x8x128xi32, #tpu.memory_space<hbm>>, %arg4: memref<160x8x128xi32, #tpu.memory_space<hbm>>, %arg5: memref<128x128xf32, #tpu.memory_space<hbm>>, %arg6: memref<10240x128xf32, #tpu.memory_space<hbm>>, %arg7: memref<10240x128xf32, #tpu.memory_space<hbm>>, %arg8: memref<8x128xi32, #tpu.memory_space<vmem>>, %arg9: memref<8x128xi32, #tpu.memory_space<vmem>>, %arg10: memref<8x128xi32, #tpu.memory_space<vmem>>, %arg11: memref<8x128xi32, #tpu.memory_space<vmem>>, %arg12: memref<128x128xf32, #tpu.memory_space<vmem>>, %arg13: memref<128x128xf32, #tpu.memory_space<vmem>>, %arg14: memref<10240x128xf32, #tpu.memory_space<vmem_shared>>, %arg15: memref<!tpu.dma_semaphore, #tpu.memory_space<semaphore_mem>>, %arg16: memref<!tpu.dma_semaphore, #tpu.memory_space<semaphore_mem>>, %arg17: memref<!tpu.dma_semaphore, #tpu.memory_space<semaphore_mem>>, %arg18: memref<!tpu.dma_semaphore, #tpu.memory_space<semaphore_mem>>) attributes {dimension_semantics = [#tpu.dimension_semantics<core_parallel>, #tpu.dimension_semantics<subcore_parallel>], iteration_bounds = array<i64: 2, 16>, scalar_prefetch = 0 : i64, scratch_operands = 11 : i64, tpu.core_type = #tpu.core_type<sc_vector_subcore>, window_params = [{transform_indices = #map}, {transform_indices = #map1}, {transform_indices = #map1}, {transform_indices = #map}, {transform_indices = #map}, {transform_indices = #map}]} {
    %mul3A = arith.constant 16 : i32
    %mul3A_0 = arith.muli %arg0, %mul3A : i32
    %add3A = arith.addi %mul3A_0, %arg1 : i32
    %mul3A_1 = arith.constant 10 : i32
    %mul3A_2 = arith.muli %add3A, %mul3A_1 : i32
    %add3A_3 = arith.constant 0 : i32
    %add3A_4 = arith.addi %mul3A_2, %add3A_3 : i32
    %dma_start3A = arith.constant 0 : i32
    %dma_start3A_5 = arith.constant 0 : i32
    %dma_start3A_6 = tpu.memref_slice %arg3[%add3A_4, %dma_start3A, %dma_start3A_5] : memref<320x8x128xi32, #tpu.memory_space<hbm>> -> memref<1x8x128xi32, #tpu.memory_space<hbm>>
    %dma_start3A_7 = tpu.memref_squeeze %dma_start3A_6 : memref<1x8x128xi32, #tpu.memory_space<hbm>> -> memref<8x128xi32, #tpu.memory_space<hbm>>
    %dma_start3A_8 = arith.constant 0 : i32
    %dma_start3A_9 = arith.constant 0 : i32
    %dma_start3A_10 = tpu.memref_slice %arg3[%add3A_4, %dma_start3A_8, %dma_start3A_9] : memref<320x8x128xi32, #tpu.memory_space<hbm>> -> memref<1x8x128xi32, #tpu.memory_space<hbm>>
    %dma_start3A_11 = tpu.memref_squeeze %dma_start3A_10 : memref<1x8x128xi32, #tpu.memory_space<hbm>> -> memref<8x128xi32, #tpu.memory_space<hbm>>
    tpu.enqueue_dma source(%dma_start3A_11 : memref<8x128xi32, #tpu.memory_space<hbm>>) target(%arg8 : memref<8x128xi32, #tpu.memory_space<vmem>>) target_semaphore(%arg17 : memref<!tpu.dma_semaphore, #tpu.memory_space<semaphore_mem>>)
    %mul3A_12 = arith.constant 10 : i32
    %mul3A_13 = arith.muli %arg1, %mul3A_12 : i32
    %add3A_14 = arith.constant 0 : i32
    %add3A_15 = arith.addi %mul3A_13, %add3A_14 : i32
    %dma_start3A_16 = arith.constant 0 : i32
    %dma_start3A_17 = arith.constant 0 : i32
    %dma_start3A_18 = tpu.memref_slice %arg4[%add3A_15, %dma_start3A_16, %dma_start3A_17] : memref<160x8x128xi32, #tpu.memory_space<hbm>> -> memref<1x8x128xi32, #tpu.memory_space<hbm>>
    %dma_start3A_19 = tpu.memref_squeeze %dma_start3A_18 : memref<1x8x128xi32, #tpu.memory_space<hbm>> -> memref<8x128xi32, #tpu.memory_space<hbm>>
    %dma_start3A_20 = arith.constant 0 : i32
    %dma_start3A_21 = arith.constant 0 : i32
    %dma_start3A_22 = tpu.memref_slice %arg4[%add3A_15, %dma_start3A_20, %dma_start3A_21] : memref<160x8x128xi32, #tpu.memory_space<hbm>> -> memref<1x8x128xi32, #tpu.memory_space<hbm>>
    %dma_start3A_23 = tpu.memref_squeeze %dma_start3A_22 : memref<1x8x128xi32, #tpu.memory_space<hbm>> -> memref<8x128xi32, #tpu.memory_space<hbm>>
    tpu.enqueue_dma source(%dma_start3A_23 : memref<8x128xi32, #tpu.memory_space<hbm>>) target(%arg9 : memref<8x128xi32, #tpu.memory_space<vmem>>) target_semaphore(%arg17 : memref<!tpu.dma_semaphore, #tpu.memory_space<semaphore_mem>>)
    "tpu.region"() ({
      %run_scoped3A = tpu.sem_alloc : memref<!tpu.dma_semaphore, #tpu.memory_space<semaphore_mem>>
      tpu.enqueue_dma source(%arg5 : memref<128x128xf32, #tpu.memory_space<hbm>>) target(%arg12 : memref<128x128xf32, #tpu.memory_space<vmem>>) target_semaphore(%run_scoped3A : memref<!tpu.dma_semaphore, #tpu.memory_space<semaphore_mem>>)
      tpu.wait_dma2 semaphore(%run_scoped3A : memref<!tpu.dma_semaphore, #tpu.memory_space<semaphore_mem>>) src(%arg5 : memref<128x128xf32, #tpu.memory_space<hbm>>) dst(%arg12 : memref<128x128xf32, #tpu.memory_space<vmem>>)
      tpu.yield
    }) : () -> ()
    %mul3A_24 = arith.constant 5 : i32
    %mul3A_25 = arith.muli %arg1, %mul3A_24 : i32
    %add3A_26 = arith.constant 0 : i32
    %add3A_27 = arith.addi %mul3A_25, %add3A_26 : i32
    %mul3A_28 = arith.constant 128 : i32
    %mul3A_29 = arith.muli %add3A_27, %mul3A_28 : i32
    "tpu.region"() ({
      %run_scoped3A = tpu.sem_alloc : memref<!tpu.dma_semaphore, #tpu.memory_space<semaphore_mem>>
      %dma_start3A_138 = arith.constant 0 : i32
      %dma_start3A_139 = tpu.memref_slice %arg14[%mul3A_29, %dma_start3A_138] : memref<10240x128xf32, #tpu.memory_space<vmem_shared>> -> memref<128x128xf32, #tpu.memory_space<vmem_shared>>
      %dma_start3A_140 = arith.constant 0 : i32
      %dma_start3A_141 = tpu.memref_slice %arg14[%mul3A_29, %dma_start3A_140] : memref<10240x128xf32, #tpu.memory_space<vmem_shared>> -> memref<128x128xf32, #tpu.memory_space<vmem_shared>>
      tpu.enqueue_dma source(%arg12 : memref<128x128xf32, #tpu.memory_space<vmem>>) target(%dma_start3A_141 : memref<128x128xf32, #tpu.memory_space<vmem_shared>>) target_semaphore(%run_scoped3A : memref<!tpu.dma_semaphore, #tpu.memory_space<semaphore_mem>>)
      %dma_wait3A = arith.constant 0 : i32
      %dma_wait3A_142 = tpu.memref_slice %arg14[%mul3A_29, %dma_wait3A] : memref<10240x128xf32, #tpu.memory_space<vmem_shared>> -> memref<128x128xf32, #tpu.memory_space<vmem_shared>>
      %dma_wait3A_143 = arith.constant 0 : i32
      %dma_wait3A_144 = tpu.memref_slice %arg14[%mul3A_29, %dma_wait3A_143] : memref<10240x128xf32, #tpu.memory_space<vmem_shared>> -> memref<128x128xf32, #tpu.memory_space<vmem_shared>>
      tpu.wait_dma2 semaphore(%run_scoped3A : memref<!tpu.dma_semaphore, #tpu.memory_space<semaphore_mem>>) src(%arg12 : memref<128x128xf32, #tpu.memory_space<vmem>>) dst(%dma_wait3A_144 : memref<128x128xf32, #tpu.memory_space<vmem_shared>>)
      tpu.yield
    }) : () -> ()
    %mul3A_30 = arith.constant 5 : i32
    %mul3A_31 = arith.muli %arg1, %mul3A_30 : i32
    %add3A_32 = arith.constant 1 : i32
    %add3A_33 = arith.addi %mul3A_31, %add3A_32 : i32
    %mul3A_34 = arith.constant 128 : i32
    %mul3A_35 = arith.muli %add3A_33, %mul3A_34 : i32
    "tpu.region"() ({
      %run_scoped3A = tpu.sem_alloc : memref<!tpu.dma_semaphore, #tpu.memory_space<semaphore_mem>>
      %dma_start3A_138 = arith.constant 0 : i32
      %dma_start3A_139 = tpu.memref_slice %arg14[%mul3A_35, %dma_start3A_138] : memref<10240x128xf32, #tpu.memory_space<vmem_shared>> -> memref<128x128xf32, #tpu.memory_space<vmem_shared>>
      %dma_start3A_140 = arith.constant 0 : i32
      %dma_start3A_141 = tpu.memref_slice %arg14[%mul3A_35, %dma_start3A_140] : memref<10240x128xf32, #tpu.memory_space<vmem_shared>> -> memref<128x128xf32, #tpu.memory_space<vmem_shared>>
      tpu.enqueue_dma source(%arg12 : memref<128x128xf32, #tpu.memory_space<vmem>>) target(%dma_start3A_141 : memref<128x128xf32, #tpu.memory_space<vmem_shared>>) target_semaphore(%run_scoped3A : memref<!tpu.dma_semaphore, #tpu.memory_space<semaphore_mem>>)
      %dma_wait3A = arith.constant 0 : i32
      %dma_wait3A_142 = tpu.memref_slice %arg14[%mul3A_35, %dma_wait3A] : memref<10240x128xf32, #tpu.memory_space<vmem_shared>> -> memref<128x128xf32, #tpu.memory_space<vmem_shared>>
      %dma_wait3A_143 = arith.constant 0 : i32
      %dma_wait3A_144 = tpu.memref_slice %arg14[%mul3A_35, %dma_wait3A_143] : memref<10240x128xf32, #tpu.memory_space<vmem_shared>> -> memref<128x128xf32, #tpu.memory_space<vmem_shared>>
      tpu.wait_dma2 semaphore(%run_scoped3A : memref<!tpu.dma_semaphore, #tpu.memory_space<semaphore_mem>>) src(%arg12 : memref<128x128xf32, #tpu.memory_space<vmem>>) dst(%dma_wait3A_144 : memref<128x128xf32, #tpu.memory_space<vmem_shared>>)
      tpu.yield
    }) : () -> ()
    %mul3A_36 = arith.constant 5 : i32
    %mul3A_37 = arith.muli %arg1, %mul3A_36 : i32
    %add3A_38 = arith.constant 2 : i32
    %add3A_39 = arith.addi %mul3A_37, %add3A_38 : i32
    %mul3A_40 = arith.constant 128 : i32
    %mul3A_41 = arith.muli %add3A_39, %mul3A_40 : i32
    "tpu.region"() ({
      %run_scoped3A = tpu.sem_alloc : memref<!tpu.dma_semaphore, #tpu.memory_space<semaphore_mem>>
      %dma_start3A_138 = arith.constant 0 : i32
      %dma_start3A_139 = tpu.memref_slice %arg14[%mul3A_41, %dma_start3A_138] : memref<10240x128xf32, #tpu.memory_space<vmem_shared>> -> memref<128x128xf32, #tpu.memory_space<vmem_shared>>
      %dma_start3A_140 = arith.constant 0 : i32
      %dma_start3A_141 = tpu.memref_slice %arg14[%mul3A_41, %dma_start3A_140] : memref<10240x128xf32, #tpu.memory_space<vmem_shared>> -> memref<128x128xf32, #tpu.memory_space<vmem_shared>>
      tpu.enqueue_dma source(%arg12 : memref<128x128xf32, #tpu.memory_space<vmem>>) target(%dma_start3A_141 : memref<128x128xf32, #tpu.memory_space<vmem_shared>>) target_semaphore(%run_scoped3A : memref<!tpu.dma_semaphore, #tpu.memory_space<semaphore_mem>>)
      %dma_wait3A = arith.constant 0 : i32
      %dma_wait3A_142 = tpu.memref_slice %arg14[%mul3A_41, %dma_wait3A] : memref<10240x128xf32, #tpu.memory_space<vmem_shared>> -> memref<128x128xf32, #tpu.memory_space<vmem_shared>>
      %dma_wait3A_143 = arith.constant 0 : i32
      %dma_wait3A_144 = tpu.memref_slice %arg14[%mul3A_41, %dma_wait3A_143] : memref<10240x128xf32, #tpu.memory_space<vmem_shared>> -> memref<128x128xf32, #tpu.memory_space<vmem_shared>>
      tpu.wait_dma2 semaphore(%run_scoped3A : memref<!tpu.dma_semaphore, #tpu.memory_space<semaphore_mem>>) src(%arg12 : memref<128x128xf32, #tpu.memory_space<vmem>>) dst(%dma_wait3A_144 : memref<128x128xf32, #tpu.memory_space<vmem_shared>>)
      tpu.yield
    }) : () -> ()
    %mul3A_42 = arith.constant 5 : i32
    %mul3A_43 = arith.muli %arg1, %mul3A_42 : i32
    %add3A_44 = arith.constant 3 : i32
    %add3A_45 = arith.addi %mul3A_43, %add3A_44 : i32
    %mul3A_46 = arith.constant 128 : i32
    %mul3A_47 = arith.muli %add3A_45, %mul3A_46 : i32
    "tpu.region"() ({
      %run_scoped3A = tpu.sem_alloc : memref<!tpu.dma_semaphore, #tpu.memory_space<semaphore_mem>>
      %dma_start3A_138 = arith.constant 0 : i32
      %dma_start3A_139 = tpu.memref_slice %arg14[%mul3A_47, %dma_start3A_138] : memref<10240x128xf32, #tpu.memory_space<vmem_shared>> -> memref<128x128xf32, #tpu.memory_space<vmem_shared>>
      %dma_start3A_140 = arith.constant 0 : i32
      %dma_start3A_141 = tpu.memref_slice %arg14[%mul3A_47, %dma_start3A_140] : memref<10240x128xf32, #tpu.memory_space<vmem_shared>> -> memref<128x128xf32, #tpu.memory_space<vmem_shared>>
      tpu.enqueue_dma source(%arg12 : memref<128x128xf32, #tpu.memory_space<vmem>>) target(%dma_start3A_141 : memref<128x128xf32, #tpu.memory_space<vmem_shared>>) target_semaphore(%run_scoped3A : memref<!tpu.dma_semaphore, #tpu.memory_space<semaphore_mem>>)
      %dma_wait3A = arith.constant 0 : i32
      %dma_wait3A_142 = tpu.memref_slice %arg14[%mul3A_47, %dma_wait3A] : memref<10240x128xf32, #tpu.memory_space<vmem_shared>> -> memref<128x128xf32, #tpu.memory_space<vmem_shared>>
      %dma_wait3A_143 = arith.constant 0 : i32
      %dma_wait3A_144 = tpu.memref_slice %arg14[%mul3A_47, %dma_wait3A_143] : memref<10240x128xf32, #tpu.memory_space<vmem_shared>> -> memref<128x128xf32, #tpu.memory_space<vmem_shared>>
      tpu.wait_dma2 semaphore(%run_scoped3A : memref<!tpu.dma_semaphore, #tpu.memory_space<semaphore_mem>>) src(%arg12 : memref<128x128xf32, #tpu.memory_space<vmem>>) dst(%dma_wait3A_144 : memref<128x128xf32, #tpu.memory_space<vmem_shared>>)
      tpu.yield
    }) : () -> ()
    %mul3A_48 = arith.constant 5 : i32
    %mul3A_49 = arith.muli %arg1, %mul3A_48 : i32
    %add3A_50 = arith.constant 4 : i32
    %add3A_51 = arith.addi %mul3A_49, %add3A_50 : i32
    %mul3A_52 = arith.constant 128 : i32
    %mul3A_53 = arith.muli %add3A_51, %mul3A_52 : i32
    "tpu.region"() ({
      %run_scoped3A = tpu.sem_alloc : memref<!tpu.dma_semaphore, #tpu.memory_space<semaphore_mem>>
      %dma_start3A_138 = arith.constant 0 : i32
      %dma_start3A_139 = tpu.memref_slice %arg14[%mul3A_53, %dma_start3A_138] : memref<10240x128xf32, #tpu.memory_space<vmem_shared>> -> memref<128x128xf32, #tpu.memory_space<vmem_shared>>
      %dma_start3A_140 = arith.constant 0 : i32
      %dma_start3A_141 = tpu.memref_slice %arg14[%mul3A_53, %dma_start3A_140] : memref<10240x128xf32, #tpu.memory_space<vmem_shared>> -> memref<128x128xf32, #tpu.memory_space<vmem_shared>>
      tpu.enqueue_dma source(%arg12 : memref<128x128xf32, #tpu.memory_space<vmem>>) target(%dma_start3A_141 : memref<128x128xf32, #tpu.memory_space<vmem_shared>>) target_semaphore(%run_scoped3A : memref<!tpu.dma_semaphore, #tpu.memory_space<semaphore_mem>>)
      %dma_wait3A = arith.constant 0 : i32
      %dma_wait3A_142 = tpu.memref_slice %arg14[%mul3A_53, %dma_wait3A] : memref<10240x128xf32, #tpu.memory_space<vmem_shared>> -> memref<128x128xf32, #tpu.memory_space<vmem_shared>>
      %dma_wait3A_143 = arith.constant 0 : i32
      %dma_wait3A_144 = tpu.memref_slice %arg14[%mul3A_53, %dma_wait3A_143] : memref<10240x128xf32, #tpu.memory_space<vmem_shared>> -> memref<128x128xf32, #tpu.memory_space<vmem_shared>>
      tpu.wait_dma2 semaphore(%run_scoped3A : memref<!tpu.dma_semaphore, #tpu.memory_space<semaphore_mem>>) src(%arg12 : memref<128x128xf32, #tpu.memory_space<vmem>>) dst(%dma_wait3A_144 : memref<128x128xf32, #tpu.memory_space<vmem_shared>>)
      tpu.yield
    }) : () -> ()
    %barrier3A = arith.constant 0 : index
    tpu.barrier barrier_id(%barrier3A)
    %scan3A = arith.constant 0 : i32
    %scan3A_54 = arith.constant 0 : i32
    %scan3A_55 = arith.constant 5 : i32
    %scan3A_56 = arith.addi %scan3A_54, %scan3A_55 : i32
    %scan3A_57 = arith.constant 1 : i32
    %scan3A_58 = scf.for %scan3A_138 = %scan3A_54 to %scan3A_56 step %scan3A_57 iter_args(%scan3A_139 = %scan3A) -> (i32)  : i32 {
      %mul3A_140 = arith.constant 2 : i32
      %mul3A_141 = arith.muli %mul3A_140, %scan3A_138 : i32
      %mul3A_142 = arith.constant 10 : i32
      %mul3A_143 = arith.muli %add3A, %mul3A_142 : i32
      %add3A_144 = arith.addi %mul3A_143, %mul3A_141 : i32
      %dma_wait3A = arith.constant 0 : i32
      %dma_wait3A_145 = arith.constant 0 : i32
      %dma_wait3A_146 = tpu.memref_slice %arg3[%add3A_144, %dma_wait3A, %dma_wait3A_145] : memref<320x8x128xi32, #tpu.memory_space<hbm>> -> memref<1x8x128xi32, #tpu.memory_space<hbm>>
      %dma_wait3A_147 = tpu.memref_squeeze %dma_wait3A_146 : memref<1x8x128xi32, #tpu.memory_space<hbm>> -> memref<8x128xi32, #tpu.memory_space<hbm>>
      %dma_wait3A_148 = arith.constant 0 : i32
      %dma_wait3A_149 = arith.constant 0 : i32
      %dma_wait3A_150 = tpu.memref_slice %arg3[%add3A_144, %dma_wait3A_148, %dma_wait3A_149] : memref<320x8x128xi32, #tpu.memory_space<hbm>> -> memref<1x8x128xi32, #tpu.memory_space<hbm>>
      %dma_wait3A_151 = tpu.memref_squeeze %dma_wait3A_150 : memref<1x8x128xi32, #tpu.memory_space<hbm>> -> memref<8x128xi32, #tpu.memory_space<hbm>>
      tpu.wait_dma2 semaphore(%arg17 : memref<!tpu.dma_semaphore, #tpu.memory_space<semaphore_mem>>) src(%dma_wait3A_151 : memref<8x128xi32, #tpu.memory_space<hbm>>) dst(%arg8 : memref<8x128xi32, #tpu.memory_space<vmem>>)
      %mul3A_152 = arith.constant 10 : i32
      %mul3A_153 = arith.muli %arg1, %mul3A_152 : i32
      %add3A_154 = arith.addi %mul3A_153, %mul3A_141 : i32
      %dma_wait3A_155 = arith.constant 0 : i32
      %dma_wait3A_156 = arith.constant 0 : i32
      %dma_wait3A_157 = tpu.memref_slice %arg4[%add3A_154, %dma_wait3A_155, %dma_wait3A_156] : memref<160x8x128xi32, #tpu.memory_space<hbm>> -> memref<1x8x128xi32, #tpu.memory_space<hbm>>
      %dma_wait3A_158 = tpu.memref_squeeze %dma_wait3A_157 : memref<1x8x128xi32, #tpu.memory_space<hbm>> -> memref<8x128xi32, #tpu.memory_space<hbm>>
      %dma_wait3A_159 = arith.constant 0 : i32
      %dma_wait3A_160 = arith.constant 0 : i32
      %dma_wait3A_161 = tpu.memref_slice %arg4[%add3A_154, %dma_wait3A_159, %dma_wait3A_160] : memref<160x8x128xi32, #tpu.memory_space<hbm>> -> memref<1x8x128xi32, #tpu.memory_space<hbm>>
      %dma_wait3A_162 = tpu.memref_squeeze %dma_wait3A_161 : memref<1x8x128xi32, #tpu.memory_space<hbm>> -> memref<8x128xi32, #tpu.memory_space<hbm>>
      tpu.wait_dma2 semaphore(%arg17 : memref<!tpu.dma_semaphore, #tpu.memory_space<semaphore_mem>>) src(%dma_wait3A_162 : memref<8x128xi32, #tpu.memory_space<hbm>>) dst(%arg9 : memref<8x128xi32, #tpu.memory_space<vmem>>)
      %add3A_163 = arith.constant 1 : i32
      %add3A_164 = arith.addi %mul3A_141, %add3A_163 : i32
      %mul3A_165 = arith.constant 10 : i32
      %mul3A_166 = arith.muli %add3A, %mul3A_165 : i32
      %add3A_167 = arith.addi %mul3A_166, %add3A_164 : i32
      %dma_start3A_168 = arith.constant 0 : i32
      %dma_start3A_169 = arith.constant 0 : i32
      %dma_start3A_170 = tpu.memref_slice %arg3[%add3A_167, %dma_start3A_168, %dma_start3A_169] : memref<320x8x128xi32, #tpu.memory_space<hbm>> -> memref<1x8x128xi32, #tpu.memory_space<hbm>>
      %dma_start3A_171 = tpu.memref_squeeze %dma_start3A_170 : memref<1x8x128xi32, #tpu.memory_space<hbm>> -> memref<8x128xi32, #tpu.memory_space<hbm>>
      %dma_start3A_172 = arith.constant 0 : i32
      %dma_start3A_173 = arith.constant 0 : i32
      %dma_start3A_174 = tpu.memref_slice %arg3[%add3A_167, %dma_start3A_172, %dma_start3A_173] : memref<320x8x128xi32, #tpu.memory_space<hbm>> -> memref<1x8x128xi32, #tpu.memory_space<hbm>>
      %dma_start3A_175 = tpu.memref_squeeze %dma_start3A_174 : memref<1x8x128xi32, #tpu.memory_space<hbm>> -> memref<8x128xi32, #tpu.memory_space<hbm>>
      tpu.enqueue_dma source(%dma_start3A_175 : memref<8x128xi32, #tpu.memory_space<hbm>>) target(%arg10 : memref<8x128xi32, #tpu.memory_space<vmem>>) target_semaphore(%arg18 : memref<!tpu.dma_semaphore, #tpu.memory_space<semaphore_mem>>)
      %mul3A_176 = arith.constant 10 : i32
      %mul3A_177 = arith.muli %arg1, %mul3A_176 : i32
      %add3A_178 = arith.addi %mul3A_177, %add3A_164 : i32
      %dma_start3A_179 = arith.constant 0 : i32
      %dma_start3A_180 = arith.constant 0 : i32
      %dma_start3A_181 = tpu.memref_slice %arg4[%add3A_178, %dma_start3A_179, %dma_start3A_180] : memref<160x8x128xi32, #tpu.memory_space<hbm>> -> memref<1x8x128xi32, #tpu.memory_space<hbm>>
      %dma_start3A_182 = tpu.memref_squeeze %dma_start3A_181 : memref<1x8x128xi32, #tpu.memory_space<hbm>> -> memref<8x128xi32, #tpu.memory_space<hbm>>
      %dma_start3A_183 = arith.constant 0 : i32
      %dma_start3A_184 = arith.constant 0 : i32
      %dma_start3A_185 = tpu.memref_slice %arg4[%add3A_178, %dma_start3A_183, %dma_start3A_184] : memref<160x8x128xi32, #tpu.memory_space<hbm>> -> memref<1x8x128xi32, #tpu.memory_space<hbm>>
      %dma_start3A_186 = tpu.memref_squeeze %dma_start3A_185 : memref<1x8x128xi32, #tpu.memory_space<hbm>> -> memref<8x128xi32, #tpu.memory_space<hbm>>
      tpu.enqueue_dma source(%dma_start3A_186 : memref<8x128xi32, #tpu.memory_space<hbm>>) target(%arg11 : memref<8x128xi32, #tpu.memory_space<vmem>>) target_semaphore(%arg18 : memref<!tpu.dma_semaphore, #tpu.memory_space<semaphore_mem>>)
      %dma_start3A_187 = arith.constant 0 : i32
      %dma_start3A_188 = arith.constant 0 : i32
      %dma_start3A_189 = tpu.memref_slice %arg8[%dma_start3A_187, %dma_start3A_188] : memref<8x128xi32, #tpu.memory_space<vmem>> -> memref<1x128xi32, #tpu.memory_space<vmem>>
      %dma_start3A_190 = tpu.memref_squeeze %dma_start3A_189 : memref<1x128xi32, #tpu.memory_space<vmem>> -> memref<128xi32, #tpu.memory_space<vmem>>
      %dma_start3A_191 = arith.constant 0 : i32
      %dma_start3A_192 = arith.constant 0 : i32
      %dma_start3A_193 = tpu.memref_slice %arg2[%dma_start3A_191, %dma_start3A_192] : memref<20000x128xf32, #tpu.memory_space<hbm>> -> memref<20000x128xf32, #tpu.memory_space<hbm>>
      tpu.enqueue_indirect_dma source(%dma_start3A_193 : memref<20000x128xf32, #tpu.memory_space<hbm>>) target(%arg12 : memref<128x128xf32, #tpu.memory_space<vmem>>) offsets(%dma_start3A_190 : memref<128xi32, #tpu.memory_space<vmem>>) semaphore(%arg15 : memref<!tpu.dma_semaphore, #tpu.memory_space<semaphore_mem>>)
      %scan3A_194 = arith.constant 0 : i32
      %scan3A_195 = arith.constant 0 : i32
      %scan3A_196 = arith.constant 4 : i32
      %scan3A_197 = arith.addi %scan3A_195, %scan3A_196 : i32
      %scan3A_198 = arith.constant 1 : i32
      %scan3A_199 = scf.for %scan3A_244 = %scan3A_195 to %scan3A_197 step %scan3A_198 iter_args(%scan3A_245 = %scan3A_194) -> (i32)  : i32 {
        %mul3A_246 = arith.constant 2 : i32
        %mul3A_247 = arith.muli %mul3A_246, %scan3A_244 : i32
        %add3A_248 = arith.constant 1 : i32
        %add3A_249 = arith.addi %mul3A_247, %add3A_248 : i32
        %dma_start3A_250 = arith.constant 0 : i32
        %dma_start3A_251 = tpu.memref_slice %arg8[%add3A_249, %dma_start3A_250] : memref<8x128xi32, #tpu.memory_space<vmem>> -> memref<1x128xi32, #tpu.memory_space<vmem>>
        %dma_start3A_252 = tpu.memref_squeeze %dma_start3A_251 : memref<1x128xi32, #tpu.memory_space<vmem>> -> memref<128xi32, #tpu.memory_space<vmem>>
        %dma_start3A_253 = arith.constant 0 : i32
        %dma_start3A_254 = arith.constant 0 : i32
        %dma_start3A_255 = tpu.memref_slice %arg2[%dma_start3A_253, %dma_start3A_254] : memref<20000x128xf32, #tpu.memory_space<hbm>> -> memref<20000x128xf32, #tpu.memory_space<hbm>>
        tpu.enqueue_indirect_dma source(%dma_start3A_255 : memref<20000x128xf32, #tpu.memory_space<hbm>>) target(%arg13 : memref<128x128xf32, #tpu.memory_space<vmem>>) offsets(%dma_start3A_252 : memref<128xi32, #tpu.memory_space<vmem>>) semaphore(%arg16 : memref<!tpu.dma_semaphore, #tpu.memory_space<semaphore_mem>>)
        %dma_wait3A_256 = arith.constant 0 : i32
        %dma_wait3A_257 = tpu.memref_slice %arg8[%mul3A_247, %dma_wait3A_256] : memref<8x128xi32, #tpu.memory_space<vmem>> -> memref<1x128xi32, #tpu.memory_space<vmem>>
        %dma_wait3A_258 = tpu.memref_squeeze %dma_wait3A_257 : memref<1x128xi32, #tpu.memory_space<vmem>> -> memref<128xi32, #tpu.memory_space<vmem>>
        %dma_wait3A_259 = arith.constant 0 : i32
        %dma_wait3A_260 = arith.constant 0 : i32
        %dma_wait3A_261 = tpu.memref_slice %arg2[%dma_wait3A_259, %dma_wait3A_260] : memref<20000x128xf32, #tpu.memory_space<hbm>> -> memref<20000x128xf32, #tpu.memory_space<hbm>>
        tpu.wait_indirect_dma semaphore(%arg15 : memref<!tpu.dma_semaphore, #tpu.memory_space<semaphore_mem>>) src(%dma_wait3A_261 : memref<20000x128xf32, #tpu.memory_space<hbm>>) dst(%arg12 : memref<128x128xf32, #tpu.memory_space<vmem>>)
        "tpu.region"() ({
          %run_scoped3A = tpu.sem_alloc : memref<!tpu.dma_semaphore, #tpu.memory_space<semaphore_mem>>
          %dma_start3A_278 = arith.constant 0 : i32
          %dma_start3A_279 = tpu.memref_slice %arg9[%mul3A_247, %dma_start3A_278] : memref<8x128xi32, #tpu.memory_space<vmem>> -> memref<1x128xi32, #tpu.memory_space<vmem>>
          %dma_start3A_280 = tpu.memref_squeeze %dma_start3A_279 : memref<1x128xi32, #tpu.memory_space<vmem>> -> memref<128xi32, #tpu.memory_space<vmem>>
          %dma_start3A_281 = arith.constant 0 : i32
          %dma_start3A_282 = arith.constant 0 : i32
          %dma_start3A_283 = tpu.memref_slice %arg14[%dma_start3A_281, %dma_start3A_282] : memref<10240x128xf32, #tpu.memory_space<vmem_shared>> -> memref<10240x128xf32, #tpu.memory_space<vmem_shared>>
          tpu.enqueue_indirect_dma source(%arg12 : memref<128x128xf32, #tpu.memory_space<vmem>>) target(%dma_start3A_283 : memref<10240x128xf32, #tpu.memory_space<vmem_shared>>) offsets(%dma_start3A_280 : memref<128xi32, #tpu.memory_space<vmem>>) semaphore(%run_scoped3A : memref<!tpu.dma_semaphore, #tpu.memory_space<semaphore_mem>>) {add = true}
          %dma_wait3A_284 = arith.constant 0 : i32
          %dma_wait3A_285 = tpu.memref_slice %arg9[%mul3A_247, %dma_wait3A_284] : memref<8x128xi32, #tpu.memory_space<vmem>> -> memref<1x128xi32, #tpu.memory_space<vmem>>
          %dma_wait3A_286 = tpu.memref_squeeze %dma_wait3A_285 : memref<1x128xi32, #tpu.memory_space<vmem>> -> memref<128xi32, #tpu.memory_space<vmem>>
          %dma_wait3A_287 = arith.constant 0 : i32
          %dma_wait3A_288 = arith.constant 0 : i32
          %dma_wait3A_289 = tpu.memref_slice %arg14[%dma_wait3A_287, %dma_wait3A_288] : memref<10240x128xf32, #tpu.memory_space<vmem_shared>> -> memref<10240x128xf32, #tpu.memory_space<vmem_shared>>
          tpu.wait_indirect_dma semaphore(%run_scoped3A : memref<!tpu.dma_semaphore, #tpu.memory_space<semaphore_mem>>) src(%arg12 : memref<128x128xf32, #tpu.memory_space<vmem>>) dst(%dma_wait3A_289 : memref<10240x128xf32, #tpu.memory_space<vmem_shared>>)
          tpu.yield
        }) : () -> ()
        %lt3A_262 = arith.constant 3 : i32
        %lt3A_263 = arith.cmpi slt, %scan3A_244, %lt3A_262 : i32
        %convert_element_type3A_264 = arith.extui %lt3A_263 : i1 to i32
        %cond3A_265 = arith.constant 0 : i32
        %cond3A_266 = arith.cmpi ne, %convert_element_type3A_264, %cond3A_265 : i32
        scf.if %cond3A_266 {
          %add3A_278 = arith.constant 2 : i32
          %add3A_279 = arith.addi %mul3A_247, %add3A_278 : i32
          %dma_start3A_280 = arith.constant 0 : i32
          %dma_start3A_281 = tpu.memref_slice %arg8[%add3A_279, %dma_start3A_280] : memref<8x128xi32, #tpu.memory_space<vmem>> -> memref<1x128xi32, #tpu.memory_space<vmem>>
          %dma_start3A_282 = tpu.memref_squeeze %dma_start3A_281 : memref<1x128xi32, #tpu.memory_space<vmem>> -> memref<128xi32, #tpu.memory_space<vmem>>
          %dma_start3A_283 = arith.constant 0 : i32
          %dma_start3A_284 = arith.constant 0 : i32
          %dma_start3A_285 = tpu.memref_slice %arg2[%dma_start3A_283, %dma_start3A_284] : memref<20000x128xf32, #tpu.memory_space<hbm>> -> memref<20000x128xf32, #tpu.memory_space<hbm>>
          tpu.enqueue_indirect_dma source(%dma_start3A_285 : memref<20000x128xf32, #tpu.memory_space<hbm>>) target(%arg12 : memref<128x128xf32, #tpu.memory_space<vmem>>) offsets(%dma_start3A_282 : memref<128xi32, #tpu.memory_space<vmem>>) semaphore(%arg15 : memref<!tpu.dma_semaphore, #tpu.memory_space<semaphore_mem>>)
        } else {
        }
        %add3A_267 = arith.constant 1 : i32
        %add3A_268 = arith.addi %mul3A_247, %add3A_267 : i32
        %dma_wait3A_269 = arith.constant 0 : i32
        %dma_wait3A_270 = tpu.memref_slice %arg8[%add3A_268, %dma_wait3A_269] : memref<8x128xi32, #tpu.memory_space<vmem>> -> memref<1x128xi32, #tpu.memory_space<vmem>>
        %dma_wait3A_271 = tpu.memref_squeeze %dma_wait3A_270 : memref<1x128xi32, #tpu.memory_space<vmem>> -> memref<128xi32, #tpu.memory_space<vmem>>
        %dma_wait3A_272 = arith.constant 0 : i32
        %dma_wait3A_273 = arith.constant 0 : i32
        %dma_wait3A_274 = tpu.memref_slice %arg2[%dma_wait3A_272, %dma_wait3A_273] : memref<20000x128xf32, #tpu.memory_space<hbm>> -> memref<20000x128xf32, #tpu.memory_space<hbm>>
        tpu.wait_indirect_dma semaphore(%arg16 : memref<!tpu.dma_semaphore, #tpu.memory_space<semaphore_mem>>) src(%dma_wait3A_274 : memref<20000x128xf32, #tpu.memory_space<hbm>>) dst(%arg13 : memref<128x128xf32, #tpu.memory_space<vmem>>)
        %add3A_275 = arith.constant 1 : i32
        %add3A_276 = arith.addi %mul3A_247, %add3A_275 : i32
        "tpu.region"() ({
          %run_scoped3A = tpu.sem_alloc : memref<!tpu.dma_semaphore, #tpu.memory_space<semaphore_mem>>
          %dma_start3A_278 = arith.constant 0 : i32
          %dma_start3A_279 = tpu.memref_slice %arg9[%add3A_276, %dma_start3A_278] : memref<8x128xi32, #tpu.memory_space<vmem>> -> memref<1x128xi32, #tpu.memory_space<vmem>>
          %dma_start3A_280 = tpu.memref_squeeze %dma_start3A_279 : memref<1x128xi32, #tpu.memory_space<vmem>> -> memref<128xi32, #tpu.memory_space<vmem>>
          %dma_start3A_281 = arith.constant 0 : i32
          %dma_start3A_282 = arith.constant 0 : i32
          %dma_start3A_283 = tpu.memref_slice %arg14[%dma_start3A_281, %dma_start3A_282] : memref<10240x128xf32, #tpu.memory_space<vmem_shared>> -> memref<10240x128xf32, #tpu.memory_space<vmem_shared>>
          tpu.enqueue_indirect_dma source(%arg13 : memref<128x128xf32, #tpu.memory_space<vmem>>) target(%dma_start3A_283 : memref<10240x128xf32, #tpu.memory_space<vmem_shared>>) offsets(%dma_start3A_280 : memref<128xi32, #tpu.memory_space<vmem>>) semaphore(%run_scoped3A : memref<!tpu.dma_semaphore, #tpu.memory_space<semaphore_mem>>) {add = true}
          %dma_wait3A_284 = arith.constant 0 : i32
          %dma_wait3A_285 = tpu.memref_slice %arg9[%add3A_276, %dma_wait3A_284] : memref<8x128xi32, #tpu.memory_space<vmem>> -> memref<1x128xi32, #tpu.memory_space<vmem>>
          %dma_wait3A_286 = tpu.memref_squeeze %dma_wait3A_285 : memref<1x128xi32, #tpu.memory_space<vmem>> -> memref<128xi32, #tpu.memory_space<vmem>>
          %dma_wait3A_287 = arith.constant 0 : i32
          %dma_wait3A_288 = arith.constant 0 : i32
          %dma_wait3A_289 = tpu.memref_slice %arg14[%dma_wait3A_287, %dma_wait3A_288] : memref<10240x128xf32, #tpu.memory_space<vmem_shared>> -> memref<10240x128xf32, #tpu.memory_space<vmem_shared>>
          tpu.wait_indirect_dma semaphore(%run_scoped3A : memref<!tpu.dma_semaphore, #tpu.memory_space<semaphore_mem>>) src(%arg13 : memref<128x128xf32, #tpu.memory_space<vmem>>) dst(%dma_wait3A_289 : memref<10240x128xf32, #tpu.memory_space<vmem_shared>>)
          tpu.yield
        }) : () -> ()
        %scan3A_277 = arith.constant 0 : i32
        scf.yield %scan3A_277 : i32
      }
      %scan3A_200 = arith.constant 4 : i32
      %add3A_201 = arith.constant 1 : i32
      %add3A_202 = arith.addi %mul3A_141, %add3A_201 : i32
      %mul3A_203 = arith.constant 10 : i32
      %mul3A_204 = arith.muli %add3A, %mul3A_203 : i32
      %add3A_205 = arith.addi %mul3A_204, %add3A_202 : i32
      %dma_wait3A_206 = arith.constant 0 : i32
      %dma_wait3A_207 = arith.constant 0 : i32
      %dma_wait3A_208 = tpu.memref_slice %arg3[%add3A_205, %dma_wait3A_206, %dma_wait3A_207] : memref<320x8x128xi32, #tpu.memory_space<hbm>> -> memref<1x8x128xi32, #tpu.memory_space<hbm>>
      %dma_wait3A_209 = tpu.memref_squeeze %dma_wait3A_208 : memref<1x8x128xi32, #tpu.memory_space<hbm>> -> memref<8x128xi32, #tpu.memory_space<hbm>>
      %dma_wait3A_210 = arith.constant 0 : i32
      %dma_wait3A_211 = arith.constant 0 : i32
      %dma_wait3A_212 = tpu.memref_slice %arg3[%add3A_205, %dma_wait3A_210, %dma_wait3A_211] : memref<320x8x128xi32, #tpu.memory_space<hbm>> -> memref<1x8x128xi32, #tpu.memory_space<hbm>>
      %dma_wait3A_213 = tpu.memref_squeeze %dma_wait3A_212 : memref<1x8x128xi32, #tpu.memory_space<hbm>> -> memref<8x128xi32, #tpu.memory_space<hbm>>
      tpu.wait_dma2 semaphore(%arg18 : memref<!tpu.dma_semaphore, #tpu.memory_space<semaphore_mem>>) src(%dma_wait3A_213 : memref<8x128xi32, #tpu.memory_space<hbm>>) dst(%arg10 : memref<8x128xi32, #tpu.memory_space<vmem>>)
      %mul3A_214 = arith.constant 10 : i32
      %mul3A_215 = arith.muli %arg1, %mul3A_214 : i32
      %add3A_216 = arith.addi %mul3A_215, %add3A_202 : i32
      %dma_wait3A_217 = arith.constant 0 : i32
      %dma_wait3A_218 = arith.constant 0 : i32
      %dma_wait3A_219 = tpu.memref_slice %arg4[%add3A_216, %dma_wait3A_217, %dma_wait3A_218] : memref<160x8x128xi32, #tpu.memory_space<hbm>> -> memref<1x8x128xi32, #tpu.memory_space<hbm>>
      %dma_wait3A_220 = tpu.memref_squeeze %dma_wait3A_219 : memref<1x8x128xi32, #tpu.memory_space<hbm>> -> memref<8x128xi32, #tpu.memory_space<hbm>>
      %dma_wait3A_221 = arith.constant 0 : i32
      %dma_wait3A_222 = arith.constant 0 : i32
      %dma_wait3A_223 = tpu.memref_slice %arg4[%add3A_216, %dma_wait3A_221, %dma_wait3A_222] : memref<160x8x128xi32, #tpu.memory_space<hbm>> -> memref<1x8x128xi32, #tpu.memory_space<hbm>>
      %dma_wait3A_224 = tpu.memref_squeeze %dma_wait3A_223 : memref<1x8x128xi32, #tpu.memory_space<hbm>> -> memref<8x128xi32, #tpu.memory_space<hbm>>
      tpu.wait_dma2 semaphore(%arg18 : memref<!tpu.dma_semaphore, #tpu.memory_space<semaphore_mem>>) src(%dma_wait3A_224 : memref<8x128xi32, #tpu.memory_space<hbm>>) dst(%arg11 : memref<8x128xi32, #tpu.memory_space<vmem>>)
      %lt3A = arith.constant 4 : i32
      %lt3A_225 = arith.cmpi slt, %scan3A_138, %lt3A : i32
      %convert_element_type3A_226 = arith.extui %lt3A_225 : i1 to i32
      %cond3A_227 = arith.constant 0 : i32
      %cond3A_228 = arith.cmpi ne, %convert_element_type3A_226, %cond3A_227 : i32
      scf.if %cond3A_228 {
        %add3A_244 = arith.constant 2 : i32
        %add3A_245 = arith.addi %mul3A_141, %add3A_244 : i32
        %mul3A_246 = arith.constant 10 : i32
        %mul3A_247 = arith.muli %add3A, %mul3A_246 : i32
        %add3A_248 = arith.addi %mul3A_247, %add3A_245 : i32
        %dma_start3A_249 = arith.constant 0 : i32
        %dma_start3A_250 = arith.constant 0 : i32
        %dma_start3A_251 = tpu.memref_slice %arg3[%add3A_248, %dma_start3A_249, %dma_start3A_250] : memref<320x8x128xi32, #tpu.memory_space<hbm>> -> memref<1x8x128xi32, #tpu.memory_space<hbm>>
        %dma_start3A_252 = tpu.memref_squeeze %dma_start3A_251 : memref<1x8x128xi32, #tpu.memory_space<hbm>> -> memref<8x128xi32, #tpu.memory_space<hbm>>
        %dma_start3A_253 = arith.constant 0 : i32
        %dma_start3A_254 = arith.constant 0 : i32
        %dma_start3A_255 = tpu.memref_slice %arg3[%add3A_248, %dma_start3A_253, %dma_start3A_254] : memref<320x8x128xi32, #tpu.memory_space<hbm>> -> memref<1x8x128xi32, #tpu.memory_space<hbm>>
        %dma_start3A_256 = tpu.memref_squeeze %dma_start3A_255 : memref<1x8x128xi32, #tpu.memory_space<hbm>> -> memref<8x128xi32, #tpu.memory_space<hbm>>
        tpu.enqueue_dma source(%dma_start3A_256 : memref<8x128xi32, #tpu.memory_space<hbm>>) target(%arg8 : memref<8x128xi32, #tpu.memory_space<vmem>>) target_semaphore(%arg17 : memref<!tpu.dma_semaphore, #tpu.memory_space<semaphore_mem>>)
        %mul3A_257 = arith.constant 10 : i32
        %mul3A_258 = arith.muli %arg1, %mul3A_257 : i32
        %add3A_259 = arith.addi %mul3A_258, %add3A_245 : i32
        %dma_start3A_260 = arith.constant 0 : i32
        %dma_start3A_261 = arith.constant 0 : i32
        %dma_start3A_262 = tpu.memref_slice %arg4[%add3A_259, %dma_start3A_260, %dma_start3A_261] : memref<160x8x128xi32, #tpu.memory_space<hbm>> -> memref<1x8x128xi32, #tpu.memory_space<hbm>>
        %dma_start3A_263 = tpu.memref_squeeze %dma_start3A_262 : memref<1x8x128xi32, #tpu.memory_space<hbm>> -> memref<8x128xi32, #tpu.memory_space<hbm>>
        %dma_start3A_264 = arith.constant 0 : i32
        %dma_start3A_265 = arith.constant 0 : i32
        %dma_start3A_266 = tpu.memref_slice %arg4[%add3A_259, %dma_start3A_264, %dma_start3A_265] : memref<160x8x128xi32, #tpu.memory_space<hbm>> -> memref<1x8x128xi32, #tpu.memory_space<hbm>>
        %dma_start3A_267 = tpu.memref_squeeze %dma_start3A_266 : memref<1x8x128xi32, #tpu.memory_space<hbm>> -> memref<8x128xi32, #tpu.memory_space<hbm>>
        tpu.enqueue_dma source(%dma_start3A_267 : memref<8x128xi32, #tpu.memory_space<hbm>>) target(%arg9 : memref<8x128xi32, #tpu.memory_space<vmem>>) target_semaphore(%arg17 : memref<!tpu.dma_semaphore, #tpu.memory_space<semaphore_mem>>)
      } else {
      }
      %dma_start3A_229 = arith.constant 0 : i32
      %dma_start3A_230 = arith.constant 0 : i32
      %dma_start3A_231 = tpu.memref_slice %arg10[%dma_start3A_229, %dma_start3A_230] : memref<8x128xi32, #tpu.memory_space<vmem>> -> memref<1x128xi32, #tpu.memory_space<vmem>>
      %dma_start3A_232 = tpu.memref_squeeze %dma_start3A_231 : memref<1x128xi32, #tpu.memory_space<vmem>> -> memref<128xi32, #tpu.memory_space<vmem>>
      %dma_start3A_233 = arith.constant 0 : i32
      %dma_start3A_234 = arith.constant 0 : i32
      %dma_start3A_235 = tpu.memref_slice %arg2[%dma_start3A_233, %dma_start3A_234] : memref<20000x128xf32, #tpu.memory_space<hbm>> -> memref<20000x128xf32, #tpu.memory_space<hbm>>
      tpu.enqueue_indirect_dma source(%dma_start3A_235 : memref<20000x128xf32, #tpu.memory_space<hbm>>) target(%arg12 : memref<128x128xf32, #tpu.memory_space<vmem>>) offsets(%dma_start3A_232 : memref<128xi32, #tpu.memory_space<vmem>>) semaphore(%arg15 : memref<!tpu.dma_semaphore, #tpu.memory_space<semaphore_mem>>)
      %scan3A_236 = arith.constant 0 : i32
      %scan3A_237 = arith.constant 0 : i32
      %scan3A_238 = arith.constant 4 : i32
      %scan3A_239 = arith.addi %scan3A_237, %scan3A_238 : i32
      %scan3A_240 = arith.constant 1 : i32
      %scan3A_241 = scf.for %scan3A_244 = %scan3A_237 to %scan3A_239 step %scan3A_240 iter_args(%scan3A_245 = %scan3A_236) -> (i32)  : i32 {
        %mul3A_246 = arith.constant 2 : i32
        %mul3A_247 = arith.muli %mul3A_246, %scan3A_244 : i32
        %add3A_248 = arith.constant 1 : i32
        %add3A_249 = arith.addi %mul3A_247, %add3A_248 : i32
        %dma_start3A_250 = arith.constant 0 : i32
        %dma_start3A_251 = tpu.memref_slice %arg10[%add3A_249, %dma_start3A_250] : memref<8x128xi32, #tpu.memory_space<vmem>> -> memref<1x128xi32, #tpu.memory_space<vmem>>
        %dma_start3A_252 = tpu.memref_squeeze %dma_start3A_251 : memref<1x128xi32, #tpu.memory_space<vmem>> -> memref<128xi32, #tpu.memory_space<vmem>>
        %dma_start3A_253 = arith.constant 0 : i32
        %dma_start3A_254 = arith.constant 0 : i32
        %dma_start3A_255 = tpu.memref_slice %arg2[%dma_start3A_253, %dma_start3A_254] : memref<20000x128xf32, #tpu.memory_space<hbm>> -> memref<20000x128xf32, #tpu.memory_space<hbm>>
        tpu.enqueue_indirect_dma source(%dma_start3A_255 : memref<20000x128xf32, #tpu.memory_space<hbm>>) target(%arg13 : memref<128x128xf32, #tpu.memory_space<vmem>>) offsets(%dma_start3A_252 : memref<128xi32, #tpu.memory_space<vmem>>) semaphore(%arg16 : memref<!tpu.dma_semaphore, #tpu.memory_space<semaphore_mem>>)
        %dma_wait3A_256 = arith.constant 0 : i32
        %dma_wait3A_257 = tpu.memref_slice %arg10[%mul3A_247, %dma_wait3A_256] : memref<8x128xi32, #tpu.memory_space<vmem>> -> memref<1x128xi32, #tpu.memory_space<vmem>>
        %dma_wait3A_258 = tpu.memref_squeeze %dma_wait3A_257 : memref<1x128xi32, #tpu.memory_space<vmem>> -> memref<128xi32, #tpu.memory_space<vmem>>
        %dma_wait3A_259 = arith.constant 0 : i32
        %dma_wait3A_260 = arith.constant 0 : i32
        %dma_wait3A_261 = tpu.memref_slice %arg2[%dma_wait3A_259, %dma_wait3A_260] : memref<20000x128xf32, #tpu.memory_space<hbm>> -> memref<20000x128xf32, #tpu.memory_space<hbm>>
        tpu.wait_indirect_dma semaphore(%arg15 : memref<!tpu.dma_semaphore, #tpu.memory_space<semaphore_mem>>) src(%dma_wait3A_261 : memref<20000x128xf32, #tpu.memory_space<hbm>>) dst(%arg12 : memref<128x128xf32, #tpu.memory_space<vmem>>)
        "tpu.region"() ({
          %run_scoped3A = tpu.sem_alloc : memref<!tpu.dma_semaphore, #tpu.memory_space<semaphore_mem>>
          %dma_start3A_278 = arith.constant 0 : i32
          %dma_start3A_279 = tpu.memref_slice %arg11[%mul3A_247, %dma_start3A_278] : memref<8x128xi32, #tpu.memory_space<vmem>> -> memref<1x128xi32, #tpu.memory_space<vmem>>
          %dma_start3A_280 = tpu.memref_squeeze %dma_start3A_279 : memref<1x128xi32, #tpu.memory_space<vmem>> -> memref<128xi32, #tpu.memory_space<vmem>>
          %dma_start3A_281 = arith.constant 0 : i32
          %dma_start3A_282 = arith.constant 0 : i32
          %dma_start3A_283 = tpu.memref_slice %arg14[%dma_start3A_281, %dma_start3A_282] : memref<10240x128xf32, #tpu.memory_space<vmem_shared>> -> memref<10240x128xf32, #tpu.memory_space<vmem_shared>>
          tpu.enqueue_indirect_dma source(%arg12 : memref<128x128xf32, #tpu.memory_space<vmem>>) target(%dma_start3A_283 : memref<10240x128xf32, #tpu.memory_space<vmem_shared>>) offsets(%dma_start3A_280 : memref<128xi32, #tpu.memory_space<vmem>>) semaphore(%run_scoped3A : memref<!tpu.dma_semaphore, #tpu.memory_space<semaphore_mem>>) {add = true}
          %dma_wait3A_284 = arith.constant 0 : i32
          %dma_wait3A_285 = tpu.memref_slice %arg11[%mul3A_247, %dma_wait3A_284] : memref<8x128xi32, #tpu.memory_space<vmem>> -> memref<1x128xi32, #tpu.memory_space<vmem>>
          %dma_wait3A_286 = tpu.memref_squeeze %dma_wait3A_285 : memref<1x128xi32, #tpu.memory_space<vmem>> -> memref<128xi32, #tpu.memory_space<vmem>>
          %dma_wait3A_287 = arith.constant 0 : i32
          %dma_wait3A_288 = arith.constant 0 : i32
          %dma_wait3A_289 = tpu.memref_slice %arg14[%dma_wait3A_287, %dma_wait3A_288] : memref<10240x128xf32, #tpu.memory_space<vmem_shared>> -> memref<10240x128xf32, #tpu.memory_space<vmem_shared>>
          tpu.wait_indirect_dma semaphore(%run_scoped3A : memref<!tpu.dma_semaphore, #tpu.memory_space<semaphore_mem>>) src(%arg12 : memref<128x128xf32, #tpu.memory_space<vmem>>) dst(%dma_wait3A_289 : memref<10240x128xf32, #tpu.memory_space<vmem_shared>>)
          tpu.yield
        }) : () -> ()
        %lt3A_262 = arith.constant 3 : i32
        %lt3A_263 = arith.cmpi slt, %scan3A_244, %lt3A_262 : i32
        %convert_element_type3A_264 = arith.extui %lt3A_263 : i1 to i32
        %cond3A_265 = arith.constant 0 : i32
        %cond3A_266 = arith.cmpi ne, %convert_element_type3A_264, %cond3A_265 : i32
        scf.if %cond3A_266 {
          %add3A_278 = arith.constant 2 : i32
          %add3A_279 = arith.addi %mul3A_247, %add3A_278 : i32
          %dma_start3A_280 = arith.constant 0 : i32
          %dma_start3A_281 = tpu.memref_slice %arg10[%add3A_279, %dma_start3A_280] : memref<8x128xi32, #tpu.memory_space<vmem>> -> memref<1x128xi32, #tpu.memory_space<vmem>>
          %dma_start3A_282 = tpu.memref_squeeze %dma_start3A_281 : memref<1x128xi32, #tpu.memory_space<vmem>> -> memref<128xi32, #tpu.memory_space<vmem>>
          %dma_start3A_283 = arith.constant 0 : i32
          %dma_start3A_284 = arith.constant 0 : i32
          %dma_start3A_285 = tpu.memref_slice %arg2[%dma_start3A_283, %dma_start3A_284] : memref<20000x128xf32, #tpu.memory_space<hbm>> -> memref<20000x128xf32, #tpu.memory_space<hbm>>
          tpu.enqueue_indirect_dma source(%dma_start3A_285 : memref<20000x128xf32, #tpu.memory_space<hbm>>) target(%arg12 : memref<128x128xf32, #tpu.memory_space<vmem>>) offsets(%dma_start3A_282 : memref<128xi32, #tpu.memory_space<vmem>>) semaphore(%arg15 : memref<!tpu.dma_semaphore, #tpu.memory_space<semaphore_mem>>)
        } else {
        }
        %add3A_267 = arith.constant 1 : i32
        %add3A_268 = arith.addi %mul3A_247, %add3A_267 : i32
        %dma_wait3A_269 = arith.constant 0 : i32
        %dma_wait3A_270 = tpu.memref_slice %arg10[%add3A_268, %dma_wait3A_269] : memref<8x128xi32, #tpu.memory_space<vmem>> -> memref<1x128xi32, #tpu.memory_space<vmem>>
        %dma_wait3A_271 = tpu.memref_squeeze %dma_wait3A_270 : memref<1x128xi32, #tpu.memory_space<vmem>> -> memref<128xi32, #tpu.memory_space<vmem>>
        %dma_wait3A_272 = arith.constant 0 : i32
        %dma_wait3A_273 = arith.constant 0 : i32
        %dma_wait3A_274 = tpu.memref_slice %arg2[%dma_wait3A_272, %dma_wait3A_273] : memref<20000x128xf32, #tpu.memory_space<hbm>> -> memref<20000x128xf32, #tpu.memory_space<hbm>>
        tpu.wait_indirect_dma semaphore(%arg16 : memref<!tpu.dma_semaphore, #tpu.memory_space<semaphore_mem>>) src(%dma_wait3A_274 : memref<20000x128xf32, #tpu.memory_space<hbm>>) dst(%arg13 : memref<128x128xf32, #tpu.memory_space<vmem>>)
        %add3A_275 = arith.constant 1 : i32
        %add3A_276 = arith.addi %mul3A_247, %add3A_275 : i32
        "tpu.region"() ({
          %run_scoped3A = tpu.sem_alloc : memref<!tpu.dma_semaphore, #tpu.memory_space<semaphore_mem>>
          %dma_start3A_278 = arith.constant 0 : i32
          %dma_start3A_279 = tpu.memref_slice %arg11[%add3A_276, %dma_start3A_278] : memref<8x128xi32, #tpu.memory_space<vmem>> -> memref<1x128xi32, #tpu.memory_space<vmem>>
          %dma_start3A_280 = tpu.memref_squeeze %dma_start3A_279 : memref<1x128xi32, #tpu.memory_space<vmem>> -> memref<128xi32, #tpu.memory_space<vmem>>
          %dma_start3A_281 = arith.constant 0 : i32
          %dma_start3A_282 = arith.constant 0 : i32
          %dma_start3A_283 = tpu.memref_slice %arg14[%dma_start3A_281, %dma_start3A_282] : memref<10240x128xf32, #tpu.memory_space<vmem_shared>> -> memref<10240x128xf32, #tpu.memory_space<vmem_shared>>
          tpu.enqueue_indirect_dma source(%arg13 : memref<128x128xf32, #tpu.memory_space<vmem>>) target(%dma_start3A_283 : memref<10240x128xf32, #tpu.memory_space<vmem_shared>>) offsets(%dma_start3A_280 : memref<128xi32, #tpu.memory_space<vmem>>) semaphore(%run_scoped3A : memref<!tpu.dma_semaphore, #tpu.memory_space<semaphore_mem>>) {add = true}
          %dma_wait3A_284 = arith.constant 0 : i32
          %dma_wait3A_285 = tpu.memref_slice %arg11[%add3A_276, %dma_wait3A_284] : memref<8x128xi32, #tpu.memory_space<vmem>> -> memref<1x128xi32, #tpu.memory_space<vmem>>
          %dma_wait3A_286 = tpu.memref_squeeze %dma_wait3A_285 : memref<1x128xi32, #tpu.memory_space<vmem>> -> memref<128xi32, #tpu.memory_space<vmem>>
          %dma_wait3A_287 = arith.constant 0 : i32
          %dma_wait3A_288 = arith.constant 0 : i32
          %dma_wait3A_289 = tpu.memref_slice %arg14[%dma_wait3A_287, %dma_wait3A_288] : memref<10240x128xf32, #tpu.memory_space<vmem_shared>> -> memref<10240x128xf32, #tpu.memory_space<vmem_shared>>
          tpu.wait_indirect_dma semaphore(%run_scoped3A : memref<!tpu.dma_semaphore, #tpu.memory_space<semaphore_mem>>) src(%arg13 : memref<128x128xf32, #tpu.memory_space<vmem>>) dst(%dma_wait3A_289 : memref<10240x128xf32, #tpu.memory_space<vmem_shared>>)
          tpu.yield
        }) : () -> ()
        %scan3A_277 = arith.constant 0 : i32
        scf.yield %scan3A_277 : i32
      }
      %scan3A_242 = arith.constant 4 : i32
      %scan3A_243 = arith.constant 0 : i32
      scf.yield %scan3A_243 : i32
    }
    %scan3A_59 = arith.constant 5 : i32
    %barrier3A_60 = arith.constant 0 : index
    tpu.barrier barrier_id(%barrier3A_60)
    %mul3A_61 = arith.constant 5 : i32
    %mul3A_62 = arith.muli %arg1, %mul3A_61 : i32
    %add3A_63 = arith.constant 0 : i32
    %add3A_64 = arith.addi %mul3A_62, %add3A_63 : i32
    %mul3A_65 = arith.constant 128 : i32
    %mul3A_66 = arith.muli %add3A_64, %mul3A_65 : i32
    "tpu.region"() ({
      %run_scoped3A = tpu.sem_alloc : memref<!tpu.dma_semaphore, #tpu.memory_space<semaphore_mem>>
      %dma_start3A_138 = arith.constant 0 : i32
      %dma_start3A_139 = tpu.memref_slice %arg14[%mul3A_66, %dma_start3A_138] : memref<10240x128xf32, #tpu.memory_space<vmem_shared>> -> memref<128x128xf32, #tpu.memory_space<vmem_shared>>
      %dma_start3A_140 = arith.constant 0 : i32
      %dma_start3A_141 = tpu.memref_slice %arg14[%mul3A_66, %dma_start3A_140] : memref<10240x128xf32, #tpu.memory_space<vmem_shared>> -> memref<128x128xf32, #tpu.memory_space<vmem_shared>>
      tpu.enqueue_dma source(%dma_start3A_141 : memref<128x128xf32, #tpu.memory_space<vmem_shared>>) target(%arg12 : memref<128x128xf32, #tpu.memory_space<vmem>>) target_semaphore(%run_scoped3A : memref<!tpu.dma_semaphore, #tpu.memory_space<semaphore_mem>>)
      %dma_wait3A = arith.constant 0 : i32
      %dma_wait3A_142 = tpu.memref_slice %arg14[%mul3A_66, %dma_wait3A] : memref<10240x128xf32, #tpu.memory_space<vmem_shared>> -> memref<128x128xf32, #tpu.memory_space<vmem_shared>>
      %dma_wait3A_143 = arith.constant 0 : i32
      %dma_wait3A_144 = tpu.memref_slice %arg14[%mul3A_66, %dma_wait3A_143] : memref<10240x128xf32, #tpu.memory_space<vmem_shared>> -> memref<128x128xf32, #tpu.memory_space<vmem_shared>>
      tpu.wait_dma2 semaphore(%run_scoped3A : memref<!tpu.dma_semaphore, #tpu.memory_space<semaphore_mem>>) src(%dma_wait3A_144 : memref<128x128xf32, #tpu.memory_space<vmem_shared>>) dst(%arg12 : memref<128x128xf32, #tpu.memory_space<vmem>>)
      tpu.yield
    }) : () -> ()
    %eq3A = arith.constant 0 : i32
    %eq3A_67 = arith.cmpi eq, %arg0, %eq3A : i32
    %convert_element_type3A = arith.extui %eq3A_67 : i1 to i32
    %cond3A = arith.constant 0 : i32
    %cond3A_68 = arith.cmpi ne, %convert_element_type3A, %cond3A : i32
    scf.if %cond3A_68 {
      "tpu.region"() ({
        %run_scoped3A = tpu.sem_alloc : memref<!tpu.dma_semaphore, #tpu.memory_space<semaphore_mem>>
        %dma_start3A_138 = arith.constant 0 : i32
        %dma_start3A_139 = tpu.memref_slice %arg6[%mul3A_66, %dma_start3A_138] : memref<10240x128xf32, #tpu.memory_space<hbm>> -> memref<128x128xf32, #tpu.memory_space<hbm>>
        %dma_start3A_140 = arith.constant 0 : i32
        %dma_start3A_141 = tpu.memref_slice %arg6[%mul3A_66, %dma_start3A_140] : memref<10240x128xf32, #tpu.memory_space<hbm>> -> memref<128x128xf32, #tpu.memory_space<hbm>>
        tpu.enqueue_dma source(%arg12 : memref<128x128xf32, #tpu.memory_space<vmem>>) target(%dma_start3A_141 : memref<128x128xf32, #tpu.memory_space<hbm>>) target_semaphore(%run_scoped3A : memref<!tpu.dma_semaphore, #tpu.memory_space<semaphore_mem>>)
        %dma_wait3A = arith.constant 0 : i32
        %dma_wait3A_142 = tpu.memref_slice %arg6[%mul3A_66, %dma_wait3A] : memref<10240x128xf32, #tpu.memory_space<hbm>> -> memref<128x128xf32, #tpu.memory_space<hbm>>
        %dma_wait3A_143 = arith.constant 0 : i32
        %dma_wait3A_144 = tpu.memref_slice %arg6[%mul3A_66, %dma_wait3A_143] : memref<10240x128xf32, #tpu.memory_space<hbm>> -> memref<128x128xf32, #tpu.memory_space<hbm>>
        tpu.wait_dma2 semaphore(%run_scoped3A : memref<!tpu.dma_semaphore, #tpu.memory_space<semaphore_mem>>) src(%arg12 : memref<128x128xf32, #tpu.memory_space<vmem>>) dst(%dma_wait3A_144 : memref<128x128xf32, #tpu.memory_space<hbm>>)
        tpu.yield
      }) : () -> ()
    } else {
    }
    %eq3A_69 = arith.constant 1 : i32
    %eq3A_70 = arith.cmpi eq, %arg0, %eq3A_69 : i32
    %convert_element_type3A_71 = arith.extui %eq3A_70 : i1 to i32
    %cond3A_72 = arith.constant 0 : i32
    %cond3A_73 = arith.cmpi ne, %convert_element_type3A_71, %cond3A_72 : i32
    scf.if %cond3A_73 {
      "tpu.region"() ({
        %run_scoped3A = tpu.sem_alloc : memref<!tpu.dma_semaphore, #tpu.memory_space<semaphore_mem>>
        %dma_start3A_138 = arith.constant 0 : i32
        %dma_start3A_139 = tpu.memref_slice %arg7[%mul3A_66, %dma_start3A_138] : memref<10240x128xf32, #tpu.memory_space<hbm>> -> memref<128x128xf32, #tpu.memory_space<hbm>>
        %dma_start3A_140 = arith.constant 0 : i32
        %dma_start3A_141 = tpu.memref_slice %arg7[%mul3A_66, %dma_start3A_140] : memref<10240x128xf32, #tpu.memory_space<hbm>> -> memref<128x128xf32, #tpu.memory_space<hbm>>
        tpu.enqueue_dma source(%arg12 : memref<128x128xf32, #tpu.memory_space<vmem>>) target(%dma_start3A_141 : memref<128x128xf32, #tpu.memory_space<hbm>>) target_semaphore(%run_scoped3A : memref<!tpu.dma_semaphore, #tpu.memory_space<semaphore_mem>>)
        %dma_wait3A = arith.constant 0 : i32
        %dma_wait3A_142 = tpu.memref_slice %arg7[%mul3A_66, %dma_wait3A] : memref<10240x128xf32, #tpu.memory_space<hbm>> -> memref<128x128xf32, #tpu.memory_space<hbm>>
        %dma_wait3A_143 = arith.constant 0 : i32
        %dma_wait3A_144 = tpu.memref_slice %arg7[%mul3A_66, %dma_wait3A_143] : memref<10240x128xf32, #tpu.memory_space<hbm>> -> memref<128x128xf32, #tpu.memory_space<hbm>>
        tpu.wait_dma2 semaphore(%run_scoped3A : memref<!tpu.dma_semaphore, #tpu.memory_space<semaphore_mem>>) src(%arg12 : memref<128x128xf32, #tpu.memory_space<vmem>>) dst(%dma_wait3A_144 : memref<128x128xf32, #tpu.memory_space<hbm>>)
        tpu.yield
      }) : () -> ()
    } else {
    }
    %mul3A_74 = arith.constant 5 : i32
    %mul3A_75 = arith.muli %arg1, %mul3A_74 : i32
    %add3A_76 = arith.constant 1 : i32
    %add3A_77 = arith.addi %mul3A_75, %add3A_76 : i32
    %mul3A_78 = arith.constant 128 : i32
    %mul3A_79 = arith.muli %add3A_77, %mul3A_78 : i32
    "tpu.region"() ({
      %run_scoped3A = tpu.sem_alloc : memref<!tpu.dma_semaphore, #tpu.memory_space<semaphore_mem>>
      %dma_start3A_138 = arith.constant 0 : i32
      %dma_start3A_139 = tpu.memref_slice %arg14[%mul3A_79, %dma_start3A_138] : memref<10240x128xf32, #tpu.memory_space<vmem_shared>> -> memref<128x128xf32, #tpu.memory_space<vmem_shared>>
      %dma_start3A_140 = arith.constant 0 : i32
      %dma_start3A_141 = tpu.memref_slice %arg14[%mul3A_79, %dma_start3A_140] : memref<10240x128xf32, #tpu.memory_space<vmem_shared>> -> memref<128x128xf32, #tpu.memory_space<vmem_shared>>
      tpu.enqueue_dma source(%dma_start3A_141 : memref<128x128xf32, #tpu.memory_space<vmem_shared>>) target(%arg12 : memref<128x128xf32, #tpu.memory_space<vmem>>) target_semaphore(%run_scoped3A : memref<!tpu.dma_semaphore, #tpu.memory_space<semaphore_mem>>)
      %dma_wait3A = arith.constant 0 : i32
      %dma_wait3A_142 = tpu.memref_slice %arg14[%mul3A_79, %dma_wait3A] : memref<10240x128xf32, #tpu.memory_space<vmem_shared>> -> memref<128x128xf32, #tpu.memory_space<vmem_shared>>
      %dma_wait3A_143 = arith.constant 0 : i32
      %dma_wait3A_144 = tpu.memref_slice %arg14[%mul3A_79, %dma_wait3A_143] : memref<10240x128xf32, #tpu.memory_space<vmem_shared>> -> memref<128x128xf32, #tpu.memory_space<vmem_shared>>
      tpu.wait_dma2 semaphore(%run_scoped3A : memref<!tpu.dma_semaphore, #tpu.memory_space<semaphore_mem>>) src(%dma_wait3A_144 : memref<128x128xf32, #tpu.memory_space<vmem_shared>>) dst(%arg12 : memref<128x128xf32, #tpu.memory_space<vmem>>)
      tpu.yield
    }) : () -> ()
    %eq3A_80 = arith.constant 0 : i32
    %eq3A_81 = arith.cmpi eq, %arg0, %eq3A_80 : i32
    %convert_element_type3A_82 = arith.extui %eq3A_81 : i1 to i32
    %cond3A_83 = arith.constant 0 : i32
    %cond3A_84 = arith.cmpi ne, %convert_element_type3A_82, %cond3A_83 : i32
    scf.if %cond3A_84 {
      "tpu.region"() ({
        %run_scoped3A = tpu.sem_alloc : memref<!tpu.dma_semaphore, #tpu.memory_space<semaphore_mem>>
        %dma_start3A_138 = arith.constant 0 : i32
        %dma_start3A_139 = tpu.memref_slice %arg6[%mul3A_79, %dma_start3A_138] : memref<10240x128xf32, #tpu.memory_space<hbm>> -> memref<128x128xf32, #tpu.memory_space<hbm>>
        %dma_start3A_140 = arith.constant 0 : i32
        %dma_start3A_141 = tpu.memref_slice %arg6[%mul3A_79, %dma_start3A_140] : memref<10240x128xf32, #tpu.memory_space<hbm>> -> memref<128x128xf32, #tpu.memory_space<hbm>>
        tpu.enqueue_dma source(%arg12 : memref<128x128xf32, #tpu.memory_space<vmem>>) target(%dma_start3A_141 : memref<128x128xf32, #tpu.memory_space<hbm>>) target_semaphore(%run_scoped3A : memref<!tpu.dma_semaphore, #tpu.memory_space<semaphore_mem>>)
        %dma_wait3A = arith.constant 0 : i32
        %dma_wait3A_142 = tpu.memref_slice %arg6[%mul3A_79, %dma_wait3A] : memref<10240x128xf32, #tpu.memory_space<hbm>> -> memref<128x128xf32, #tpu.memory_space<hbm>>
        %dma_wait3A_143 = arith.constant 0 : i32
        %dma_wait3A_144 = tpu.memref_slice %arg6[%mul3A_79, %dma_wait3A_143] : memref<10240x128xf32, #tpu.memory_space<hbm>> -> memref<128x128xf32, #tpu.memory_space<hbm>>
        tpu.wait_dma2 semaphore(%run_scoped3A : memref<!tpu.dma_semaphore, #tpu.memory_space<semaphore_mem>>) src(%arg12 : memref<128x128xf32, #tpu.memory_space<vmem>>) dst(%dma_wait3A_144 : memref<128x128xf32, #tpu.memory_space<hbm>>)
        tpu.yield
      }) : () -> ()
    } else {
    }
    %eq3A_85 = arith.constant 1 : i32
    %eq3A_86 = arith.cmpi eq, %arg0, %eq3A_85 : i32
    %convert_element_type3A_87 = arith.extui %eq3A_86 : i1 to i32
    %cond3A_88 = arith.constant 0 : i32
    %cond3A_89 = arith.cmpi ne, %convert_element_type3A_87, %cond3A_88 : i32
    scf.if %cond3A_89 {
      "tpu.region"() ({
        %run_scoped3A = tpu.sem_alloc : memref<!tpu.dma_semaphore, #tpu.memory_space<semaphore_mem>>
        %dma_start3A_138 = arith.constant 0 : i32
        %dma_start3A_139 = tpu.memref_slice %arg7[%mul3A_79, %dma_start3A_138] : memref<10240x128xf32, #tpu.memory_space<hbm>> -> memref<128x128xf32, #tpu.memory_space<hbm>>
        %dma_start3A_140 = arith.constant 0 : i32
        %dma_start3A_141 = tpu.memref_slice %arg7[%mul3A_79, %dma_start3A_140] : memref<10240x128xf32, #tpu.memory_space<hbm>> -> memref<128x128xf32, #tpu.memory_space<hbm>>
        tpu.enqueue_dma source(%arg12 : memref<128x128xf32, #tpu.memory_space<vmem>>) target(%dma_start3A_141 : memref<128x128xf32, #tpu.memory_space<hbm>>) target_semaphore(%run_scoped3A : memref<!tpu.dma_semaphore, #tpu.memory_space<semaphore_mem>>)
        %dma_wait3A = arith.constant 0 : i32
        %dma_wait3A_142 = tpu.memref_slice %arg7[%mul3A_79, %dma_wait3A] : memref<10240x128xf32, #tpu.memory_space<hbm>> -> memref<128x128xf32, #tpu.memory_space<hbm>>
        %dma_wait3A_143 = arith.constant 0 : i32
        %dma_wait3A_144 = tpu.memref_slice %arg7[%mul3A_79, %dma_wait3A_143] : memref<10240x128xf32, #tpu.memory_space<hbm>> -> memref<128x128xf32, #tpu.memory_space<hbm>>
        tpu.wait_dma2 semaphore(%run_scoped3A : memref<!tpu.dma_semaphore, #tpu.memory_space<semaphore_mem>>) src(%arg12 : memref<128x128xf32, #tpu.memory_space<vmem>>) dst(%dma_wait3A_144 : memref<128x128xf32, #tpu.memory_space<hbm>>)
        tpu.yield
      }) : () -> ()
    } else {
    }
    %mul3A_90 = arith.constant 5 : i32
    %mul3A_91 = arith.muli %arg1, %mul3A_90 : i32
    %add3A_92 = arith.constant 2 : i32
    %add3A_93 = arith.addi %mul3A_91, %add3A_92 : i32
    %mul3A_94 = arith.constant 128 : i32
    %mul3A_95 = arith.muli %add3A_93, %mul3A_94 : i32
    "tpu.region"() ({
      %run_scoped3A = tpu.sem_alloc : memref<!tpu.dma_semaphore, #tpu.memory_space<semaphore_mem>>
      %dma_start3A_138 = arith.constant 0 : i32
      %dma_start3A_139 = tpu.memref_slice %arg14[%mul3A_95, %dma_start3A_138] : memref<10240x128xf32, #tpu.memory_space<vmem_shared>> -> memref<128x128xf32, #tpu.memory_space<vmem_shared>>
      %dma_start3A_140 = arith.constant 0 : i32
      %dma_start3A_141 = tpu.memref_slice %arg14[%mul3A_95, %dma_start3A_140] : memref<10240x128xf32, #tpu.memory_space<vmem_shared>> -> memref<128x128xf32, #tpu.memory_space<vmem_shared>>
      tpu.enqueue_dma source(%dma_start3A_141 : memref<128x128xf32, #tpu.memory_space<vmem_shared>>) target(%arg12 : memref<128x128xf32, #tpu.memory_space<vmem>>) target_semaphore(%run_scoped3A : memref<!tpu.dma_semaphore, #tpu.memory_space<semaphore_mem>>)
      %dma_wait3A = arith.constant 0 : i32
      %dma_wait3A_142 = tpu.memref_slice %arg14[%mul3A_95, %dma_wait3A] : memref<10240x128xf32, #tpu.memory_space<vmem_shared>> -> memref<128x128xf32, #tpu.memory_space<vmem_shared>>
      %dma_wait3A_143 = arith.constant 0 : i32
      %dma_wait3A_144 = tpu.memref_slice %arg14[%mul3A_95, %dma_wait3A_143] : memref<10240x128xf32, #tpu.memory_space<vmem_shared>> -> memref<128x128xf32, #tpu.memory_space<vmem_shared>>
      tpu.wait_dma2 semaphore(%run_scoped3A : memref<!tpu.dma_semaphore, #tpu.memory_space<semaphore_mem>>) src(%dma_wait3A_144 : memref<128x128xf32, #tpu.memory_space<vmem_shared>>) dst(%arg12 : memref<128x128xf32, #tpu.memory_space<vmem>>)
      tpu.yield
    }) : () -> ()
    %eq3A_96 = arith.constant 0 : i32
    %eq3A_97 = arith.cmpi eq, %arg0, %eq3A_96 : i32
    %convert_element_type3A_98 = arith.extui %eq3A_97 : i1 to i32
    %cond3A_99 = arith.constant 0 : i32
    %cond3A_100 = arith.cmpi ne, %convert_element_type3A_98, %cond3A_99 : i32
    scf.if %cond3A_100 {
      "tpu.region"() ({
        %run_scoped3A = tpu.sem_alloc : memref<!tpu.dma_semaphore, #tpu.memory_space<semaphore_mem>>
        %dma_start3A_138 = arith.constant 0 : i32
        %dma_start3A_139 = tpu.memref_slice %arg6[%mul3A_95, %dma_start3A_138] : memref<10240x128xf32, #tpu.memory_space<hbm>> -> memref<128x128xf32, #tpu.memory_space<hbm>>
        %dma_start3A_140 = arith.constant 0 : i32
        %dma_start3A_141 = tpu.memref_slice %arg6[%mul3A_95, %dma_start3A_140] : memref<10240x128xf32, #tpu.memory_space<hbm>> -> memref<128x128xf32, #tpu.memory_space<hbm>>
        tpu.enqueue_dma source(%arg12 : memref<128x128xf32, #tpu.memory_space<vmem>>) target(%dma_start3A_141 : memref<128x128xf32, #tpu.memory_space<hbm>>) target_semaphore(%run_scoped3A : memref<!tpu.dma_semaphore, #tpu.memory_space<semaphore_mem>>)
        %dma_wait3A = arith.constant 0 : i32
        %dma_wait3A_142 = tpu.memref_slice %arg6[%mul3A_95, %dma_wait3A] : memref<10240x128xf32, #tpu.memory_space<hbm>> -> memref<128x128xf32, #tpu.memory_space<hbm>>
        %dma_wait3A_143 = arith.constant 0 : i32
        %dma_wait3A_144 = tpu.memref_slice %arg6[%mul3A_95, %dma_wait3A_143] : memref<10240x128xf32, #tpu.memory_space<hbm>> -> memref<128x128xf32, #tpu.memory_space<hbm>>
        tpu.wait_dma2 semaphore(%run_scoped3A : memref<!tpu.dma_semaphore, #tpu.memory_space<semaphore_mem>>) src(%arg12 : memref<128x128xf32, #tpu.memory_space<vmem>>) dst(%dma_wait3A_144 : memref<128x128xf32, #tpu.memory_space<hbm>>)
        tpu.yield
      }) : () -> ()
    } else {
    }
    %eq3A_101 = arith.constant 1 : i32
    %eq3A_102 = arith.cmpi eq, %arg0, %eq3A_101 : i32
    %convert_element_type3A_103 = arith.extui %eq3A_102 : i1 to i32
    %cond3A_104 = arith.constant 0 : i32
    %cond3A_105 = arith.cmpi ne, %convert_element_type3A_103, %cond3A_104 : i32
    scf.if %cond3A_105 {
      "tpu.region"() ({
        %run_scoped3A = tpu.sem_alloc : memref<!tpu.dma_semaphore, #tpu.memory_space<semaphore_mem>>
        %dma_start3A_138 = arith.constant 0 : i32
        %dma_start3A_139 = tpu.memref_slice %arg7[%mul3A_95, %dma_start3A_138] : memref<10240x128xf32, #tpu.memory_space<hbm>> -> memref<128x128xf32, #tpu.memory_space<hbm>>
        %dma_start3A_140 = arith.constant 0 : i32
        %dma_start3A_141 = tpu.memref_slice %arg7[%mul3A_95, %dma_start3A_140] : memref<10240x128xf32, #tpu.memory_space<hbm>> -> memref<128x128xf32, #tpu.memory_space<hbm>>
        tpu.enqueue_dma source(%arg12 : memref<128x128xf32, #tpu.memory_space<vmem>>) target(%dma_start3A_141 : memref<128x128xf32, #tpu.memory_space<hbm>>) target_semaphore(%run_scoped3A : memref<!tpu.dma_semaphore, #tpu.memory_space<semaphore_mem>>)
        %dma_wait3A = arith.constant 0 : i32
        %dma_wait3A_142 = tpu.memref_slice %arg7[%mul3A_95, %dma_wait3A] : memref<10240x128xf32, #tpu.memory_space<hbm>> -> memref<128x128xf32, #tpu.memory_space<hbm>>
        %dma_wait3A_143 = arith.constant 0 : i32
        %dma_wait3A_144 = tpu.memref_slice %arg7[%mul3A_95, %dma_wait3A_143] : memref<10240x128xf32, #tpu.memory_space<hbm>> -> memref<128x128xf32, #tpu.memory_space<hbm>>
        tpu.wait_dma2 semaphore(%run_scoped3A : memref<!tpu.dma_semaphore, #tpu.memory_space<semaphore_mem>>) src(%arg12 : memref<128x128xf32, #tpu.memory_space<vmem>>) dst(%dma_wait3A_144 : memref<128x128xf32, #tpu.memory_space<hbm>>)
        tpu.yield
      }) : () -> ()
    } else {
    }
    %mul3A_106 = arith.constant 5 : i32
    %mul3A_107 = arith.muli %arg1, %mul3A_106 : i32
    %add3A_108 = arith.constant 3 : i32
    %add3A_109 = arith.addi %mul3A_107, %add3A_108 : i32
    %mul3A_110 = arith.constant 128 : i32
    %mul3A_111 = arith.muli %add3A_109, %mul3A_110 : i32
    "tpu.region"() ({
      %run_scoped3A = tpu.sem_alloc : memref<!tpu.dma_semaphore, #tpu.memory_space<semaphore_mem>>
      %dma_start3A_138 = arith.constant 0 : i32
      %dma_start3A_139 = tpu.memref_slice %arg14[%mul3A_111, %dma_start3A_138] : memref<10240x128xf32, #tpu.memory_space<vmem_shared>> -> memref<128x128xf32, #tpu.memory_space<vmem_shared>>
      %dma_start3A_140 = arith.constant 0 : i32
      %dma_start3A_141 = tpu.memref_slice %arg14[%mul3A_111, %dma_start3A_140] : memref<10240x128xf32, #tpu.memory_space<vmem_shared>> -> memref<128x128xf32, #tpu.memory_space<vmem_shared>>
      tpu.enqueue_dma source(%dma_start3A_141 : memref<128x128xf32, #tpu.memory_space<vmem_shared>>) target(%arg12 : memref<128x128xf32, #tpu.memory_space<vmem>>) target_semaphore(%run_scoped3A : memref<!tpu.dma_semaphore, #tpu.memory_space<semaphore_mem>>)
      %dma_wait3A = arith.constant 0 : i32
      %dma_wait3A_142 = tpu.memref_slice %arg14[%mul3A_111, %dma_wait3A] : memref<10240x128xf32, #tpu.memory_space<vmem_shared>> -> memref<128x128xf32, #tpu.memory_space<vmem_shared>>
      %dma_wait3A_143 = arith.constant 0 : i32
      %dma_wait3A_144 = tpu.memref_slice %arg14[%mul3A_111, %dma_wait3A_143] : memref<10240x128xf32, #tpu.memory_space<vmem_shared>> -> memref<128x128xf32, #tpu.memory_space<vmem_shared>>
      tpu.wait_dma2 semaphore(%run_scoped3A : memref<!tpu.dma_semaphore, #tpu.memory_space<semaphore_mem>>) src(%dma_wait3A_144 : memref<128x128xf32, #tpu.memory_space<vmem_shared>>) dst(%arg12 : memref<128x128xf32, #tpu.memory_space<vmem>>)
      tpu.yield
    }) : () -> ()
    %eq3A_112 = arith.constant 0 : i32
    %eq3A_113 = arith.cmpi eq, %arg0, %eq3A_112 : i32
    %convert_element_type3A_114 = arith.extui %eq3A_113 : i1 to i32
    %cond3A_115 = arith.constant 0 : i32
    %cond3A_116 = arith.cmpi ne, %convert_element_type3A_114, %cond3A_115 : i32
    scf.if %cond3A_116 {
      "tpu.region"() ({
        %run_scoped3A = tpu.sem_alloc : memref<!tpu.dma_semaphore, #tpu.memory_space<semaphore_mem>>
        %dma_start3A_138 = arith.constant 0 : i32
        %dma_start3A_139 = tpu.memref_slice %arg6[%mul3A_111, %dma_start3A_138] : memref<10240x128xf32, #tpu.memory_space<hbm>> -> memref<128x128xf32, #tpu.memory_space<hbm>>
        %dma_start3A_140 = arith.constant 0 : i32
        %dma_start3A_141 = tpu.memref_slice %arg6[%mul3A_111, %dma_start3A_140] : memref<10240x128xf32, #tpu.memory_space<hbm>> -> memref<128x128xf32, #tpu.memory_space<hbm>>
        tpu.enqueue_dma source(%arg12 : memref<128x128xf32, #tpu.memory_space<vmem>>) target(%dma_start3A_141 : memref<128x128xf32, #tpu.memory_space<hbm>>) target_semaphore(%run_scoped3A : memref<!tpu.dma_semaphore, #tpu.memory_space<semaphore_mem>>)
        %dma_wait3A = arith.constant 0 : i32
        %dma_wait3A_142 = tpu.memref_slice %arg6[%mul3A_111, %dma_wait3A] : memref<10240x128xf32, #tpu.memory_space<hbm>> -> memref<128x128xf32, #tpu.memory_space<hbm>>
        %dma_wait3A_143 = arith.constant 0 : i32
        %dma_wait3A_144 = tpu.memref_slice %arg6[%mul3A_111, %dma_wait3A_143] : memref<10240x128xf32, #tpu.memory_space<hbm>> -> memref<128x128xf32, #tpu.memory_space<hbm>>
        tpu.wait_dma2 semaphore(%run_scoped3A : memref<!tpu.dma_semaphore, #tpu.memory_space<semaphore_mem>>) src(%arg12 : memref<128x128xf32, #tpu.memory_space<vmem>>) dst(%dma_wait3A_144 : memref<128x128xf32, #tpu.memory_space<hbm>>)
        tpu.yield
      }) : () -> ()
    } else {
    }
    %eq3A_117 = arith.constant 1 : i32
    %eq3A_118 = arith.cmpi eq, %arg0, %eq3A_117 : i32
    %convert_element_type3A_119 = arith.extui %eq3A_118 : i1 to i32
    %cond3A_120 = arith.constant 0 : i32
    %cond3A_121 = arith.cmpi ne, %convert_element_type3A_119, %cond3A_120 : i32
    scf.if %cond3A_121 {
      "tpu.region"() ({
        %run_scoped3A = tpu.sem_alloc : memref<!tpu.dma_semaphore, #tpu.memory_space<semaphore_mem>>
        %dma_start3A_138 = arith.constant 0 : i32
        %dma_start3A_139 = tpu.memref_slice %arg7[%mul3A_111, %dma_start3A_138] : memref<10240x128xf32, #tpu.memory_space<hbm>> -> memref<128x128xf32, #tpu.memory_space<hbm>>
        %dma_start3A_140 = arith.constant 0 : i32
        %dma_start3A_141 = tpu.memref_slice %arg7[%mul3A_111, %dma_start3A_140] : memref<10240x128xf32, #tpu.memory_space<hbm>> -> memref<128x128xf32, #tpu.memory_space<hbm>>
        tpu.enqueue_dma source(%arg12 : memref<128x128xf32, #tpu.memory_space<vmem>>) target(%dma_start3A_141 : memref<128x128xf32, #tpu.memory_space<hbm>>) target_semaphore(%run_scoped3A : memref<!tpu.dma_semaphore, #tpu.memory_space<semaphore_mem>>)
        %dma_wait3A = arith.constant 0 : i32
        %dma_wait3A_142 = tpu.memref_slice %arg7[%mul3A_111, %dma_wait3A] : memref<10240x128xf32, #tpu.memory_space<hbm>> -> memref<128x128xf32, #tpu.memory_space<hbm>>
        %dma_wait3A_143 = arith.constant 0 : i32
        %dma_wait3A_144 = tpu.memref_slice %arg7[%mul3A_111, %dma_wait3A_143] : memref<10240x128xf32, #tpu.memory_space<hbm>> -> memref<128x128xf32, #tpu.memory_space<hbm>>
        tpu.wait_dma2 semaphore(%run_scoped3A : memref<!tpu.dma_semaphore, #tpu.memory_space<semaphore_mem>>) src(%arg12 : memref<128x128xf32, #tpu.memory_space<vmem>>) dst(%dma_wait3A_144 : memref<128x128xf32, #tpu.memory_space<hbm>>)
        tpu.yield
      }) : () -> ()
    } else {
    }
    %mul3A_122 = arith.constant 5 : i32
    %mul3A_123 = arith.muli %arg1, %mul3A_122 : i32
    %add3A_124 = arith.constant 4 : i32
    %add3A_125 = arith.addi %mul3A_123, %add3A_124 : i32
    %mul3A_126 = arith.constant 128 : i32
    %mul3A_127 = arith.muli %add3A_125, %mul3A_126 : i32
    "tpu.region"() ({
      %run_scoped3A = tpu.sem_alloc : memref<!tpu.dma_semaphore, #tpu.memory_space<semaphore_mem>>
      %dma_start3A_138 = arith.constant 0 : i32
      %dma_start3A_139 = tpu.memref_slice %arg14[%mul3A_127, %dma_start3A_138] : memref<10240x128xf32, #tpu.memory_space<vmem_shared>> -> memref<128x128xf32, #tpu.memory_space<vmem_shared>>
      %dma_start3A_140 = arith.constant 0 : i32
      %dma_start3A_141 = tpu.memref_slice %arg14[%mul3A_127, %dma_start3A_140] : memref<10240x128xf32, #tpu.memory_space<vmem_shared>> -> memref<128x128xf32, #tpu.memory_space<vmem_shared>>
      tpu.enqueue_dma source(%dma_start3A_141 : memref<128x128xf32, #tpu.memory_space<vmem_shared>>) target(%arg12 : memref<128x128xf32, #tpu.memory_space<vmem>>) target_semaphore(%run_scoped3A : memref<!tpu.dma_semaphore, #tpu.memory_space<semaphore_mem>>)
      %dma_wait3A = arith.constant 0 : i32
      %dma_wait3A_142 = tpu.memref_slice %arg14[%mul3A_127, %dma_wait3A] : memref<10240x128xf32, #tpu.memory_space<vmem_shared>> -> memref<128x128xf32, #tpu.memory_space<vmem_shared>>
      %dma_wait3A_143 = arith.constant 0 : i32
      %dma_wait3A_144 = tpu.memref_slice %arg14[%mul3A_127, %dma_wait3A_143] : memref<10240x128xf32, #tpu.memory_space<vmem_shared>> -> memref<128x128xf32, #tpu.memory_space<vmem_shared>>
      tpu.wait_dma2 semaphore(%run_scoped3A : memref<!tpu.dma_semaphore, #tpu.memory_space<semaphore_mem>>) src(%dma_wait3A_144 : memref<128x128xf32, #tpu.memory_space<vmem_shared>>) dst(%arg12 : memref<128x128xf32, #tpu.memory_space<vmem>>)
      tpu.yield
    }) : () -> ()
    %eq3A_128 = arith.constant 0 : i32
    %eq3A_129 = arith.cmpi eq, %arg0, %eq3A_128 : i32
    %convert_element_type3A_130 = arith.extui %eq3A_129 : i1 to i32
    %cond3A_131 = arith.constant 0 : i32
    %cond3A_132 = arith.cmpi ne, %convert_element_type3A_130, %cond3A_131 : i32
    scf.if %cond3A_132 {
      "tpu.region"() ({
        %run_scoped3A = tpu.sem_alloc : memref<!tpu.dma_semaphore, #tpu.memory_space<semaphore_mem>>
        %dma_start3A_138 = arith.constant 0 : i32
        %dma_start3A_139 = tpu.memref_slice %arg6[%mul3A_127, %dma_start3A_138] : memref<10240x128xf32, #tpu.memory_space<hbm>> -> memref<128x128xf32, #tpu.memory_space<hbm>>
        %dma_start3A_140 = arith.constant 0 : i32
        %dma_start3A_141 = tpu.memref_slice %arg6[%mul3A_127, %dma_start3A_140] : memref<10240x128xf32, #tpu.memory_space<hbm>> -> memref<128x128xf32, #tpu.memory_space<hbm>>
        tpu.enqueue_dma source(%arg12 : memref<128x128xf32, #tpu.memory_space<vmem>>) target(%dma_start3A_141 : memref<128x128xf32, #tpu.memory_space<hbm>>) target_semaphore(%run_scoped3A : memref<!tpu.dma_semaphore, #tpu.memory_space<semaphore_mem>>)
        %dma_wait3A = arith.constant 0 : i32
        %dma_wait3A_142 = tpu.memref_slice %arg6[%mul3A_127, %dma_wait3A] : memref<10240x128xf32, #tpu.memory_space<hbm>> -> memref<128x128xf32, #tpu.memory_space<hbm>>
        %dma_wait3A_143 = arith.constant 0 : i32
        %dma_wait3A_144 = tpu.memref_slice %arg6[%mul3A_127, %dma_wait3A_143] : memref<10240x128xf32, #tpu.memory_space<hbm>> -> memref<128x128xf32, #tpu.memory_space<hbm>>
        tpu.wait_dma2 semaphore(%run_scoped3A : memref<!tpu.dma_semaphore, #tpu.memory_space<semaphore_mem>>) src(%arg12 : memref<128x128xf32, #tpu.memory_space<vmem>>) dst(%dma_wait3A_144 : memref<128x128xf32, #tpu.memory_space<hbm>>)
        tpu.yield
      }) : () -> ()
    } else {
    }
    %eq3A_133 = arith.constant 1 : i32
    %eq3A_134 = arith.cmpi eq, %arg0, %eq3A_133 : i32
    %convert_element_type3A_135 = arith.extui %eq3A_134 : i1 to i32
    %cond3A_136 = arith.constant 0 : i32
    %cond3A_137 = arith.cmpi ne, %convert_element_type3A_135, %cond3A_136 : i32
    scf.if %cond3A_137 {
      "tpu.region"() ({
        %run_scoped3A = tpu.sem_alloc : memref<!tpu.dma_semaphore, #tpu.memory_space<semaphore_mem>>
        %dma_start3A_138 = arith.constant 0 : i32
        %dma_start3A_139 = tpu.memref_slice %arg7[%mul3A_127, %dma_start3A_138] : memref<10240x128xf32, #tpu.memory_space<hbm>> -> memref<128x128xf32, #tpu.memory_space<hbm>>
        %dma_start3A_140 = arith.constant 0 : i32
        %dma_start3A_141 = tpu.memref_slice %arg7[%mul3A_127, %dma_start3A_140] : memref<10240x128xf32, #tpu.memory_space<hbm>> -> memref<128x128xf32, #tpu.memory_space<hbm>>
        tpu.enqueue_dma source(%arg12 : memref<128x128xf32, #tpu.memory_space<vmem>>) target(%dma_start3A_141 : memref<128x128xf32, #tpu.memory_space<hbm>>) target_semaphore(%run_scoped3A : memref<!tpu.dma_semaphore, #tpu.memory_space<semaphore_mem>>)
        %dma_wait3A = arith.constant 0 : i32
        %dma_wait3A_142 = tpu.memref_slice %arg7[%mul3A_127, %dma_wait3A] : memref<10240x128xf32, #tpu.memory_space<hbm>> -> memref<128x128xf32, #tpu.memory_space<hbm>>
        %dma_wait3A_143 = arith.constant 0 : i32
        %dma_wait3A_144 = tpu.memref_slice %arg7[%mul3A_127, %dma_wait3A_143] : memref<10240x128xf32, #tpu.memory_space<hbm>> -> memref<128x128xf32, #tpu.memory_space<hbm>>
        tpu.wait_dma2 semaphore(%run_scoped3A : memref<!tpu.dma_semaphore, #tpu.memory_space<semaphore_mem>>) src(%arg12 : memref<128x128xf32, #tpu.memory_space<vmem>>) dst(%dma_wait3A_144 : memref<128x128xf32, #tpu.memory_space<hbm>>)
        tpu.yield
      }) : () -> ()
    } else {
    }
    return
  }
}

#map = affine_map<(d0, d1) -> (0, 0)>
#map1 = affine_map<(d0, d1) -> (0, 0, 0)>
module attributes {stable_mosaic.version = 14 : i64} {
  func.func @body(%arg0: i32, %arg1: i32, %arg2: memref<20000x128xf32, #tpu.memory_space<hbm>>, %arg3: memref<320x8x128xi32, #tpu.memory_space<hbm>>, %arg4: memref<160x8x128xi32, #tpu.memory_space<hbm>>, %arg5: memref<128x128xf32, #tpu.memory_space<hbm>>, %arg6: memref<10240x128xf32, #tpu.memory_space<hbm>>, %arg7: memref<10240x128xf32, #tpu.memory_space<hbm>>, %arg8: memref<8x128xi32, #tpu.memory_space<vmem>>, %arg9: memref<8x128xi32, #tpu.memory_space<vmem>>, %arg10: memref<8x128xi32, #tpu.memory_space<vmem>>, %arg11: memref<8x128xi32, #tpu.memory_space<vmem>>, %arg12: memref<128x128xf32, #tpu.memory_space<vmem>>, %arg13: memref<128x128xf32, #tpu.memory_space<vmem>>, %arg14: memref<10240x128xf32, #tpu.memory_space<vmem_shared>>, %arg15: memref<!tpu.dma_semaphore, #tpu.memory_space<semaphore_mem>>, %arg16: memref<!tpu.dma_semaphore, #tpu.memory_space<semaphore_mem>>, %arg17: memref<!tpu.dma_semaphore, #tpu.memory_space<semaphore_mem>>, %arg18: memref<!tpu.dma_semaphore, #tpu.memory_space<semaphore_mem>>) attributes {dimension_semantics = [#tpu.dimension_semantics<core_parallel>, #tpu.dimension_semantics<subcore_parallel>], iteration_bounds = array<i64: 2, 16>, scalar_prefetch = 0 : i64, scratch_operands = 11 : i64, tpu.core_type = #tpu.core_type<sc_vector_subcore>, window_params = [{transform_indices = #map}, {transform_indices = #map1}, {transform_indices = #map1}, {transform_indices = #map}, {transform_indices = #map}, {transform_indices = #map}]} {
    %mul3A = arith.constant 16 : i32
    %mul3A_0 = arith.muli %arg0, %mul3A : i32
    %add3A = arith.addi %mul3A_0, %arg1 : i32
    %mul3A_1 = arith.constant 10 : i32
    %mul3A_2 = arith.muli %add3A, %mul3A_1 : i32
    %add3A_3 = arith.constant 0 : i32
    %add3A_4 = arith.addi %mul3A_2, %add3A_3 : i32
    %dma_start3A = arith.constant 0 : i32
    %dma_start3A_5 = arith.constant 0 : i32
    %dma_start3A_6 = tpu.memref_slice %arg3[%add3A_4, %dma_start3A, %dma_start3A_5] : memref<320x8x128xi32, #tpu.memory_space<hbm>> -> memref<1x8x128xi32, #tpu.memory_space<hbm>>
    %dma_start3A_7 = tpu.memref_squeeze %dma_start3A_6 : memref<1x8x128xi32, #tpu.memory_space<hbm>> -> memref<8x128xi32, #tpu.memory_space<hbm>>
    %dma_start3A_8 = arith.constant 0 : i32
    %dma_start3A_9 = arith.constant 0 : i32
    %dma_start3A_10 = tpu.memref_slice %arg3[%add3A_4, %dma_start3A_8, %dma_start3A_9] : memref<320x8x128xi32, #tpu.memory_space<hbm>> -> memref<1x8x128xi32, #tpu.memory_space<hbm>>
    %dma_start3A_11 = tpu.memref_squeeze %dma_start3A_10 : memref<1x8x128xi32, #tpu.memory_space<hbm>> -> memref<8x128xi32, #tpu.memory_space<hbm>>
    tpu.enqueue_dma source(%dma_start3A_11 : memref<8x128xi32, #tpu.memory_space<hbm>>) target(%arg8 : memref<8x128xi32, #tpu.memory_space<vmem>>) target_semaphore(%arg17 : memref<!tpu.dma_semaphore, #tpu.memory_space<semaphore_mem>>)
    %mul3A_12 = arith.constant 10 : i32
    %mul3A_13 = arith.muli %arg1, %mul3A_12 : i32
    %add3A_14 = arith.constant 0 : i32
    %add3A_15 = arith.addi %mul3A_13, %add3A_14 : i32
    %dma_start3A_16 = arith.constant 0 : i32
    %dma_start3A_17 = arith.constant 0 : i32
    %dma_start3A_18 = tpu.memref_slice %arg4[%add3A_15, %dma_start3A_16, %dma_start3A_17] : memref<160x8x128xi32, #tpu.memory_space<hbm>> -> memref<1x8x128xi32, #tpu.memory_space<hbm>>
    %dma_start3A_19 = tpu.memref_squeeze %dma_start3A_18 : memref<1x8x128xi32, #tpu.memory_space<hbm>> -> memref<8x128xi32, #tpu.memory_space<hbm>>
    %dma_start3A_20 = arith.constant 0 : i32
    %dma_start3A_21 = arith.constant 0 : i32
    %dma_start3A_22 = tpu.memref_slice %arg4[%add3A_15, %dma_start3A_20, %dma_start3A_21] : memref<160x8x128xi32, #tpu.memory_space<hbm>> -> memref<1x8x128xi32, #tpu.memory_space<hbm>>
    %dma_start3A_23 = tpu.memref_squeeze %dma_start3A_22 : memref<1x8x128xi32, #tpu.memory_space<hbm>> -> memref<8x128xi32, #tpu.memory_space<hbm>>
    tpu.enqueue_dma source(%dma_start3A_23 : memref<8x128xi32, #tpu.memory_space<hbm>>) target(%arg9 : memref<8x128xi32, #tpu.memory_space<vmem>>) target_semaphore(%arg17 : memref<!tpu.dma_semaphore, #tpu.memory_space<semaphore_mem>>)
    "tpu.region"() ({
      %run_scoped3A = tpu.sem_alloc : memref<!tpu.dma_semaphore, #tpu.memory_space<semaphore_mem>>
      tpu.enqueue_dma source(%arg5 : memref<128x128xf32, #tpu.memory_space<hbm>>) target(%arg12 : memref<128x128xf32, #tpu.memory_space<vmem>>) target_semaphore(%run_scoped3A : memref<!tpu.dma_semaphore, #tpu.memory_space<semaphore_mem>>)
      tpu.wait_dma2 semaphore(%run_scoped3A : memref<!tpu.dma_semaphore, #tpu.memory_space<semaphore_mem>>) src(%arg5 : memref<128x128xf32, #tpu.memory_space<hbm>>) dst(%arg12 : memref<128x128xf32, #tpu.memory_space<vmem>>)
      tpu.yield
    }) : () -> ()
    %mul3A_24 = arith.constant 5 : i32
    %mul3A_25 = arith.muli %arg1, %mul3A_24 : i32
    %add3A_26 = arith.constant 0 : i32
    %add3A_27 = arith.addi %mul3A_25, %add3A_26 : i32
    %mul3A_28 = arith.constant 128 : i32
    %mul3A_29 = arith.muli %add3A_27, %mul3A_28 : i32
    "tpu.region"() ({
      %run_scoped3A = tpu.sem_alloc : memref<!tpu.dma_semaphore, #tpu.memory_space<semaphore_mem>>
      %dma_start3A_138 = arith.constant 0 : i32
      %dma_start3A_139 = tpu.memref_slice %arg14[%mul3A_29, %dma_start3A_138] : memref<10240x128xf32, #tpu.memory_space<vmem_shared>> -> memref<128x128xf32, #tpu.memory_space<vmem_shared>>
      %dma_start3A_140 = arith.constant 0 : i32
      %dma_start3A_141 = tpu.memref_slice %arg14[%mul3A_29, %dma_start3A_140] : memref<10240x128xf32, #tpu.memory_space<vmem_shared>> -> memref<128x128xf32, #tpu.memory_space<vmem_shared>>
      tpu.enqueue_dma source(%arg12 : memref<128x128xf32, #tpu.memory_space<vmem>>) target(%dma_start3A_141 : memref<128x128xf32, #tpu.memory_space<vmem_shared>>) target_semaphore(%run_scoped3A : memref<!tpu.dma_semaphore, #tpu.memory_space<semaphore_mem>>)
      %dma_wait3A = arith.constant 0 : i32
      %dma_wait3A_142 = tpu.memref_slice %arg14[%mul3A_29, %dma_wait3A] : memref<10240x128xf32, #tpu.memory_space<vmem_shared>> -> memref<128x128xf32, #tpu.memory_space<vmem_shared>>
      %dma_wait3A_143 = arith.constant 0 : i32
      %dma_wait3A_144 = tpu.memref_slice %arg14[%mul3A_29, %dma_wait3A_143] : memref<10240x128xf32, #tpu.memory_space<vmem_shared>> -> memref<128x128xf32, #tpu.memory_space<vmem_shared>>
      tpu.wait_dma2 semaphore(%run_scoped3A : memref<!tpu.dma_semaphore, #tpu.memory_space<semaphore_mem>>) src(%arg12 : memref<128x128xf32, #tpu.memory_space<vmem>>) dst(%dma_wait3A_144 : memref<128x128xf32, #tpu.memory_space<vmem_shared>>)
      tpu.yield
    }) : () -> ()
    %mul3A_30 = arith.constant 5 : i32
    %mul3A_31 = arith.muli %arg1, %mul3A_30 : i32
    %add3A_32 = arith.constant 1 : i32
    %add3A_33 = arith.addi %mul3A_31, %add3A_32 : i32
    %mul3A_34 = arith.constant 128 : i32
    %mul3A_35 = arith.muli %add3A_33, %mul3A_34 : i32
    "tpu.region"() ({
      %run_scoped3A = tpu.sem_alloc : memref<!tpu.dma_semaphore, #tpu.memory_space<semaphore_mem>>
      %dma_start3A_138 = arith.constant 0 : i32
      %dma_start3A_139 = tpu.memref_slice %arg14[%mul3A_35, %dma_start3A_138] : memref<10240x128xf32, #tpu.memory_space<vmem_shared>> -> memref<128x128xf32, #tpu.memory_space<vmem_shared>>
      %dma_start3A_140 = arith.constant 0 : i32
      %dma_start3A_141 = tpu.memref_slice %arg14[%mul3A_35, %dma_start3A_140] : memref<10240x128xf32, #tpu.memory_space<vmem_shared>> -> memref<128x128xf32, #tpu.memory_space<vmem_shared>>
      tpu.enqueue_dma source(%arg12 : memref<128x128xf32, #tpu.memory_space<vmem>>) target(%dma_start3A_141 : memref<128x128xf32, #tpu.memory_space<vmem_shared>>) target_semaphore(%run_scoped3A : memref<!tpu.dma_semaphore, #tpu.memory_space<semaphore_mem>>)
      %dma_wait3A = arith.constant 0 : i32
      %dma_wait3A_142 = tpu.memref_slice %arg14[%mul3A_35, %dma_wait3A] : memref<10240x128xf32, #tpu.memory_space<vmem_shared>> -> memref<128x128xf32, #tpu.memory_space<vmem_shared>>
      %dma_wait3A_143 = arith.constant 0 : i32
      %dma_wait3A_144 = tpu.memref_slice %arg14[%mul3A_35, %dma_wait3A_143] : memref<10240x128xf32, #tpu.memory_space<vmem_shared>> -> memref<128x128xf32, #tpu.memory_space<vmem_shared>>
      tpu.wait_dma2 semaphore(%run_scoped3A : memref<!tpu.dma_semaphore, #tpu.memory_space<semaphore_mem>>) src(%arg12 : memref<128x128xf32, #tpu.memory_space<vmem>>) dst(%dma_wait3A_144 : memref<128x128xf32, #tpu.memory_space<vmem_shared>>)
      tpu.yield
    }) : () -> ()
    %mul3A_36 = arith.constant 5 : i32
    %mul3A_37 = arith.muli %arg1, %mul3A_36 : i32
    %add3A_38 = arith.constant 2 : i32
    %add3A_39 = arith.addi %mul3A_37, %add3A_38 : i32
    %mul3A_40 = arith.constant 128 : i32
    %mul3A_41 = arith.muli %add3A_39, %mul3A_40 : i32
    "tpu.region"() ({
      %run_scoped3A = tpu.sem_alloc : memref<!tpu.dma_semaphore, #tpu.memory_space<semaphore_mem>>
      %dma_start3A_138 = arith.constant 0 : i32
      %dma_start3A_139 = tpu.memref_slice %arg14[%mul3A_41, %dma_start3A_138] : memref<10240x128xf32, #tpu.memory_space<vmem_shared>> -> memref<128x128xf32, #tpu.memory_space<vmem_shared>>
      %dma_start3A_140 = arith.constant 0 : i32
      %dma_start3A_141 = tpu.memref_slice %arg14[%mul3A_41, %dma_start3A_140] : memref<10240x128xf32, #tpu.memory_space<vmem_shared>> -> memref<128x128xf32, #tpu.memory_space<vmem_shared>>
      tpu.enqueue_dma source(%arg12 : memref<128x128xf32, #tpu.memory_space<vmem>>) target(%dma_start3A_141 : memref<128x128xf32, #tpu.memory_space<vmem_shared>>) target_semaphore(%run_scoped3A : memref<!tpu.dma_semaphore, #tpu.memory_space<semaphore_mem>>)
      %dma_wait3A = arith.constant 0 : i32
      %dma_wait3A_142 = tpu.memref_slice %arg14[%mul3A_41, %dma_wait3A] : memref<10240x128xf32, #tpu.memory_space<vmem_shared>> -> memref<128x128xf32, #tpu.memory_space<vmem_shared>>
      %dma_wait3A_143 = arith.constant 0 : i32
      %dma_wait3A_144 = tpu.memref_slice %arg14[%mul3A_41, %dma_wait3A_143] : memref<10240x128xf32, #tpu.memory_space<vmem_shared>> -> memref<128x128xf32, #tpu.memory_space<vmem_shared>>
      tpu.wait_dma2 semaphore(%run_scoped3A : memref<!tpu.dma_semaphore, #tpu.memory_space<semaphore_mem>>) src(%arg12 : memref<128x128xf32, #tpu.memory_space<vmem>>) dst(%dma_wait3A_144 : memref<128x128xf32, #tpu.memory_space<vmem_shared>>)
      tpu.yield
    }) : () -> ()
    %mul3A_42 = arith.constant 5 : i32
    %mul3A_43 = arith.muli %arg1, %mul3A_42 : i32
    %add3A_44 = arith.constant 3 : i32
    %add3A_45 = arith.addi %mul3A_43, %add3A_44 : i32
    %mul3A_46 = arith.constant 128 : i32
    %mul3A_47 = arith.muli %add3A_45, %mul3A_46 : i32
    "tpu.region"() ({
      %run_scoped3A = tpu.sem_alloc : memref<!tpu.dma_semaphore, #tpu.memory_space<semaphore_mem>>
      %dma_start3A_138 = arith.constant 0 : i32
      %dma_start3A_139 = tpu.memref_slice %arg14[%mul3A_47, %dma_start3A_138] : memref<10240x128xf32, #tpu.memory_space<vmem_shared>> -> memref<128x128xf32, #tpu.memory_space<vmem_shared>>
      %dma_start3A_140 = arith.constant 0 : i32
      %dma_start3A_141 = tpu.memref_slice %arg14[%mul3A_47, %dma_start3A_140] : memref<10240x128xf32, #tpu.memory_space<vmem_shared>> -> memref<128x128xf32, #tpu.memory_space<vmem_shared>>
      tpu.enqueue_dma source(%arg12 : memref<128x128xf32, #tpu.memory_space<vmem>>) target(%dma_start3A_141 : memref<128x128xf32, #tpu.memory_space<vmem_shared>>) target_semaphore(%run_scoped3A : memref<!tpu.dma_semaphore, #tpu.memory_space<semaphore_mem>>)
      %dma_wait3A = arith.constant 0 : i32
      %dma_wait3A_142 = tpu.memref_slice %arg14[%mul3A_47, %dma_wait3A] : memref<10240x128xf32, #tpu.memory_space<vmem_shared>> -> memref<128x128xf32, #tpu.memory_space<vmem_shared>>
      %dma_wait3A_143 = arith.constant 0 : i32
      %dma_wait3A_144 = tpu.memref_slice %arg14[%mul3A_47, %dma_wait3A_143] : memref<10240x128xf32, #tpu.memory_space<vmem_shared>> -> memref<128x128xf32, #tpu.memory_space<vmem_shared>>
      tpu.wait_dma2 semaphore(%run_scoped3A : memref<!tpu.dma_semaphore, #tpu.memory_space<semaphore_mem>>) src(%arg12 : memref<128x128xf32, #tpu.memory_space<vmem>>) dst(%dma_wait3A_144 : memref<128x128xf32, #tpu.memory_space<vmem_shared>>)
      tpu.yield
    }) : () -> ()
    %mul3A_48 = arith.constant 5 : i32
    %mul3A_49 = arith.muli %arg1, %mul3A_48 : i32
    %add3A_50 = arith.constant 4 : i32
    %add3A_51 = arith.addi %mul3A_49, %add3A_50 : i32
    %mul3A_52 = arith.constant 128 : i32
    %mul3A_53 = arith.muli %add3A_51, %mul3A_52 : i32
    "tpu.region"() ({
      %run_scoped3A = tpu.sem_alloc : memref<!tpu.dma_semaphore, #tpu.memory_space<semaphore_mem>>
      %dma_start3A_138 = arith.constant 0 : i32
      %dma_start3A_139 = tpu.memref_slice %arg14[%mul3A_53, %dma_start3A_138] : memref<10240x128xf32, #tpu.memory_space<vmem_shared>> -> memref<128x128xf32, #tpu.memory_space<vmem_shared>>
      %dma_start3A_140 = arith.constant 0 : i32
      %dma_start3A_141 = tpu.memref_slice %arg14[%mul3A_53, %dma_start3A_140] : memref<10240x128xf32, #tpu.memory_space<vmem_shared>> -> memref<128x128xf32, #tpu.memory_space<vmem_shared>>
      tpu.enqueue_dma source(%arg12 : memref<128x128xf32, #tpu.memory_space<vmem>>) target(%dma_start3A_141 : memref<128x128xf32, #tpu.memory_space<vmem_shared>>) target_semaphore(%run_scoped3A : memref<!tpu.dma_semaphore, #tpu.memory_space<semaphore_mem>>)
      %dma_wait3A = arith.constant 0 : i32
      %dma_wait3A_142 = tpu.memref_slice %arg14[%mul3A_53, %dma_wait3A] : memref<10240x128xf32, #tpu.memory_space<vmem_shared>> -> memref<128x128xf32, #tpu.memory_space<vmem_shared>>
      %dma_wait3A_143 = arith.constant 0 : i32
      %dma_wait3A_144 = tpu.memref_slice %arg14[%mul3A_53, %dma_wait3A_143] : memref<10240x128xf32, #tpu.memory_space<vmem_shared>> -> memref<128x128xf32, #tpu.memory_space<vmem_shared>>
      tpu.wait_dma2 semaphore(%run_scoped3A : memref<!tpu.dma_semaphore, #tpu.memory_space<semaphore_mem>>) src(%arg12 : memref<128x128xf32, #tpu.memory_space<vmem>>) dst(%dma_wait3A_144 : memref<128x128xf32, #tpu.memory_space<vmem_shared>>)
      tpu.yield
    }) : () -> ()
    %barrier3A = arith.constant 0 : index
    tpu.barrier barrier_id(%barrier3A)
    %scan3A = arith.constant 0 : i32
    %scan3A_54 = arith.constant 0 : i32
    %scan3A_55 = arith.constant 5 : i32
    %scan3A_56 = arith.addi %scan3A_54, %scan3A_55 : i32
    %scan3A_57 = arith.constant 1 : i32
    %scan3A_58 = scf.for %scan3A_138 = %scan3A_54 to %scan3A_56 step %scan3A_57 iter_args(%scan3A_139 = %scan3A) -> (i32)  : i32 {
      %mul3A_140 = arith.constant 2 : i32
      %mul3A_141 = arith.muli %mul3A_140, %scan3A_138 : i32
      %mul3A_142 = arith.constant 10 : i32
      %mul3A_143 = arith.muli %add3A, %mul3A_142 : i32
      %add3A_144 = arith.addi %mul3A_143, %mul3A_141 : i32
      %dma_wait3A = arith.constant 0 : i32
      %dma_wait3A_145 = arith.constant 0 : i32
      %dma_wait3A_146 = tpu.memref_slice %arg3[%add3A_144, %dma_wait3A, %dma_wait3A_145] : memref<320x8x128xi32, #tpu.memory_space<hbm>> -> memref<1x8x128xi32, #tpu.memory_space<hbm>>
      %dma_wait3A_147 = tpu.memref_squeeze %dma_wait3A_146 : memref<1x8x128xi32, #tpu.memory_space<hbm>> -> memref<8x128xi32, #tpu.memory_space<hbm>>
      %dma_wait3A_148 = arith.constant 0 : i32
      %dma_wait3A_149 = arith.constant 0 : i32
      %dma_wait3A_150 = tpu.memref_slice %arg3[%add3A_144, %dma_wait3A_148, %dma_wait3A_149] : memref<320x8x128xi32, #tpu.memory_space<hbm>> -> memref<1x8x128xi32, #tpu.memory_space<hbm>>
      %dma_wait3A_151 = tpu.memref_squeeze %dma_wait3A_150 : memref<1x8x128xi32, #tpu.memory_space<hbm>> -> memref<8x128xi32, #tpu.memory_space<hbm>>
      tpu.wait_dma2 semaphore(%arg17 : memref<!tpu.dma_semaphore, #tpu.memory_space<semaphore_mem>>) src(%dma_wait3A_151 : memref<8x128xi32, #tpu.memory_space<hbm>>) dst(%arg8 : memref<8x128xi32, #tpu.memory_space<vmem>>)
      %mul3A_152 = arith.constant 10 : i32
      %mul3A_153 = arith.muli %arg1, %mul3A_152 : i32
      %add3A_154 = arith.addi %mul3A_153, %mul3A_141 : i32
      %dma_wait3A_155 = arith.constant 0 : i32
      %dma_wait3A_156 = arith.constant 0 : i32
      %dma_wait3A_157 = tpu.memref_slice %arg4[%add3A_154, %dma_wait3A_155, %dma_wait3A_156] : memref<160x8x128xi32, #tpu.memory_space<hbm>> -> memref<1x8x128xi32, #tpu.memory_space<hbm>>
      %dma_wait3A_158 = tpu.memref_squeeze %dma_wait3A_157 : memref<1x8x128xi32, #tpu.memory_space<hbm>> -> memref<8x128xi32, #tpu.memory_space<hbm>>
      %dma_wait3A_159 = arith.constant 0 : i32
      %dma_wait3A_160 = arith.constant 0 : i32
      %dma_wait3A_161 = tpu.memref_slice %arg4[%add3A_154, %dma_wait3A_159, %dma_wait3A_160] : memref<160x8x128xi32, #tpu.memory_space<hbm>> -> memref<1x8x128xi32, #tpu.memory_space<hbm>>
      %dma_wait3A_162 = tpu.memref_squeeze %dma_wait3A_161 : memref<1x8x128xi32, #tpu.memory_space<hbm>> -> memref<8x128xi32, #tpu.memory_space<hbm>>
      tpu.wait_dma2 semaphore(%arg17 : memref<!tpu.dma_semaphore, #tpu.memory_space<semaphore_mem>>) src(%dma_wait3A_162 : memref<8x128xi32, #tpu.memory_space<hbm>>) dst(%arg9 : memref<8x128xi32, #tpu.memory_space<vmem>>)
      %add3A_163 = arith.constant 1 : i32
      %add3A_164 = arith.addi %mul3A_141, %add3A_163 : i32
      %mul3A_165 = arith.constant 10 : i32
      %mul3A_166 = arith.muli %add3A, %mul3A_165 : i32
      %add3A_167 = arith.addi %mul3A_166, %add3A_164 : i32
      %dma_start3A_168 = arith.constant 0 : i32
      %dma_start3A_169 = arith.constant 0 : i32
      %dma_start3A_170 = tpu.memref_slice %arg3[%add3A_167, %dma_start3A_168, %dma_start3A_169] : memref<320x8x128xi32, #tpu.memory_space<hbm>> -> memref<1x8x128xi32, #tpu.memory_space<hbm>>
      %dma_start3A_171 = tpu.memref_squeeze %dma_start3A_170 : memref<1x8x128xi32, #tpu.memory_space<hbm>> -> memref<8x128xi32, #tpu.memory_space<hbm>>
      %dma_start3A_172 = arith.constant 0 : i32
      %dma_start3A_173 = arith.constant 0 : i32
      %dma_start3A_174 = tpu.memref_slice %arg3[%add3A_167, %dma_start3A_172, %dma_start3A_173] : memref<320x8x128xi32, #tpu.memory_space<hbm>> -> memref<1x8x128xi32, #tpu.memory_space<hbm>>
      %dma_start3A_175 = tpu.memref_squeeze %dma_start3A_174 : memref<1x8x128xi32, #tpu.memory_space<hbm>> -> memref<8x128xi32, #tpu.memory_space<hbm>>
      tpu.enqueue_dma source(%dma_start3A_175 : memref<8x128xi32, #tpu.memory_space<hbm>>) target(%arg10 : memref<8x128xi32, #tpu.memory_space<vmem>>) target_semaphore(%arg18 : memref<!tpu.dma_semaphore, #tpu.memory_space<semaphore_mem>>)
      %mul3A_176 = arith.constant 10 : i32
      %mul3A_177 = arith.muli %arg1, %mul3A_176 : i32
      %add3A_178 = arith.addi %mul3A_177, %add3A_164 : i32
      %dma_start3A_179 = arith.constant 0 : i32
      %dma_start3A_180 = arith.constant 0 : i32
      %dma_start3A_181 = tpu.memref_slice %arg4[%add3A_178, %dma_start3A_179, %dma_start3A_180] : memref<160x8x128xi32, #tpu.memory_space<hbm>> -> memref<1x8x128xi32, #tpu.memory_space<hbm>>
      %dma_start3A_182 = tpu.memref_squeeze %dma_start3A_181 : memref<1x8x128xi32, #tpu.memory_space<hbm>> -> memref<8x128xi32, #tpu.memory_space<hbm>>
      %dma_start3A_183 = arith.constant 0 : i32
      %dma_start3A_184 = arith.constant 0 : i32
      %dma_start3A_185 = tpu.memref_slice %arg4[%add3A_178, %dma_start3A_183, %dma_start3A_184] : memref<160x8x128xi32, #tpu.memory_space<hbm>> -> memref<1x8x128xi32, #tpu.memory_space<hbm>>
      %dma_start3A_186 = tpu.memref_squeeze %dma_start3A_185 : memref<1x8x128xi32, #tpu.memory_space<hbm>> -> memref<8x128xi32, #tpu.memory_space<hbm>>
      tpu.enqueue_dma source(%dma_start3A_186 : memref<8x128xi32, #tpu.memory_space<hbm>>) target(%arg11 : memref<8x128xi32, #tpu.memory_space<vmem>>) target_semaphore(%arg18 : memref<!tpu.dma_semaphore, #tpu.memory_space<semaphore_mem>>)
      %dma_start3A_187 = arith.constant 0 : i32
      %dma_start3A_188 = arith.constant 0 : i32
      %dma_start3A_189 = tpu.memref_slice %arg8[%dma_start3A_187, %dma_start3A_188] : memref<8x128xi32, #tpu.memory_space<vmem>> -> memref<1x128xi32, #tpu.memory_space<vmem>>
      %dma_start3A_190 = tpu.memref_squeeze %dma_start3A_189 : memref<1x128xi32, #tpu.memory_space<vmem>> -> memref<128xi32, #tpu.memory_space<vmem>>
      %dma_start3A_191 = arith.constant 0 : i32
      %dma_start3A_192 = arith.constant 0 : i32
      %dma_start3A_193 = tpu.memref_slice %arg2[%dma_start3A_191, %dma_start3A_192] : memref<20000x128xf32, #tpu.memory_space<hbm>> -> memref<20000x128xf32, #tpu.memory_space<hbm>>
      tpu.enqueue_indirect_dma source(%dma_start3A_193 : memref<20000x128xf32, #tpu.memory_space<hbm>>) target(%arg12 : memref<128x128xf32, #tpu.memory_space<vmem>>) offsets(%dma_start3A_190 : memref<128xi32, #tpu.memory_space<vmem>>) semaphore(%arg15 : memref<!tpu.dma_semaphore, #tpu.memory_space<semaphore_mem>>)
      %scan3A_194 = arith.constant 0 : i32
      %scan3A_195 = arith.constant 0 : i32
      %scan3A_196 = arith.constant 4 : i32
      %scan3A_197 = arith.addi %scan3A_195, %scan3A_196 : i32
      %scan3A_198 = arith.constant 1 : i32
      %scan3A_199 = scf.for %scan3A_244 = %scan3A_195 to %scan3A_197 step %scan3A_198 iter_args(%scan3A_245 = %scan3A_194) -> (i32)  : i32 {
        %mul3A_246 = arith.constant 2 : i32
        %mul3A_247 = arith.muli %mul3A_246, %scan3A_244 : i32
        %add3A_248 = arith.constant 1 : i32
        %add3A_249 = arith.addi %mul3A_247, %add3A_248 : i32
        %dma_start3A_250 = arith.constant 0 : i32
        %dma_start3A_251 = tpu.memref_slice %arg8[%add3A_249, %dma_start3A_250] : memref<8x128xi32, #tpu.memory_space<vmem>> -> memref<1x128xi32, #tpu.memory_space<vmem>>
        %dma_start3A_252 = tpu.memref_squeeze %dma_start3A_251 : memref<1x128xi32, #tpu.memory_space<vmem>> -> memref<128xi32, #tpu.memory_space<vmem>>
        %dma_start3A_253 = arith.constant 0 : i32
        %dma_start3A_254 = arith.constant 0 : i32
        %dma_start3A_255 = tpu.memref_slice %arg2[%dma_start3A_253, %dma_start3A_254] : memref<20000x128xf32, #tpu.memory_space<hbm>> -> memref<20000x128xf32, #tpu.memory_space<hbm>>
        tpu.enqueue_indirect_dma source(%dma_start3A_255 : memref<20000x128xf32, #tpu.memory_space<hbm>>) target(%arg13 : memref<128x128xf32, #tpu.memory_space<vmem>>) offsets(%dma_start3A_252 : memref<128xi32, #tpu.memory_space<vmem>>) semaphore(%arg16 : memref<!tpu.dma_semaphore, #tpu.memory_space<semaphore_mem>>)
        %dma_wait3A_256 = arith.constant 0 : i32
        %dma_wait3A_257 = tpu.memref_slice %arg8[%mul3A_247, %dma_wait3A_256] : memref<8x128xi32, #tpu.memory_space<vmem>> -> memref<1x128xi32, #tpu.memory_space<vmem>>
        %dma_wait3A_258 = tpu.memref_squeeze %dma_wait3A_257 : memref<1x128xi32, #tpu.memory_space<vmem>> -> memref<128xi32, #tpu.memory_space<vmem>>
        %dma_wait3A_259 = arith.constant 0 : i32
        %dma_wait3A_260 = arith.constant 0 : i32
        %dma_wait3A_261 = tpu.memref_slice %arg2[%dma_wait3A_259, %dma_wait3A_260] : memref<20000x128xf32, #tpu.memory_space<hbm>> -> memref<20000x128xf32, #tpu.memory_space<hbm>>
        tpu.wait_indirect_dma semaphore(%arg15 : memref<!tpu.dma_semaphore, #tpu.memory_space<semaphore_mem>>) src(%dma_wait3A_261 : memref<20000x128xf32, #tpu.memory_space<hbm>>) dst(%arg12 : memref<128x128xf32, #tpu.memory_space<vmem>>)
        "tpu.region"() ({
          %run_scoped3A = tpu.sem_alloc : memref<!tpu.dma_semaphore, #tpu.memory_space<semaphore_mem>>
          %dma_start3A_278 = arith.constant 0 : i32
          %dma_start3A_279 = tpu.memref_slice %arg9[%mul3A_247, %dma_start3A_278] : memref<8x128xi32, #tpu.memory_space<vmem>> -> memref<1x128xi32, #tpu.memory_space<vmem>>
          %dma_start3A_280 = tpu.memref_squeeze %dma_start3A_279 : memref<1x128xi32, #tpu.memory_space<vmem>> -> memref<128xi32, #tpu.memory_space<vmem>>
          %dma_start3A_281 = arith.constant 0 : i32
          %dma_start3A_282 = arith.constant 0 : i32
          %dma_start3A_283 = tpu.memref_slice %arg14[%dma_start3A_281, %dma_start3A_282] : memref<10240x128xf32, #tpu.memory_space<vmem_shared>> -> memref<10240x128xf32, #tpu.memory_space<vmem_shared>>
          tpu.enqueue_indirect_dma source(%arg12 : memref<128x128xf32, #tpu.memory_space<vmem>>) target(%dma_start3A_283 : memref<10240x128xf32, #tpu.memory_space<vmem_shared>>) offsets(%dma_start3A_280 : memref<128xi32, #tpu.memory_space<vmem>>) semaphore(%run_scoped3A : memref<!tpu.dma_semaphore, #tpu.memory_space<semaphore_mem>>) {add = true}
          %dma_wait3A_284 = arith.constant 0 : i32
          %dma_wait3A_285 = tpu.memref_slice %arg9[%mul3A_247, %dma_wait3A_284] : memref<8x128xi32, #tpu.memory_space<vmem>> -> memref<1x128xi32, #tpu.memory_space<vmem>>
          %dma_wait3A_286 = tpu.memref_squeeze %dma_wait3A_285 : memref<1x128xi32, #tpu.memory_space<vmem>> -> memref<128xi32, #tpu.memory_space<vmem>>
          %dma_wait3A_287 = arith.constant 0 : i32
          %dma_wait3A_288 = arith.constant 0 : i32
          %dma_wait3A_289 = tpu.memref_slice %arg14[%dma_wait3A_287, %dma_wait3A_288] : memref<10240x128xf32, #tpu.memory_space<vmem_shared>> -> memref<10240x128xf32, #tpu.memory_space<vmem_shared>>
          tpu.wait_indirect_dma semaphore(%run_scoped3A : memref<!tpu.dma_semaphore, #tpu.memory_space<semaphore_mem>>) src(%arg12 : memref<128x128xf32, #tpu.memory_space<vmem>>) dst(%dma_wait3A_289 : memref<10240x128xf32, #tpu.memory_space<vmem_shared>>)
          tpu.yield
        }) : () -> ()
        %lt3A_262 = arith.constant 3 : i32
        %lt3A_263 = arith.cmpi slt, %scan3A_244, %lt3A_262 : i32
        %convert_element_type3A_264 = arith.extui %lt3A_263 : i1 to i32
        %cond3A_265 = arith.constant 0 : i32
        %cond3A_266 = arith.cmpi ne, %convert_element_type3A_264, %cond3A_265 : i32
        scf.if %cond3A_266 {
          %add3A_278 = arith.constant 2 : i32
          %add3A_279 = arith.addi %mul3A_247, %add3A_278 : i32
          %dma_start3A_280 = arith.constant 0 : i32
          %dma_start3A_281 = tpu.memref_slice %arg8[%add3A_279, %dma_start3A_280] : memref<8x128xi32, #tpu.memory_space<vmem>> -> memref<1x128xi32, #tpu.memory_space<vmem>>
          %dma_start3A_282 = tpu.memref_squeeze %dma_start3A_281 : memref<1x128xi32, #tpu.memory_space<vmem>> -> memref<128xi32, #tpu.memory_space<vmem>>
          %dma_start3A_283 = arith.constant 0 : i32
          %dma_start3A_284 = arith.constant 0 : i32
          %dma_start3A_285 = tpu.memref_slice %arg2[%dma_start3A_283, %dma_start3A_284] : memref<20000x128xf32, #tpu.memory_space<hbm>> -> memref<20000x128xf32, #tpu.memory_space<hbm>>
          tpu.enqueue_indirect_dma source(%dma_start3A_285 : memref<20000x128xf32, #tpu.memory_space<hbm>>) target(%arg12 : memref<128x128xf32, #tpu.memory_space<vmem>>) offsets(%dma_start3A_282 : memref<128xi32, #tpu.memory_space<vmem>>) semaphore(%arg15 : memref<!tpu.dma_semaphore, #tpu.memory_space<semaphore_mem>>)
        } else {
        }
        %add3A_267 = arith.constant 1 : i32
        %add3A_268 = arith.addi %mul3A_247, %add3A_267 : i32
        %dma_wait3A_269 = arith.constant 0 : i32
        %dma_wait3A_270 = tpu.memref_slice %arg8[%add3A_268, %dma_wait3A_269] : memref<8x128xi32, #tpu.memory_space<vmem>> -> memref<1x128xi32, #tpu.memory_space<vmem>>
        %dma_wait3A_271 = tpu.memref_squeeze %dma_wait3A_270 : memref<1x128xi32, #tpu.memory_space<vmem>> -> memref<128xi32, #tpu.memory_space<vmem>>
        %dma_wait3A_272 = arith.constant 0 : i32
        %dma_wait3A_273 = arith.constant 0 : i32
        %dma_wait3A_274 = tpu.memref_slice %arg2[%dma_wait3A_272, %dma_wait3A_273] : memref<20000x128xf32, #tpu.memory_space<hbm>> -> memref<20000x128xf32, #tpu.memory_space<hbm>>
        tpu.wait_indirect_dma semaphore(%arg16 : memref<!tpu.dma_semaphore, #tpu.memory_space<semaphore_mem>>) src(%dma_wait3A_274 : memref<20000x128xf32, #tpu.memory_space<hbm>>) dst(%arg13 : memref<128x128xf32, #tpu.memory_space<vmem>>)
        %add3A_275 = arith.constant 1 : i32
        %add3A_276 = arith.addi %mul3A_247, %add3A_275 : i32
        "tpu.region"() ({
          %run_scoped3A = tpu.sem_alloc : memref<!tpu.dma_semaphore, #tpu.memory_space<semaphore_mem>>
          %dma_start3A_278 = arith.constant 0 : i32
          %dma_start3A_279 = tpu.memref_slice %arg9[%add3A_276, %dma_start3A_278] : memref<8x128xi32, #tpu.memory_space<vmem>> -> memref<1x128xi32, #tpu.memory_space<vmem>>
          %dma_start3A_280 = tpu.memref_squeeze %dma_start3A_279 : memref<1x128xi32, #tpu.memory_space<vmem>> -> memref<128xi32, #tpu.memory_space<vmem>>
          %dma_start3A_281 = arith.constant 0 : i32
          %dma_start3A_282 = arith.constant 0 : i32
          %dma_start3A_283 = tpu.memref_slice %arg14[%dma_start3A_281, %dma_start3A_282] : memref<10240x128xf32, #tpu.memory_space<vmem_shared>> -> memref<10240x128xf32, #tpu.memory_space<vmem_shared>>
          tpu.enqueue_indirect_dma source(%arg13 : memref<128x128xf32, #tpu.memory_space<vmem>>) target(%dma_start3A_283 : memref<10240x128xf32, #tpu.memory_space<vmem_shared>>) offsets(%dma_start3A_280 : memref<128xi32, #tpu.memory_space<vmem>>) semaphore(%run_scoped3A : memref<!tpu.dma_semaphore, #tpu.memory_space<semaphore_mem>>) {add = true}
          %dma_wait3A_284 = arith.constant 0 : i32
          %dma_wait3A_285 = tpu.memref_slice %arg9[%add3A_276, %dma_wait3A_284] : memref<8x128xi32, #tpu.memory_space<vmem>> -> memref<1x128xi32, #tpu.memory_space<vmem>>
          %dma_wait3A_286 = tpu.memref_squeeze %dma_wait3A_285 : memref<1x128xi32, #tpu.memory_space<vmem>> -> memref<128xi32, #tpu.memory_space<vmem>>
          %dma_wait3A_287 = arith.constant 0 : i32
          %dma_wait3A_288 = arith.constant 0 : i32
          %dma_wait3A_289 = tpu.memref_slice %arg14[%dma_wait3A_287, %dma_wait3A_288] : memref<10240x128xf32, #tpu.memory_space<vmem_shared>> -> memref<10240x128xf32, #tpu.memory_space<vmem_shared>>
          tpu.wait_indirect_dma semaphore(%run_scoped3A : memref<!tpu.dma_semaphore, #tpu.memory_space<semaphore_mem>>) src(%arg13 : memref<128x128xf32, #tpu.memory_space<vmem>>) dst(%dma_wait3A_289 : memref<10240x128xf32, #tpu.memory_space<vmem_shared>>)
          tpu.yield
        }) : () -> ()
        %scan3A_277 = arith.constant 0 : i32
        scf.yield %scan3A_277 : i32
      }
      %scan3A_200 = arith.constant 4 : i32
      %add3A_201 = arith.constant 1 : i32
      %add3A_202 = arith.addi %mul3A_141, %add3A_201 : i32
      %mul3A_203 = arith.constant 10 : i32
      %mul3A_204 = arith.muli %add3A, %mul3A_203 : i32
      %add3A_205 = arith.addi %mul3A_204, %add3A_202 : i32
      %dma_wait3A_206 = arith.constant 0 : i32
      %dma_wait3A_207 = arith.constant 0 : i32
      %dma_wait3A_208 = tpu.memref_slice %arg3[%add3A_205, %dma_wait3A_206, %dma_wait3A_207] : memref<320x8x128xi32, #tpu.memory_space<hbm>> -> memref<1x8x128xi32, #tpu.memory_space<hbm>>
      %dma_wait3A_209 = tpu.memref_squeeze %dma_wait3A_208 : memref<1x8x128xi32, #tpu.memory_space<hbm>> -> memref<8x128xi32, #tpu.memory_space<hbm>>
      %dma_wait3A_210 = arith.constant 0 : i32
      %dma_wait3A_211 = arith.constant 0 : i32
      %dma_wait3A_212 = tpu.memref_slice %arg3[%add3A_205, %dma_wait3A_210, %dma_wait3A_211] : memref<320x8x128xi32, #tpu.memory_space<hbm>> -> memref<1x8x128xi32, #tpu.memory_space<hbm>>
      %dma_wait3A_213 = tpu.memref_squeeze %dma_wait3A_212 : memref<1x8x128xi32, #tpu.memory_space<hbm>> -> memref<8x128xi32, #tpu.memory_space<hbm>>
      tpu.wait_dma2 semaphore(%arg18 : memref<!tpu.dma_semaphore, #tpu.memory_space<semaphore_mem>>) src(%dma_wait3A_213 : memref<8x128xi32, #tpu.memory_space<hbm>>) dst(%arg10 : memref<8x128xi32, #tpu.memory_space<vmem>>)
      %mul3A_214 = arith.constant 10 : i32
      %mul3A_215 = arith.muli %arg1, %mul3A_214 : i32
      %add3A_216 = arith.addi %mul3A_215, %add3A_202 : i32
      %dma_wait3A_217 = arith.constant 0 : i32
      %dma_wait3A_218 = arith.constant 0 : i32
      %dma_wait3A_219 = tpu.memref_slice %arg4[%add3A_216, %dma_wait3A_217, %dma_wait3A_218] : memref<160x8x128xi32, #tpu.memory_space<hbm>> -> memref<1x8x128xi32, #tpu.memory_space<hbm>>
      %dma_wait3A_220 = tpu.memref_squeeze %dma_wait3A_219 : memref<1x8x128xi32, #tpu.memory_space<hbm>> -> memref<8x128xi32, #tpu.memory_space<hbm>>
      %dma_wait3A_221 = arith.constant 0 : i32
      %dma_wait3A_222 = arith.constant 0 : i32
      %dma_wait3A_223 = tpu.memref_slice %arg4[%add3A_216, %dma_wait3A_221, %dma_wait3A_222] : memref<160x8x128xi32, #tpu.memory_space<hbm>> -> memref<1x8x128xi32, #tpu.memory_space<hbm>>
      %dma_wait3A_224 = tpu.memref_squeeze %dma_wait3A_223 : memref<1x8x128xi32, #tpu.memory_space<hbm>> -> memref<8x128xi32, #tpu.memory_space<hbm>>
      tpu.wait_dma2 semaphore(%arg18 : memref<!tpu.dma_semaphore, #tpu.memory_space<semaphore_mem>>) src(%dma_wait3A_224 : memref<8x128xi32, #tpu.memory_space<hbm>>) dst(%arg11 : memref<8x128xi32, #tpu.memory_space<vmem>>)
      %lt3A = arith.constant 4 : i32
      %lt3A_225 = arith.cmpi slt, %scan3A_138, %lt3A : i32
      %convert_element_type3A_226 = arith.extui %lt3A_225 : i1 to i32
      %cond3A_227 = arith.constant 0 : i32
      %cond3A_228 = arith.cmpi ne, %convert_element_type3A_226, %cond3A_227 : i32
      scf.if %cond3A_228 {
        %add3A_244 = arith.constant 2 : i32
        %add3A_245 = arith.addi %mul3A_141, %add3A_244 : i32
        %mul3A_246 = arith.constant 10 : i32
        %mul3A_247 = arith.muli %add3A, %mul3A_246 : i32
        %add3A_248 = arith.addi %mul3A_247, %add3A_245 : i32
        %dma_start3A_249 = arith.constant 0 : i32
        %dma_start3A_250 = arith.constant 0 : i32
        %dma_start3A_251 = tpu.memref_slice %arg3[%add3A_248, %dma_start3A_249, %dma_start3A_250] : memref<320x8x128xi32, #tpu.memory_space<hbm>> -> memref<1x8x128xi32, #tpu.memory_space<hbm>>
        %dma_start3A_252 = tpu.memref_squeeze %dma_start3A_251 : memref<1x8x128xi32, #tpu.memory_space<hbm>> -> memref<8x128xi32, #tpu.memory_space<hbm>>
        %dma_start3A_253 = arith.constant 0 : i32
        %dma_start3A_254 = arith.constant 0 : i32
        %dma_start3A_255 = tpu.memref_slice %arg3[%add3A_248, %dma_start3A_253, %dma_start3A_254] : memref<320x8x128xi32, #tpu.memory_space<hbm>> -> memref<1x8x128xi32, #tpu.memory_space<hbm>>
        %dma_start3A_256 = tpu.memref_squeeze %dma_start3A_255 : memref<1x8x128xi32, #tpu.memory_space<hbm>> -> memref<8x128xi32, #tpu.memory_space<hbm>>
        tpu.enqueue_dma source(%dma_start3A_256 : memref<8x128xi32, #tpu.memory_space<hbm>>) target(%arg8 : memref<8x128xi32, #tpu.memory_space<vmem>>) target_semaphore(%arg17 : memref<!tpu.dma_semaphore, #tpu.memory_space<semaphore_mem>>)
        %mul3A_257 = arith.constant 10 : i32
        %mul3A_258 = arith.muli %arg1, %mul3A_257 : i32
        %add3A_259 = arith.addi %mul3A_258, %add3A_245 : i32
        %dma_start3A_260 = arith.constant 0 : i32
        %dma_start3A_261 = arith.constant 0 : i32
        %dma_start3A_262 = tpu.memref_slice %arg4[%add3A_259, %dma_start3A_260, %dma_start3A_261] : memref<160x8x128xi32, #tpu.memory_space<hbm>> -> memref<1x8x128xi32, #tpu.memory_space<hbm>>
        %dma_start3A_263 = tpu.memref_squeeze %dma_start3A_262 : memref<1x8x128xi32, #tpu.memory_space<hbm>> -> memref<8x128xi32, #tpu.memory_space<hbm>>
        %dma_start3A_264 = arith.constant 0 : i32
        %dma_start3A_265 = arith.constant 0 : i32
        %dma_start3A_266 = tpu.memref_slice %arg4[%add3A_259, %dma_start3A_264, %dma_start3A_265] : memref<160x8x128xi32, #tpu.memory_space<hbm>> -> memref<1x8x128xi32, #tpu.memory_space<hbm>>
        %dma_start3A_267 = tpu.memref_squeeze %dma_start3A_266 : memref<1x8x128xi32, #tpu.memory_space<hbm>> -> memref<8x128xi32, #tpu.memory_space<hbm>>
        tpu.enqueue_dma source(%dma_start3A_267 : memref<8x128xi32, #tpu.memory_space<hbm>>) target(%arg9 : memref<8x128xi32, #tpu.memory_space<vmem>>) target_semaphore(%arg17 : memref<!tpu.dma_semaphore, #tpu.memory_space<semaphore_mem>>)
      } else {
      }
      %dma_start3A_229 = arith.constant 0 : i32
      %dma_start3A_230 = arith.constant 0 : i32
      %dma_start3A_231 = tpu.memref_slice %arg10[%dma_start3A_229, %dma_start3A_230] : memref<8x128xi32, #tpu.memory_space<vmem>> -> memref<1x128xi32, #tpu.memory_space<vmem>>
      %dma_start3A_232 = tpu.memref_squeeze %dma_start3A_231 : memref<1x128xi32, #tpu.memory_space<vmem>> -> memref<128xi32, #tpu.memory_space<vmem>>
      %dma_start3A_233 = arith.constant 0 : i32
      %dma_start3A_234 = arith.constant 0 : i32
      %dma_start3A_235 = tpu.memref_slice %arg2[%dma_start3A_233, %dma_start3A_234] : memref<20000x128xf32, #tpu.memory_space<hbm>> -> memref<20000x128xf32, #tpu.memory_space<hbm>>
      tpu.enqueue_indirect_dma source(%dma_start3A_235 : memref<20000x128xf32, #tpu.memory_space<hbm>>) target(%arg12 : memref<128x128xf32, #tpu.memory_space<vmem>>) offsets(%dma_start3A_232 : memref<128xi32, #tpu.memory_space<vmem>>) semaphore(%arg15 : memref<!tpu.dma_semaphore, #tpu.memory_space<semaphore_mem>>)
      %scan3A_236 = arith.constant 0 : i32
      %scan3A_237 = arith.constant 0 : i32
      %scan3A_238 = arith.constant 4 : i32
      %scan3A_239 = arith.addi %scan3A_237, %scan3A_238 : i32
      %scan3A_240 = arith.constant 1 : i32
      %scan3A_241 = scf.for %scan3A_244 = %scan3A_237 to %scan3A_239 step %scan3A_240 iter_args(%scan3A_245 = %scan3A_236) -> (i32)  : i32 {
        %mul3A_246 = arith.constant 2 : i32
        %mul3A_247 = arith.muli %mul3A_246, %scan3A_244 : i32
        %add3A_248 = arith.constant 1 : i32
        %add3A_249 = arith.addi %mul3A_247, %add3A_248 : i32
        %dma_start3A_250 = arith.constant 0 : i32
        %dma_start3A_251 = tpu.memref_slice %arg10[%add3A_249, %dma_start3A_250] : memref<8x128xi32, #tpu.memory_space<vmem>> -> memref<1x128xi32, #tpu.memory_space<vmem>>
        %dma_start3A_252 = tpu.memref_squeeze %dma_start3A_251 : memref<1x128xi32, #tpu.memory_space<vmem>> -> memref<128xi32, #tpu.memory_space<vmem>>
        %dma_start3A_253 = arith.constant 0 : i32
        %dma_start3A_254 = arith.constant 0 : i32
        %dma_start3A_255 = tpu.memref_slice %arg2[%dma_start3A_253, %dma_start3A_254] : memref<20000x128xf32, #tpu.memory_space<hbm>> -> memref<20000x128xf32, #tpu.memory_space<hbm>>
        tpu.enqueue_indirect_dma source(%dma_start3A_255 : memref<20000x128xf32, #tpu.memory_space<hbm>>) target(%arg13 : memref<128x128xf32, #tpu.memory_space<vmem>>) offsets(%dma_start3A_252 : memref<128xi32, #tpu.memory_space<vmem>>) semaphore(%arg16 : memref<!tpu.dma_semaphore, #tpu.memory_space<semaphore_mem>>)
        %dma_wait3A_256 = arith.constant 0 : i32
        %dma_wait3A_257 = tpu.memref_slice %arg10[%mul3A_247, %dma_wait3A_256] : memref<8x128xi32, #tpu.memory_space<vmem>> -> memref<1x128xi32, #tpu.memory_space<vmem>>
        %dma_wait3A_258 = tpu.memref_squeeze %dma_wait3A_257 : memref<1x128xi32, #tpu.memory_space<vmem>> -> memref<128xi32, #tpu.memory_space<vmem>>
        %dma_wait3A_259 = arith.constant 0 : i32
        %dma_wait3A_260 = arith.constant 0 : i32
        %dma_wait3A_261 = tpu.memref_slice %arg2[%dma_wait3A_259, %dma_wait3A_260] : memref<20000x128xf32, #tpu.memory_space<hbm>> -> memref<20000x128xf32, #tpu.memory_space<hbm>>
        tpu.wait_indirect_dma semaphore(%arg15 : memref<!tpu.dma_semaphore, #tpu.memory_space<semaphore_mem>>) src(%dma_wait3A_261 : memref<20000x128xf32, #tpu.memory_space<hbm>>) dst(%arg12 : memref<128x128xf32, #tpu.memory_space<vmem>>)
        "tpu.region"() ({
          %run_scoped3A = tpu.sem_alloc : memref<!tpu.dma_semaphore, #tpu.memory_space<semaphore_mem>>
          %dma_start3A_278 = arith.constant 0 : i32
          %dma_start3A_279 = tpu.memref_slice %arg11[%mul3A_247, %dma_start3A_278] : memref<8x128xi32, #tpu.memory_space<vmem>> -> memref<1x128xi32, #tpu.memory_space<vmem>>
          %dma_start3A_280 = tpu.memref_squeeze %dma_start3A_279 : memref<1x128xi32, #tpu.memory_space<vmem>> -> memref<128xi32, #tpu.memory_space<vmem>>
          %dma_start3A_281 = arith.constant 0 : i32
          %dma_start3A_282 = arith.constant 0 : i32
          %dma_start3A_283 = tpu.memref_slice %arg14[%dma_start3A_281, %dma_start3A_282] : memref<10240x128xf32, #tpu.memory_space<vmem_shared>> -> memref<10240x128xf32, #tpu.memory_space<vmem_shared>>
          tpu.enqueue_indirect_dma source(%arg12 : memref<128x128xf32, #tpu.memory_space<vmem>>) target(%dma_start3A_283 : memref<10240x128xf32, #tpu.memory_space<vmem_shared>>) offsets(%dma_start3A_280 : memref<128xi32, #tpu.memory_space<vmem>>) semaphore(%run_scoped3A : memref<!tpu.dma_semaphore, #tpu.memory_space<semaphore_mem>>) {add = true}
          %dma_wait3A_284 = arith.constant 0 : i32
          %dma_wait3A_285 = tpu.memref_slice %arg11[%mul3A_247, %dma_wait3A_284] : memref<8x128xi32, #tpu.memory_space<vmem>> -> memref<1x128xi32, #tpu.memory_space<vmem>>
          %dma_wait3A_286 = tpu.memref_squeeze %dma_wait3A_285 : memref<1x128xi32, #tpu.memory_space<vmem>> -> memref<128xi32, #tpu.memory_space<vmem>>
          %dma_wait3A_287 = arith.constant 0 : i32
          %dma_wait3A_288 = arith.constant 0 : i32
          %dma_wait3A_289 = tpu.memref_slice %arg14[%dma_wait3A_287, %dma_wait3A_288] : memref<10240x128xf32, #tpu.memory_space<vmem_shared>> -> memref<10240x128xf32, #tpu.memory_space<vmem_shared>>
          tpu.wait_indirect_dma semaphore(%run_scoped3A : memref<!tpu.dma_semaphore, #tpu.memory_space<semaphore_mem>>) src(%arg12 : memref<128x128xf32, #tpu.memory_space<vmem>>) dst(%dma_wait3A_289 : memref<10240x128xf32, #tpu.memory_space<vmem_shared>>)
          tpu.yield
        }) : () -> ()
        %lt3A_262 = arith.constant 3 : i32
        %lt3A_263 = arith.cmpi slt, %scan3A_244, %lt3A_262 : i32
        %convert_element_type3A_264 = arith.extui %lt3A_263 : i1 to i32
        %cond3A_265 = arith.constant 0 : i32
        %cond3A_266 = arith.cmpi ne, %convert_element_type3A_264, %cond3A_265 : i32
        scf.if %cond3A_266 {
          %add3A_278 = arith.constant 2 : i32
          %add3A_279 = arith.addi %mul3A_247, %add3A_278 : i32
          %dma_start3A_280 = arith.constant 0 : i32
          %dma_start3A_281 = tpu.memref_slice %arg10[%add3A_279, %dma_start3A_280] : memref<8x128xi32, #tpu.memory_space<vmem>> -> memref<1x128xi32, #tpu.memory_space<vmem>>
          %dma_start3A_282 = tpu.memref_squeeze %dma_start3A_281 : memref<1x128xi32, #tpu.memory_space<vmem>> -> memref<128xi32, #tpu.memory_space<vmem>>
          %dma_start3A_283 = arith.constant 0 : i32
          %dma_start3A_284 = arith.constant 0 : i32
          %dma_start3A_285 = tpu.memref_slice %arg2[%dma_start3A_283, %dma_start3A_284] : memref<20000x128xf32, #tpu.memory_space<hbm>> -> memref<20000x128xf32, #tpu.memory_space<hbm>>
          tpu.enqueue_indirect_dma source(%dma_start3A_285 : memref<20000x128xf32, #tpu.memory_space<hbm>>) target(%arg12 : memref<128x128xf32, #tpu.memory_space<vmem>>) offsets(%dma_start3A_282 : memref<128xi32, #tpu.memory_space<vmem>>) semaphore(%arg15 : memref<!tpu.dma_semaphore, #tpu.memory_space<semaphore_mem>>)
        } else {
        }
        %add3A_267 = arith.constant 1 : i32
        %add3A_268 = arith.addi %mul3A_247, %add3A_267 : i32
        %dma_wait3A_269 = arith.constant 0 : i32
        %dma_wait3A_270 = tpu.memref_slice %arg10[%add3A_268, %dma_wait3A_269] : memref<8x128xi32, #tpu.memory_space<vmem>> -> memref<1x128xi32, #tpu.memory_space<vmem>>
        %dma_wait3A_271 = tpu.memref_squeeze %dma_wait3A_270 : memref<1x128xi32, #tpu.memory_space<vmem>> -> memref<128xi32, #tpu.memory_space<vmem>>
        %dma_wait3A_272 = arith.constant 0 : i32
        %dma_wait3A_273 = arith.constant 0 : i32
        %dma_wait3A_274 = tpu.memref_slice %arg2[%dma_wait3A_272, %dma_wait3A_273] : memref<20000x128xf32, #tpu.memory_space<hbm>> -> memref<20000x128xf32, #tpu.memory_space<hbm>>
        tpu.wait_indirect_dma semaphore(%arg16 : memref<!tpu.dma_semaphore, #tpu.memory_space<semaphore_mem>>) src(%dma_wait3A_274 : memref<20000x128xf32, #tpu.memory_space<hbm>>) dst(%arg13 : memref<128x128xf32, #tpu.memory_space<vmem>>)
        %add3A_275 = arith.constant 1 : i32
        %add3A_276 = arith.addi %mul3A_247, %add3A_275 : i32
        "tpu.region"() ({
          %run_scoped3A = tpu.sem_alloc : memref<!tpu.dma_semaphore, #tpu.memory_space<semaphore_mem>>
          %dma_start3A_278 = arith.constant 0 : i32
          %dma_start3A_279 = tpu.memref_slice %arg11[%add3A_276, %dma_start3A_278] : memref<8x128xi32, #tpu.memory_space<vmem>> -> memref<1x128xi32, #tpu.memory_space<vmem>>
          %dma_start3A_280 = tpu.memref_squeeze %dma_start3A_279 : memref<1x128xi32, #tpu.memory_space<vmem>> -> memref<128xi32, #tpu.memory_space<vmem>>
          %dma_start3A_281 = arith.constant 0 : i32
          %dma_start3A_282 = arith.constant 0 : i32
          %dma_start3A_283 = tpu.memref_slice %arg14[%dma_start3A_281, %dma_start3A_282] : memref<10240x128xf32, #tpu.memory_space<vmem_shared>> -> memref<10240x128xf32, #tpu.memory_space<vmem_shared>>
          tpu.enqueue_indirect_dma source(%arg13 : memref<128x128xf32, #tpu.memory_space<vmem>>) target(%dma_start3A_283 : memref<10240x128xf32, #tpu.memory_space<vmem_shared>>) offsets(%dma_start3A_280 : memref<128xi32, #tpu.memory_space<vmem>>) semaphore(%run_scoped3A : memref<!tpu.dma_semaphore, #tpu.memory_space<semaphore_mem>>) {add = true}
          %dma_wait3A_284 = arith.constant 0 : i32
          %dma_wait3A_285 = tpu.memref_slice %arg11[%add3A_276, %dma_wait3A_284] : memref<8x128xi32, #tpu.memory_space<vmem>> -> memref<1x128xi32, #tpu.memory_space<vmem>>
          %dma_wait3A_286 = tpu.memref_squeeze %dma_wait3A_285 : memref<1x128xi32, #tpu.memory_space<vmem>> -> memref<128xi32, #tpu.memory_space<vmem>>
          %dma_wait3A_287 = arith.constant 0 : i32
          %dma_wait3A_288 = arith.constant 0 : i32
          %dma_wait3A_289 = tpu.memref_slice %arg14[%dma_wait3A_287, %dma_wait3A_288] : memref<10240x128xf32, #tpu.memory_space<vmem_shared>> -> memref<10240x128xf32, #tpu.memory_space<vmem_shared>>
          tpu.wait_indirect_dma semaphore(%run_scoped3A : memref<!tpu.dma_semaphore, #tpu.memory_space<semaphore_mem>>) src(%arg13 : memref<128x128xf32, #tpu.memory_space<vmem>>) dst(%dma_wait3A_289 : memref<10240x128xf32, #tpu.memory_space<vmem_shared>>)
          tpu.yield
        }) : () -> ()
        %scan3A_277 = arith.constant 0 : i32
        scf.yield %scan3A_277 : i32
      }
      %scan3A_242 = arith.constant 4 : i32
      %scan3A_243 = arith.constant 0 : i32
      scf.yield %scan3A_243 : i32
    }
    %scan3A_59 = arith.constant 5 : i32
    %barrier3A_60 = arith.constant 0 : index
    tpu.barrier barrier_id(%barrier3A_60)
    %mul3A_61 = arith.constant 5 : i32
    %mul3A_62 = arith.muli %arg1, %mul3A_61 : i32
    %add3A_63 = arith.constant 0 : i32
    %add3A_64 = arith.addi %mul3A_62, %add3A_63 : i32
    %mul3A_65 = arith.constant 128 : i32
    %mul3A_66 = arith.muli %add3A_64, %mul3A_65 : i32
    "tpu.region"() ({
      %run_scoped3A = tpu.sem_alloc : memref<!tpu.dma_semaphore, #tpu.memory_space<semaphore_mem>>
      %dma_start3A_138 = arith.constant 0 : i32
      %dma_start3A_139 = tpu.memref_slice %arg14[%mul3A_66, %dma_start3A_138] : memref<10240x128xf32, #tpu.memory_space<vmem_shared>> -> memref<128x128xf32, #tpu.memory_space<vmem_shared>>
      %dma_start3A_140 = arith.constant 0 : i32
      %dma_start3A_141 = tpu.memref_slice %arg14[%mul3A_66, %dma_start3A_140] : memref<10240x128xf32, #tpu.memory_space<vmem_shared>> -> memref<128x128xf32, #tpu.memory_space<vmem_shared>>
      tpu.enqueue_dma source(%dma_start3A_141 : memref<128x128xf32, #tpu.memory_space<vmem_shared>>) target(%arg12 : memref<128x128xf32, #tpu.memory_space<vmem>>) target_semaphore(%run_scoped3A : memref<!tpu.dma_semaphore, #tpu.memory_space<semaphore_mem>>)
      %dma_wait3A = arith.constant 0 : i32
      %dma_wait3A_142 = tpu.memref_slice %arg14[%mul3A_66, %dma_wait3A] : memref<10240x128xf32, #tpu.memory_space<vmem_shared>> -> memref<128x128xf32, #tpu.memory_space<vmem_shared>>
      %dma_wait3A_143 = arith.constant 0 : i32
      %dma_wait3A_144 = tpu.memref_slice %arg14[%mul3A_66, %dma_wait3A_143] : memref<10240x128xf32, #tpu.memory_space<vmem_shared>> -> memref<128x128xf32, #tpu.memory_space<vmem_shared>>
      tpu.wait_dma2 semaphore(%run_scoped3A : memref<!tpu.dma_semaphore, #tpu.memory_space<semaphore_mem>>) src(%dma_wait3A_144 : memref<128x128xf32, #tpu.memory_space<vmem_shared>>) dst(%arg12 : memref<128x128xf32, #tpu.memory_space<vmem>>)
      tpu.yield
    }) : () -> ()
    %eq3A = arith.constant 0 : i32
    %eq3A_67 = arith.cmpi eq, %arg0, %eq3A : i32
    %convert_element_type3A = arith.extui %eq3A_67 : i1 to i32
    %cond3A = arith.constant 0 : i32
    %cond3A_68 = arith.cmpi ne, %convert_element_type3A, %cond3A : i32
    scf.if %cond3A_68 {
      "tpu.region"() ({
        %run_scoped3A = tpu.sem_alloc : memref<!tpu.dma_semaphore, #tpu.memory_space<semaphore_mem>>
        %dma_start3A_138 = arith.constant 0 : i32
        %dma_start3A_139 = tpu.memref_slice %arg6[%mul3A_66, %dma_start3A_138] : memref<10240x128xf32, #tpu.memory_space<hbm>> -> memref<128x128xf32, #tpu.memory_space<hbm>>
        %dma_start3A_140 = arith.constant 0 : i32
        %dma_start3A_141 = tpu.memref_slice %arg6[%mul3A_66, %dma_start3A_140] : memref<10240x128xf32, #tpu.memory_space<hbm>> -> memref<128x128xf32, #tpu.memory_space<hbm>>
        tpu.enqueue_dma source(%arg12 : memref<128x128xf32, #tpu.memory_space<vmem>>) target(%dma_start3A_141 : memref<128x128xf32, #tpu.memory_space<hbm>>) target_semaphore(%run_scoped3A : memref<!tpu.dma_semaphore, #tpu.memory_space<semaphore_mem>>)
        %dma_wait3A = arith.constant 0 : i32
        %dma_wait3A_142 = tpu.memref_slice %arg6[%mul3A_66, %dma_wait3A] : memref<10240x128xf32, #tpu.memory_space<hbm>> -> memref<128x128xf32, #tpu.memory_space<hbm>>
        %dma_wait3A_143 = arith.constant 0 : i32
        %dma_wait3A_144 = tpu.memref_slice %arg6[%mul3A_66, %dma_wait3A_143] : memref<10240x128xf32, #tpu.memory_space<hbm>> -> memref<128x128xf32, #tpu.memory_space<hbm>>
        tpu.wait_dma2 semaphore(%run_scoped3A : memref<!tpu.dma_semaphore, #tpu.memory_space<semaphore_mem>>) src(%arg12 : memref<128x128xf32, #tpu.memory_space<vmem>>) dst(%dma_wait3A_144 : memref<128x128xf32, #tpu.memory_space<hbm>>)
        tpu.yield
      }) : () -> ()
    } else {
    }
    %eq3A_69 = arith.constant 1 : i32
    %eq3A_70 = arith.cmpi eq, %arg0, %eq3A_69 : i32
    %convert_element_type3A_71 = arith.extui %eq3A_70 : i1 to i32
    %cond3A_72 = arith.constant 0 : i32
    %cond3A_73 = arith.cmpi ne, %convert_element_type3A_71, %cond3A_72 : i32
    scf.if %cond3A_73 {
      "tpu.region"() ({
        %run_scoped3A = tpu.sem_alloc : memref<!tpu.dma_semaphore, #tpu.memory_space<semaphore_mem>>
        %dma_start3A_138 = arith.constant 0 : i32
        %dma_start3A_139 = tpu.memref_slice %arg7[%mul3A_66, %dma_start3A_138] : memref<10240x128xf32, #tpu.memory_space<hbm>> -> memref<128x128xf32, #tpu.memory_space<hbm>>
        %dma_start3A_140 = arith.constant 0 : i32
        %dma_start3A_141 = tpu.memref_slice %arg7[%mul3A_66, %dma_start3A_140] : memref<10240x128xf32, #tpu.memory_space<hbm>> -> memref<128x128xf32, #tpu.memory_space<hbm>>
        tpu.enqueue_dma source(%arg12 : memref<128x128xf32, #tpu.memory_space<vmem>>) target(%dma_start3A_141 : memref<128x128xf32, #tpu.memory_space<hbm>>) target_semaphore(%run_scoped3A : memref<!tpu.dma_semaphore, #tpu.memory_space<semaphore_mem>>)
        %dma_wait3A = arith.constant 0 : i32
        %dma_wait3A_142 = tpu.memref_slice %arg7[%mul3A_66, %dma_wait3A] : memref<10240x128xf32, #tpu.memory_space<hbm>> -> memref<128x128xf32, #tpu.memory_space<hbm>>
        %dma_wait3A_143 = arith.constant 0 : i32
        %dma_wait3A_144 = tpu.memref_slice %arg7[%mul3A_66, %dma_wait3A_143] : memref<10240x128xf32, #tpu.memory_space<hbm>> -> memref<128x128xf32, #tpu.memory_space<hbm>>
        tpu.wait_dma2 semaphore(%run_scoped3A : memref<!tpu.dma_semaphore, #tpu.memory_space<semaphore_mem>>) src(%arg12 : memref<128x128xf32, #tpu.memory_space<vmem>>) dst(%dma_wait3A_144 : memref<128x128xf32, #tpu.memory_space<hbm>>)
        tpu.yield
      }) : () -> ()
    } else {
    }
    %mul3A_74 = arith.constant 5 : i32
    %mul3A_75 = arith.muli %arg1, %mul3A_74 : i32
    %add3A_76 = arith.constant 1 : i32
    %add3A_77 = arith.addi %mul3A_75, %add3A_76 : i32
    %mul3A_78 = arith.constant 128 : i32
    %mul3A_79 = arith.muli %add3A_77, %mul3A_78 : i32
    "tpu.region"() ({
      %run_scoped3A = tpu.sem_alloc : memref<!tpu.dma_semaphore, #tpu.memory_space<semaphore_mem>>
      %dma_start3A_138 = arith.constant 0 : i32
      %dma_start3A_139 = tpu.memref_slice %arg14[%mul3A_79, %dma_start3A_138] : memref<10240x128xf32, #tpu.memory_space<vmem_shared>> -> memref<128x128xf32, #tpu.memory_space<vmem_shared>>
      %dma_start3A_140 = arith.constant 0 : i32
      %dma_start3A_141 = tpu.memref_slice %arg14[%mul3A_79, %dma_start3A_140] : memref<10240x128xf32, #tpu.memory_space<vmem_shared>> -> memref<128x128xf32, #tpu.memory_space<vmem_shared>>
      tpu.enqueue_dma source(%dma_start3A_141 : memref<128x128xf32, #tpu.memory_space<vmem_shared>>) target(%arg12 : memref<128x128xf32, #tpu.memory_space<vmem>>) target_semaphore(%run_scoped3A : memref<!tpu.dma_semaphore, #tpu.memory_space<semaphore_mem>>)
      %dma_wait3A = arith.constant 0 : i32
      %dma_wait3A_142 = tpu.memref_slice %arg14[%mul3A_79, %dma_wait3A] : memref<10240x128xf32, #tpu.memory_space<vmem_shared>> -> memref<128x128xf32, #tpu.memory_space<vmem_shared>>
      %dma_wait3A_143 = arith.constant 0 : i32
      %dma_wait3A_144 = tpu.memref_slice %arg14[%mul3A_79, %dma_wait3A_143] : memref<10240x128xf32, #tpu.memory_space<vmem_shared>> -> memref<128x128xf32, #tpu.memory_space<vmem_shared>>
      tpu.wait_dma2 semaphore(%run_scoped3A : memref<!tpu.dma_semaphore, #tpu.memory_space<semaphore_mem>>) src(%dma_wait3A_144 : memref<128x128xf32, #tpu.memory_space<vmem_shared>>) dst(%arg12 : memref<128x128xf32, #tpu.memory_space<vmem>>)
      tpu.yield
    }) : () -> ()
    %eq3A_80 = arith.constant 0 : i32
    %eq3A_81 = arith.cmpi eq, %arg0, %eq3A_80 : i32
    %convert_element_type3A_82 = arith.extui %eq3A_81 : i1 to i32
    %cond3A_83 = arith.constant 0 : i32
    %cond3A_84 = arith.cmpi ne, %convert_element_type3A_82, %cond3A_83 : i32
    scf.if %cond3A_84 {
      "tpu.region"() ({
        %run_scoped3A = tpu.sem_alloc : memref<!tpu.dma_semaphore, #tpu.memory_space<semaphore_mem>>
        %dma_start3A_138 = arith.constant 0 : i32
        %dma_start3A_139 = tpu.memref_slice %arg6[%mul3A_79, %dma_start3A_138] : memref<10240x128xf32, #tpu.memory_space<hbm>> -> memref<128x128xf32, #tpu.memory_space<hbm>>
        %dma_start3A_140 = arith.constant 0 : i32
        %dma_start3A_141 = tpu.memref_slice %arg6[%mul3A_79, %dma_start3A_140] : memref<10240x128xf32, #tpu.memory_space<hbm>> -> memref<128x128xf32, #tpu.memory_space<hbm>>
        tpu.enqueue_dma source(%arg12 : memref<128x128xf32, #tpu.memory_space<vmem>>) target(%dma_start3A_141 : memref<128x128xf32, #tpu.memory_space<hbm>>) target_semaphore(%run_scoped3A : memref<!tpu.dma_semaphore, #tpu.memory_space<semaphore_mem>>)
        %dma_wait3A = arith.constant 0 : i32
        %dma_wait3A_142 = tpu.memref_slice %arg6[%mul3A_79, %dma_wait3A] : memref<10240x128xf32, #tpu.memory_space<hbm>> -> memref<128x128xf32, #tpu.memory_space<hbm>>
        %dma_wait3A_143 = arith.constant 0 : i32
        %dma_wait3A_144 = tpu.memref_slice %arg6[%mul3A_79, %dma_wait3A_143] : memref<10240x128xf32, #tpu.memory_space<hbm>> -> memref<128x128xf32, #tpu.memory_space<hbm>>
        tpu.wait_dma2 semaphore(%run_scoped3A : memref<!tpu.dma_semaphore, #tpu.memory_space<semaphore_mem>>) src(%arg12 : memref<128x128xf32, #tpu.memory_space<vmem>>) dst(%dma_wait3A_144 : memref<128x128xf32, #tpu.memory_space<hbm>>)
        tpu.yield
      }) : () -> ()
    } else {
    }
    %eq3A_85 = arith.constant 1 : i32
    %eq3A_86 = arith.cmpi eq, %arg0, %eq3A_85 : i32
    %convert_element_type3A_87 = arith.extui %eq3A_86 : i1 to i32
    %cond3A_88 = arith.constant 0 : i32
    %cond3A_89 = arith.cmpi ne, %convert_element_type3A_87, %cond3A_88 : i32
    scf.if %cond3A_89 {
      "tpu.region"() ({
        %run_scoped3A = tpu.sem_alloc : memref<!tpu.dma_semaphore, #tpu.memory_space<semaphore_mem>>
        %dma_start3A_138 = arith.constant 0 : i32
        %dma_start3A_139 = tpu.memref_slice %arg7[%mul3A_79, %dma_start3A_138] : memref<10240x128xf32, #tpu.memory_space<hbm>> -> memref<128x128xf32, #tpu.memory_space<hbm>>
        %dma_start3A_140 = arith.constant 0 : i32
        %dma_start3A_141 = tpu.memref_slice %arg7[%mul3A_79, %dma_start3A_140] : memref<10240x128xf32, #tpu.memory_space<hbm>> -> memref<128x128xf32, #tpu.memory_space<hbm>>
        tpu.enqueue_dma source(%arg12 : memref<128x128xf32, #tpu.memory_space<vmem>>) target(%dma_start3A_141 : memref<128x128xf32, #tpu.memory_space<hbm>>) target_semaphore(%run_scoped3A : memref<!tpu.dma_semaphore, #tpu.memory_space<semaphore_mem>>)
        %dma_wait3A = arith.constant 0 : i32
        %dma_wait3A_142 = tpu.memref_slice %arg7[%mul3A_79, %dma_wait3A] : memref<10240x128xf32, #tpu.memory_space<hbm>> -> memref<128x128xf32, #tpu.memory_space<hbm>>
        %dma_wait3A_143 = arith.constant 0 : i32
        %dma_wait3A_144 = tpu.memref_slice %arg7[%mul3A_79, %dma_wait3A_143] : memref<10240x128xf32, #tpu.memory_space<hbm>> -> memref<128x128xf32, #tpu.memory_space<hbm>>
        tpu.wait_dma2 semaphore(%run_scoped3A : memref<!tpu.dma_semaphore, #tpu.memory_space<semaphore_mem>>) src(%arg12 : memref<128x128xf32, #tpu.memory_space<vmem>>) dst(%dma_wait3A_144 : memref<128x128xf32, #tpu.memory_space<hbm>>)
        tpu.yield
      }) : () -> ()
    } else {
    }
    %mul3A_90 = arith.constant 5 : i32
    %mul3A_91 = arith.muli %arg1, %mul3A_90 : i32
    %add3A_92 = arith.constant 2 : i32
    %add3A_93 = arith.addi %mul3A_91, %add3A_92 : i32
    %mul3A_94 = arith.constant 128 : i32
    %mul3A_95 = arith.muli %add3A_93, %mul3A_94 : i32
    "tpu.region"() ({
      %run_scoped3A = tpu.sem_alloc : memref<!tpu.dma_semaphore, #tpu.memory_space<semaphore_mem>>
      %dma_start3A_138 = arith.constant 0 : i32
      %dma_start3A_139 = tpu.memref_slice %arg14[%mul3A_95, %dma_start3A_138] : memref<10240x128xf32, #tpu.memory_space<vmem_shared>> -> memref<128x128xf32, #tpu.memory_space<vmem_shared>>
      %dma_start3A_140 = arith.constant 0 : i32
      %dma_start3A_141 = tpu.memref_slice %arg14[%mul3A_95, %dma_start3A_140] : memref<10240x128xf32, #tpu.memory_space<vmem_shared>> -> memref<128x128xf32, #tpu.memory_space<vmem_shared>>
      tpu.enqueue_dma source(%dma_start3A_141 : memref<128x128xf32, #tpu.memory_space<vmem_shared>>) target(%arg12 : memref<128x128xf32, #tpu.memory_space<vmem>>) target_semaphore(%run_scoped3A : memref<!tpu.dma_semaphore, #tpu.memory_space<semaphore_mem>>)
      %dma_wait3A = arith.constant 0 : i32
      %dma_wait3A_142 = tpu.memref_slice %arg14[%mul3A_95, %dma_wait3A] : memref<10240x128xf32, #tpu.memory_space<vmem_shared>> -> memref<128x128xf32, #tpu.memory_space<vmem_shared>>
      %dma_wait3A_143 = arith.constant 0 : i32
      %dma_wait3A_144 = tpu.memref_slice %arg14[%mul3A_95, %dma_wait3A_143] : memref<10240x128xf32, #tpu.memory_space<vmem_shared>> -> memref<128x128xf32, #tpu.memory_space<vmem_shared>>
      tpu.wait_dma2 semaphore(%run_scoped3A : memref<!tpu.dma_semaphore, #tpu.memory_space<semaphore_mem>>) src(%dma_wait3A_144 : memref<128x128xf32, #tpu.memory_space<vmem_shared>>) dst(%arg12 : memref<128x128xf32, #tpu.memory_space<vmem>>)
      tpu.yield
    }) : () -> ()
    %eq3A_96 = arith.constant 0 : i32
    %eq3A_97 = arith.cmpi eq, %arg0, %eq3A_96 : i32
    %convert_element_type3A_98 = arith.extui %eq3A_97 : i1 to i32
    %cond3A_99 = arith.constant 0 : i32
    %cond3A_100 = arith.cmpi ne, %convert_element_type3A_98, %cond3A_99 : i32
    scf.if %cond3A_100 {
      "tpu.region"() ({
        %run_scoped3A = tpu.sem_alloc : memref<!tpu.dma_semaphore, #tpu.memory_space<semaphore_mem>>
        %dma_start3A_138 = arith.constant 0 : i32
        %dma_start3A_139 = tpu.memref_slice %arg6[%mul3A_95, %dma_start3A_138] : memref<10240x128xf32, #tpu.memory_space<hbm>> -> memref<128x128xf32, #tpu.memory_space<hbm>>
        %dma_start3A_140 = arith.constant 0 : i32
        %dma_start3A_141 = tpu.memref_slice %arg6[%mul3A_95, %dma_start3A_140] : memref<10240x128xf32, #tpu.memory_space<hbm>> -> memref<128x128xf32, #tpu.memory_space<hbm>>
        tpu.enqueue_dma source(%arg12 : memref<128x128xf32, #tpu.memory_space<vmem>>) target(%dma_start3A_141 : memref<128x128xf32, #tpu.memory_space<hbm>>) target_semaphore(%run_scoped3A : memref<!tpu.dma_semaphore, #tpu.memory_space<semaphore_mem>>)
        %dma_wait3A = arith.constant 0 : i32
        %dma_wait3A_142 = tpu.memref_slice %arg6[%mul3A_95, %dma_wait3A] : memref<10240x128xf32, #tpu.memory_space<hbm>> -> memref<128x128xf32, #tpu.memory_space<hbm>>
        %dma_wait3A_143 = arith.constant 0 : i32
        %dma_wait3A_144 = tpu.memref_slice %arg6[%mul3A_95, %dma_wait3A_143] : memref<10240x128xf32, #tpu.memory_space<hbm>> -> memref<128x128xf32, #tpu.memory_space<hbm>>
        tpu.wait_dma2 semaphore(%run_scoped3A : memref<!tpu.dma_semaphore, #tpu.memory_space<semaphore_mem>>) src(%arg12 : memref<128x128xf32, #tpu.memory_space<vmem>>) dst(%dma_wait3A_144 : memref<128x128xf32, #tpu.memory_space<hbm>>)
        tpu.yield
      }) : () -> ()
    } else {
    }
    %eq3A_101 = arith.constant 1 : i32
    %eq3A_102 = arith.cmpi eq, %arg0, %eq3A_101 : i32
    %convert_element_type3A_103 = arith.extui %eq3A_102 : i1 to i32
    %cond3A_104 = arith.constant 0 : i32
    %cond3A_105 = arith.cmpi ne, %convert_element_type3A_103, %cond3A_104 : i32
    scf.if %cond3A_105 {
      "tpu.region"() ({
        %run_scoped3A = tpu.sem_alloc : memref<!tpu.dma_semaphore, #tpu.memory_space<semaphore_mem>>
        %dma_start3A_138 = arith.constant 0 : i32
        %dma_start3A_139 = tpu.memref_slice %arg7[%mul3A_95, %dma_start3A_138] : memref<10240x128xf32, #tpu.memory_space<hbm>> -> memref<128x128xf32, #tpu.memory_space<hbm>>
        %dma_start3A_140 = arith.constant 0 : i32
        %dma_start3A_141 = tpu.memref_slice %arg7[%mul3A_95, %dma_start3A_140] : memref<10240x128xf32, #tpu.memory_space<hbm>> -> memref<128x128xf32, #tpu.memory_space<hbm>>
        tpu.enqueue_dma source(%arg12 : memref<128x128xf32, #tpu.memory_space<vmem>>) target(%dma_start3A_141 : memref<128x128xf32, #tpu.memory_space<hbm>>) target_semaphore(%run_scoped3A : memref<!tpu.dma_semaphore, #tpu.memory_space<semaphore_mem>>)
        %dma_wait3A = arith.constant 0 : i32
        %dma_wait3A_142 = tpu.memref_slice %arg7[%mul3A_95, %dma_wait3A] : memref<10240x128xf32, #tpu.memory_space<hbm>> -> memref<128x128xf32, #tpu.memory_space<hbm>>
        %dma_wait3A_143 = arith.constant 0 : i32
        %dma_wait3A_144 = tpu.memref_slice %arg7[%mul3A_95, %dma_wait3A_143] : memref<10240x128xf32, #tpu.memory_space<hbm>> -> memref<128x128xf32, #tpu.memory_space<hbm>>
        tpu.wait_dma2 semaphore(%run_scoped3A : memref<!tpu.dma_semaphore, #tpu.memory_space<semaphore_mem>>) src(%arg12 : memref<128x128xf32, #tpu.memory_space<vmem>>) dst(%dma_wait3A_144 : memref<128x128xf32, #tpu.memory_space<hbm>>)
        tpu.yield
      }) : () -> ()
    } else {
    }
    %mul3A_106 = arith.constant 5 : i32
    %mul3A_107 = arith.muli %arg1, %mul3A_106 : i32
    %add3A_108 = arith.constant 3 : i32
    %add3A_109 = arith.addi %mul3A_107, %add3A_108 : i32
    %mul3A_110 = arith.constant 128 : i32
    %mul3A_111 = arith.muli %add3A_109, %mul3A_110 : i32
    "tpu.region"() ({
      %run_scoped3A = tpu.sem_alloc : memref<!tpu.dma_semaphore, #tpu.memory_space<semaphore_mem>>
      %dma_start3A_138 = arith.constant 0 : i32
      %dma_start3A_139 = tpu.memref_slice %arg14[%mul3A_111, %dma_start3A_138] : memref<10240x128xf32, #tpu.memory_space<vmem_shared>> -> memref<128x128xf32, #tpu.memory_space<vmem_shared>>
      %dma_start3A_140 = arith.constant 0 : i32
      %dma_start3A_141 = tpu.memref_slice %arg14[%mul3A_111, %dma_start3A_140] : memref<10240x128xf32, #tpu.memory_space<vmem_shared>> -> memref<128x128xf32, #tpu.memory_space<vmem_shared>>
      tpu.enqueue_dma source(%dma_start3A_141 : memref<128x128xf32, #tpu.memory_space<vmem_shared>>) target(%arg12 : memref<128x128xf32, #tpu.memory_space<vmem>>) target_semaphore(%run_scoped3A : memref<!tpu.dma_semaphore, #tpu.memory_space<semaphore_mem>>)
      %dma_wait3A = arith.constant 0 : i32
      %dma_wait3A_142 = tpu.memref_slice %arg14[%mul3A_111, %dma_wait3A] : memref<10240x128xf32, #tpu.memory_space<vmem_shared>> -> memref<128x128xf32, #tpu.memory_space<vmem_shared>>
      %dma_wait3A_143 = arith.constant 0 : i32
      %dma_wait3A_144 = tpu.memref_slice %arg14[%mul3A_111, %dma_wait3A_143] : memref<10240x128xf32, #tpu.memory_space<vmem_shared>> -> memref<128x128xf32, #tpu.memory_space<vmem_shared>>
      tpu.wait_dma2 semaphore(%run_scoped3A : memref<!tpu.dma_semaphore, #tpu.memory_space<semaphore_mem>>) src(%dma_wait3A_144 : memref<128x128xf32, #tpu.memory_space<vmem_shared>>) dst(%arg12 : memref<128x128xf32, #tpu.memory_space<vmem>>)
      tpu.yield
    }) : () -> ()
    %eq3A_112 = arith.constant 0 : i32
    %eq3A_113 = arith.cmpi eq, %arg0, %eq3A_112 : i32
    %convert_element_type3A_114 = arith.extui %eq3A_113 : i1 to i32
    %cond3A_115 = arith.constant 0 : i32
    %cond3A_116 = arith.cmpi ne, %convert_element_type3A_114, %cond3A_115 : i32
    scf.if %cond3A_116 {
      "tpu.region"() ({
        %run_scoped3A = tpu.sem_alloc : memref<!tpu.dma_semaphore, #tpu.memory_space<semaphore_mem>>
        %dma_start3A_138 = arith.constant 0 : i32
        %dma_start3A_139 = tpu.memref_slice %arg6[%mul3A_111, %dma_start3A_138] : memref<10240x128xf32, #tpu.memory_space<hbm>> -> memref<128x128xf32, #tpu.memory_space<hbm>>
        %dma_start3A_140 = arith.constant 0 : i32
        %dma_start3A_141 = tpu.memref_slice %arg6[%mul3A_111, %dma_start3A_140] : memref<10240x128xf32, #tpu.memory_space<hbm>> -> memref<128x128xf32, #tpu.memory_space<hbm>>
        tpu.enqueue_dma source(%arg12 : memref<128x128xf32, #tpu.memory_space<vmem>>) target(%dma_start3A_141 : memref<128x128xf32, #tpu.memory_space<hbm>>) target_semaphore(%run_scoped3A : memref<!tpu.dma_semaphore, #tpu.memory_space<semaphore_mem>>)
        %dma_wait3A = arith.constant 0 : i32
        %dma_wait3A_142 = tpu.memref_slice %arg6[%mul3A_111, %dma_wait3A] : memref<10240x128xf32, #tpu.memory_space<hbm>> -> memref<128x128xf32, #tpu.memory_space<hbm>>
        %dma_wait3A_143 = arith.constant 0 : i32
        %dma_wait3A_144 = tpu.memref_slice %arg6[%mul3A_111, %dma_wait3A_143] : memref<10240x128xf32, #tpu.memory_space<hbm>> -> memref<128x128xf32, #tpu.memory_space<hbm>>
        tpu.wait_dma2 semaphore(%run_scoped3A : memref<!tpu.dma_semaphore, #tpu.memory_space<semaphore_mem>>) src(%arg12 : memref<128x128xf32, #tpu.memory_space<vmem>>) dst(%dma_wait3A_144 : memref<128x128xf32, #tpu.memory_space<hbm>>)
        tpu.yield
      }) : () -> ()
    } else {
    }
    %eq3A_117 = arith.constant 1 : i32
    %eq3A_118 = arith.cmpi eq, %arg0, %eq3A_117 : i32
    %convert_element_type3A_119 = arith.extui %eq3A_118 : i1 to i32
    %cond3A_120 = arith.constant 0 : i32
    %cond3A_121 = arith.cmpi ne, %convert_element_type3A_119, %cond3A_120 : i32
    scf.if %cond3A_121 {
      "tpu.region"() ({
        %run_scoped3A = tpu.sem_alloc : memref<!tpu.dma_semaphore, #tpu.memory_space<semaphore_mem>>
        %dma_start3A_138 = arith.constant 0 : i32
        %dma_start3A_139 = tpu.memref_slice %arg7[%mul3A_111, %dma_start3A_138] : memref<10240x128xf32, #tpu.memory_space<hbm>> -> memref<128x128xf32, #tpu.memory_space<hbm>>
        %dma_start3A_140 = arith.constant 0 : i32
        %dma_start3A_141 = tpu.memref_slice %arg7[%mul3A_111, %dma_start3A_140] : memref<10240x128xf32, #tpu.memory_space<hbm>> -> memref<128x128xf32, #tpu.memory_space<hbm>>
        tpu.enqueue_dma source(%arg12 : memref<128x128xf32, #tpu.memory_space<vmem>>) target(%dma_start3A_141 : memref<128x128xf32, #tpu.memory_space<hbm>>) target_semaphore(%run_scoped3A : memref<!tpu.dma_semaphore, #tpu.memory_space<semaphore_mem>>)
        %dma_wait3A = arith.constant 0 : i32
        %dma_wait3A_142 = tpu.memref_slice %arg7[%mul3A_111, %dma_wait3A] : memref<10240x128xf32, #tpu.memory_space<hbm>> -> memref<128x128xf32, #tpu.memory_space<hbm>>
        %dma_wait3A_143 = arith.constant 0 : i32
        %dma_wait3A_144 = tpu.memref_slice %arg7[%mul3A_111, %dma_wait3A_143] : memref<10240x128xf32, #tpu.memory_space<hbm>> -> memref<128x128xf32, #tpu.memory_space<hbm>>
        tpu.wait_dma2 semaphore(%run_scoped3A : memref<!tpu.dma_semaphore, #tpu.memory_space<semaphore_mem>>) src(%arg12 : memref<128x128xf32, #tpu.memory_space<vmem>>) dst(%dma_wait3A_144 : memref<128x128xf32, #tpu.memory_space<hbm>>)
        tpu.yield
      }) : () -> ()
    } else {
    }
    %mul3A_122 = arith.constant 5 : i32
    %mul3A_123 = arith.muli %arg1, %mul3A_122 : i32
    %add3A_124 = arith.constant 4 : i32
    %add3A_125 = arith.addi %mul3A_123, %add3A_124 : i32
    %mul3A_126 = arith.constant 128 : i32
    %mul3A_127 = arith.muli %add3A_125, %mul3A_126 : i32
    "tpu.region"() ({
      %run_scoped3A = tpu.sem_alloc : memref<!tpu.dma_semaphore, #tpu.memory_space<semaphore_mem>>
      %dma_start3A_138 = arith.constant 0 : i32
      %dma_start3A_139 = tpu.memref_slice %arg14[%mul3A_127, %dma_start3A_138] : memref<10240x128xf32, #tpu.memory_space<vmem_shared>> -> memref<128x128xf32, #tpu.memory_space<vmem_shared>>
      %dma_start3A_140 = arith.constant 0 : i32
      %dma_start3A_141 = tpu.memref_slice %arg14[%mul3A_127, %dma_start3A_140] : memref<10240x128xf32, #tpu.memory_space<vmem_shared>> -> memref<128x128xf32, #tpu.memory_space<vmem_shared>>
      tpu.enqueue_dma source(%dma_start3A_141 : memref<128x128xf32, #tpu.memory_space<vmem_shared>>) target(%arg12 : memref<128x128xf32, #tpu.memory_space<vmem>>) target_semaphore(%run_scoped3A : memref<!tpu.dma_semaphore, #tpu.memory_space<semaphore_mem>>)
      %dma_wait3A = arith.constant 0 : i32
      %dma_wait3A_142 = tpu.memref_slice %arg14[%mul3A_127, %dma_wait3A] : memref<10240x128xf32, #tpu.memory_space<vmem_shared>> -> memref<128x128xf32, #tpu.memory_space<vmem_shared>>
      %dma_wait3A_143 = arith.constant 0 : i32
      %dma_wait3A_144 = tpu.memref_slice %arg14[%mul3A_127, %dma_wait3A_143] : memref<10240x128xf32, #tpu.memory_space<vmem_shared>> -> memref<128x128xf32, #tpu.memory_space<vmem_shared>>
      tpu.wait_dma2 semaphore(%run_scoped3A : memref<!tpu.dma_semaphore, #tpu.memory_space<semaphore_mem>>) src(%dma_wait3A_144 : memref<128x128xf32, #tpu.memory_space<vmem_shared>>) dst(%arg12 : memref<128x128xf32, #tpu.memory_space<vmem>>)
      tpu.yield
    }) : () -> ()
    %eq3A_128 = arith.constant 0 : i32
    %eq3A_129 = arith.cmpi eq, %arg0, %eq3A_128 : i32
    %convert_element_type3A_130 = arith.extui %eq3A_129 : i1 to i32
    %cond3A_131 = arith.constant 0 : i32
    %cond3A_132 = arith.cmpi ne, %convert_element_type3A_130, %cond3A_131 : i32
    scf.if %cond3A_132 {
      "tpu.region"() ({
        %run_scoped3A = tpu.sem_alloc : memref<!tpu.dma_semaphore, #tpu.memory_space<semaphore_mem>>
        %dma_start3A_138 = arith.constant 0 : i32
        %dma_start3A_139 = tpu.memref_slice %arg6[%mul3A_127, %dma_start3A_138] : memref<10240x128xf32, #tpu.memory_space<hbm>> -> memref<128x128xf32, #tpu.memory_space<hbm>>
        %dma_start3A_140 = arith.constant 0 : i32
        %dma_start3A_141 = tpu.memref_slice %arg6[%mul3A_127, %dma_start3A_140] : memref<10240x128xf32, #tpu.memory_space<hbm>> -> memref<128x128xf32, #tpu.memory_space<hbm>>
        tpu.enqueue_dma source(%arg12 : memref<128x128xf32, #tpu.memory_space<vmem>>) target(%dma_start3A_141 : memref<128x128xf32, #tpu.memory_space<hbm>>) target_semaphore(%run_scoped3A : memref<!tpu.dma_semaphore, #tpu.memory_space<semaphore_mem>>)
        %dma_wait3A = arith.constant 0 : i32
        %dma_wait3A_142 = tpu.memref_slice %arg6[%mul3A_127, %dma_wait3A] : memref<10240x128xf32, #tpu.memory_space<hbm>> -> memref<128x128xf32, #tpu.memory_space<hbm>>
        %dma_wait3A_143 = arith.constant 0 : i32
        %dma_wait3A_144 = tpu.memref_slice %arg6[%mul3A_127, %dma_wait3A_143] : memref<10240x128xf32, #tpu.memory_space<hbm>> -> memref<128x128xf32, #tpu.memory_space<hbm>>
        tpu.wait_dma2 semaphore(%run_scoped3A : memref<!tpu.dma_semaphore, #tpu.memory_space<semaphore_mem>>) src(%arg12 : memref<128x128xf32, #tpu.memory_space<vmem>>) dst(%dma_wait3A_144 : memref<128x128xf32, #tpu.memory_space<hbm>>)
        tpu.yield
      }) : () -> ()
    } else {
    }
    %eq3A_133 = arith.constant 1 : i32
    %eq3A_134 = arith.cmpi eq, %arg0, %eq3A_133 : i32
    %convert_element_type3A_135 = arith.extui %eq3A_134 : i1 to i32
    %cond3A_136 = arith.constant 0 : i32
    %cond3A_137 = arith.cmpi ne, %convert_element_type3A_135, %cond3A_136 : i32
    scf.if %cond3A_137 {
      "tpu.region"() ({
        %run_scoped3A = tpu.sem_alloc : memref<!tpu.dma_semaphore, #tpu.memory_space<semaphore_mem>>
        %dma_start3A_138 = arith.constant 0 : i32
        %dma_start3A_139 = tpu.memref_slice %arg7[%mul3A_127, %dma_start3A_138] : memref<10240x128xf32, #tpu.memory_space<hbm>> -> memref<128x128xf32, #tpu.memory_space<hbm>>
        %dma_start3A_140 = arith.constant 0 : i32
        %dma_start3A_141 = tpu.memref_slice %arg7[%mul3A_127, %dma_start3A_140] : memref<10240x128xf32, #tpu.memory_space<hbm>> -> memref<128x128xf32, #tpu.memory_space<hbm>>
        tpu.enqueue_dma source(%arg12 : memref<128x128xf32, #tpu.memory_space<vmem>>) target(%dma_start3A_141 : memref<128x128xf32, #tpu.memory_space<hbm>>) target_semaphore(%run_scoped3A : memref<!tpu.dma_semaphore, #tpu.memory_space<semaphore_mem>>)
        %dma_wait3A = arith.constant 0 : i32
        %dma_wait3A_142 = tpu.memref_slice %arg7[%mul3A_127, %dma_wait3A] : memref<10240x128xf32, #tpu.memory_space<hbm>> -> memref<128x128xf32, #tpu.memory_space<hbm>>
        %dma_wait3A_143 = arith.constant 0 : i32
        %dma_wait3A_144 = tpu.memref_slice %arg7[%mul3A_127, %dma_wait3A_143] : memref<10240x128xf32, #tpu.memory_space<hbm>> -> memref<128x128xf32, #tpu.memory_space<hbm>>
        tpu.wait_dma2 semaphore(%run_scoped3A : memref<!tpu.dma_semaphore, #tpu.memory_space<semaphore_mem>>) src(%arg12 : memref<128x128xf32, #tpu.memory_space<vmem>>) dst(%dma_wait3A_144 : memref<128x128xf32, #tpu.memory_space<hbm>>)
        tpu.yield
      }) : () -> ()
    } else {
    }
    return
  }
}

module attributes {stable_mosaic.version = 14 : i64} {
  func.func @_mm_body(%arg0: i32, %arg1: i32, %arg2: memref<1000x256xf32, #tpu.memory_space<vmem>>, %arg3: memref<256x128xf32, #tpu.memory_space<vmem>>, %arg4: memref<1000x128xf32, #tpu.memory_space<vmem>>) attributes {dimension_semantics = [#tpu.dimension_semantics<arbitrary>, #tpu.dimension_semantics<arbitrary>], iteration_bounds = array<i64: 10, 2>, scalar_prefetch = 0 : i64, scratch_operands = 0 : i64, tpu.core_type = #tpu.core_type<tc>, window_params = [{transform_indices = @transform_0, window_bounds = array<i64: 1000, 256>}, {transform_indices = @transform_1, window_bounds = array<i64: 256, 128>}, {transform_indices = @transform_2, window_bounds = array<i64: 1000, 128>}]} {
    %get3A = arith.constant 0 : index
    %get3A_0 = arith.constant 0 : index
    %get3A_1 = vector.load %arg2[%get3A, %get3A_0] : memref<1000x256xf32, #tpu.memory_space<vmem>>, vector<1000x256xf32>
    %get3A_2 = arith.constant 0 : index
    %get3A_3 = arith.constant 0 : index
    %get3A_4 = vector.load %arg3[%get3A_2, %get3A_3] : memref<256x128xf32, #tpu.memory_space<vmem>>, vector<256x128xf32>
    %dot_general3A = arith.constant dense<0.000000e+00> : vector<1000x128xf32>
    %dot_general3A_5 = tpu.matmul %get3A_1, %get3A_4, %dot_general3A {dimension_numbers = #tpu.dot_dimension_numbers<[1], [0], [0], [1], [0, 0, 1, 1], [], []>, transpose_lhs_hint = false} : vector<1000x256xf32>, vector<256x128xf32>, vector<1000x128xf32> -> vector<1000x128xf32>
    %swap3A = arith.constant 0 : index
    %swap3A_6 = arith.constant 0 : index
    %swap3A_7 = vector.load %arg4[%swap3A, %swap3A_6] : memref<1000x128xf32, #tpu.memory_space<vmem>>, vector<1000x128xf32>
    tpu.vector_store %arg4[%swap3A, %swap3A_6], %dot_general3A_5 {strides = array<i32>} : memref<1000x128xf32, #tpu.memory_space<vmem>>, vector<1000x128xf32>,
    return
  }
  func.func @transform_0(%arg0: i32, %arg1: i32) -> (i32, i32) {
    %c0_i32 = arith.constant 0 : i32
    %c0_i32_0 = arith.constant 0 : i32
    return %arg0, %c0_i32 : i32, i32
  }
  func.func @transform_1(%arg0: i32, %arg1: i32) -> (i32, i32) {
    %c0_i32 = arith.constant 0 : i32
    %c0_i32_0 = arith.constant 0 : i32
    return %c0_i32, %arg1 : i32, i32
  }
  func.func @transform_2(%arg0: i32, %arg1: i32) -> (i32, i32) {
    %mul3A = arith.constant 10 : i32
    %mul3A_0 = arith.muli %mul3A, %arg1 : i32
    %add3A = arith.addi %arg0, %mul3A_0 : i32
    %c0_i32 = arith.constant 0 : i32
    %c0_i32_1 = arith.constant 0 : i32
    return %add3A, %c0_i32 : i32, i32
  }
}

module attributes {stable_mosaic.version = 14 : i64} {
  func.func @_deg_body(%arg0: i32, %arg1: memref<1x1x8000xi32, #tpu.memory_space<vmem>>, %arg2: memref<100x100xf32, #tpu.memory_space<vmem>>) attributes {dimension_semantics = [#tpu.dimension_semantics<arbitrary>], iteration_bounds = array<i64: 20>, scalar_prefetch = 0 : i64, scratch_operands = 0 : i64, tpu.core_type = #tpu.core_type<tc>, window_params = [{transform_indices = @transform_0, window_bounds = array<i64: 1, 1, 8000>}, {pipeline_mode = #tpu.pipeline_mode<synchronous>, transform_indices = @transform_1, window_bounds = array<i64: 100, 100>}]} {
    %get3A = arith.constant 0 : index
    %get3A_0 = arith.constant 0 : index
    %get3A_1 = arith.constant 0 : index
    %get3A_2 = vector.load %arg1[%get3A, %get3A_0, %get3A_1] : memref<1x1x8000xi32, #tpu.memory_space<vmem>>, vector<1x1x8000xi32>
    %get3A_3 = vector.shape_cast %get3A_2 : vector<1x1x8000xi32> to vector<8000xi32>
    %jit3A = arith.constant 100 : i32
    %div3A = vector.broadcast %jit3A : i32 to vector<8000xi32>
    %div3A_4 = arith.divsi %get3A_3, %div3A : vector<8000xi32>
    %sign3A = arith.constant 0 : i32
    %sign3A_5 = vector.broadcast %sign3A : i32 to vector<8000xi32>
    %sign3A_6 = arith.cmpi sgt, %get3A_3, %sign3A_5 : vector<8000xi32>
    %sign3A_7 = arith.extui %sign3A_6 : vector<8000xi1> to vector<8000xi32>
    %sign3A_8 = arith.constant 0 : i32
    %sign3A_9 = vector.broadcast %sign3A_8 : i32 to vector<8000xi32>
    %sign3A_10 = arith.cmpi slt, %get3A_3, %sign3A_9 : vector<8000xi32>
    %sign3A_11 = arith.extui %sign3A_10 : vector<8000xi1> to vector<8000xi32>
    %sign3A_12 = arith.subi %sign3A_7, %sign3A_11 : vector<8000xi32>
    %sign3A_13 = arith.constant 0 : i32
    %sign3A_14 = arith.cmpi sgt, %jit3A, %sign3A_13 : i32
    %sign3A_15 = arith.extui %sign3A_14 : i1 to i32
    %sign3A_16 = arith.constant 0 : i32
    %sign3A_17 = arith.cmpi slt, %jit3A, %sign3A_16 : i32
    %sign3A_18 = arith.extui %sign3A_17 : i1 to i32
    %sign3A_19 = arith.subi %sign3A_15, %sign3A_18 : i32
    %ne3A = vector.broadcast %sign3A_19 : i32 to vector<8000xi32>
    %ne3A_20 = arith.cmpi ne, %sign3A_12, %ne3A : vector<8000xi32>
    %rem3A = vector.broadcast %jit3A : i32 to vector<8000xi32>
    %rem3A_21 = arith.remsi %get3A_3, %rem3A : vector<8000xi32>
    %ne3A_22 = arith.constant 0 : i32
    %ne3A_23 = vector.broadcast %ne3A_22 : i32 to vector<8000xi32>
    %ne3A_24 = arith.cmpi ne, %rem3A_21, %ne3A_23 : vector<8000xi32>
    %and3A = arith.andi %ne3A_20, %ne3A_24 : vector<8000xi1>
    %sub3A = arith.constant 1 : i32
    %sub3A_25 = vector.broadcast %sub3A : i32 to vector<8000xi32>
    %sub3A_26 = arith.subi %div3A_4, %sub3A_25 : vector<8000xi32>
    %select_n3A = arith.select %and3A, %sub3A_26, %div3A_4 : vector<8000xi1>, vector<8000xi32>
    %broadcast_in_dim3A = vector.shape_cast %select_n3A : vector<8000xi32> to vector<8000x1xi32>
    %jit3A_27 = arith.constant 100 : i32
    %eq3A = arith.constant 0 : i32
    %eq3A_28 = arith.cmpi eq, %jit3A_27, %eq3A : i32
    %jit3A_29 = arith.constant 1 : i32
    %select_n3A_30 = arith.select %eq3A_28, %jit3A_29, %jit3A_27 : i32
    %rem3A_31 = vector.broadcast %select_n3A_30 : i32 to vector<8000xi32>
    %rem3A_32 = arith.remsi %get3A_3, %rem3A_31 : vector<8000xi32>
    %ne3A_33 = arith.constant 0 : i32
    %ne3A_34 = vector.broadcast %ne3A_33 : i32 to vector<8000xi32>
    %ne3A_35 = arith.cmpi ne, %rem3A_32, %ne3A_34 : vector<8000xi32>
    %lt3A = arith.constant 0 : i32
    %lt3A_36 = vector.broadcast %lt3A : i32 to vector<8000xi32>
    %lt3A_37 = arith.cmpi slt, %rem3A_32, %lt3A_36 : vector<8000xi32>
    %lt3A_38 = arith.constant 0 : i32
    %lt3A_39 = arith.cmpi slt, %select_n3A_30, %lt3A_38 : i32
    %ne3A_40 = vector.broadcast %lt3A_39 : i1 to vector<8000xi1>
    %ne3A_41 = vector.broadcast %ne3A_40 : vector<8000xi1> to vector<8000xi1>
    %ne3A_42 = arith.xori %lt3A_37, %ne3A_41 : vector<8000xi1>
    %and3A_43 = arith.andi %ne3A_42, %ne3A_35 : vector<8000xi1>
    %add3A = vector.broadcast %select_n3A_30 : i32 to vector<8000xi32>
    %add3A_44 = arith.addi %rem3A_32, %add3A : vector<8000xi32>
    %select_n3A_45 = arith.select %and3A_43, %add3A_44, %rem3A_32 : vector<8000xi1>, vector<8000xi32>
    %broadcast_in_dim3A_46 = vector.shape_cast %select_n3A_45 : vector<8000xi32> to vector<8000x1xi32>
    %iota3A = tpu.iota {dimensions = array<i32: 1>} : vector<8000x100xi32>
    %eq3A_47 = vector.broadcast %broadcast_in_dim3A : vector<8000x1xi32> to vector<8000x100xi32>
    %eq3A_48 = arith.cmpi eq, %eq3A_47, %iota3A : vector<8000x100xi32>
    %convert_element_type3A = arith.extui %eq3A_48 : vector<8000x100xi1> to vector<8000x100xi32>
    %convert_element_type3A_49 = arith.sitofp %convert_element_type3A : vector<8000x100xi32> to vector<8000x100xf32>
    %eq3A_50 = vector.broadcast %broadcast_in_dim3A_46 : vector<8000x1xi32> to vector<8000x100xi32>
    %eq3A_51 = arith.cmpi eq, %eq3A_50, %iota3A : vector<8000x100xi32>
    %convert_element_type3A_52 = arith.extui %eq3A_51 : vector<8000x100xi1> to vector<8000x100xi32>
    %convert_element_type3A_53 = arith.sitofp %convert_element_type3A_52 : vector<8000x100xi32> to vector<8000x100xf32>
    %dot_general3A = arith.constant dense<0.000000e+00> : vector<100x100xf32>
    %dot_general3A_54 = tpu.matmul %convert_element_type3A_49, %convert_element_type3A_53, %dot_general3A {dimension_numbers = #tpu.dot_dimension_numbers<[0], [0], [1], [1], [0, 1, 1, 1], [], []>, transpose_lhs_hint = false} : vector<8000x100xf32>, vector<8000x100xf32>, vector<100x100xf32> -> vector<100x100xf32>
    %eq3A_55 = arith.constant 0 : i32
    %eq3A_56 = arith.cmpi eq, %arg0, %eq3A_55 : i32
    %convert_element_type3A_57 = arith.extui %eq3A_56 : i1 to i32
    %cond3A = arith.constant 0 : i32
    %cond3A_58 = arith.cmpi ne, %convert_element_type3A_57, %cond3A : i32
    scf.if %cond3A_58 {
      %swap3A = arith.constant 0 : index
      %swap3A_63 = arith.constant 0 : index
      %swap3A_64 = vector.load %arg2[%swap3A, %swap3A_63] : memref<100x100xf32, #tpu.memory_space<vmem>>, vector<100x100xf32>
      tpu.vector_store %arg2[%swap3A, %swap3A_63], %dot_general3A_54 {strides = array<i32>} : memref<100x100xf32, #tpu.memory_space<vmem>>, vector<100x100xf32>,
    } else {
    }
    %gt3A = arith.constant 0 : i32
    %gt3A_59 = arith.cmpi sgt, %arg0, %gt3A : i32
    %convert_element_type3A_60 = arith.extui %gt3A_59 : i1 to i32
    %cond3A_61 = arith.constant 0 : i32
    %cond3A_62 = arith.cmpi ne, %convert_element_type3A_60, %cond3A_61 : i32
    scf.if %cond3A_62 {
      %get3A_63 = arith.constant 0 : index
      %get3A_64 = arith.constant 0 : index
      %get3A_65 = vector.load %arg2[%get3A_63, %get3A_64] : memref<100x100xf32, #tpu.memory_space<vmem>>, vector<100x100xf32>
      %add3A_66 = arith.addf %get3A_65, %dot_general3A_54 : vector<100x100xf32>
      %swap3A = arith.constant 0 : index
      %swap3A_67 = arith.constant 0 : index
      %swap3A_68 = vector.load %arg2[%swap3A, %swap3A_67] : memref<100x100xf32, #tpu.memory_space<vmem>>, vector<100x100xf32>
      tpu.vector_store %arg2[%swap3A, %swap3A_67], %add3A_66 {strides = array<i32>} : memref<100x100xf32, #tpu.memory_space<vmem>>, vector<100x100xf32>,
    } else {
    }
    return
  }
  func.func @transform_0(%arg0: i32) -> (i32, i32, i32) {
    %c0_i32 = arith.constant 0 : i32
    %c0_i32_0 = arith.constant 0 : i32
    %c0_i32_1 = arith.constant 0 : i32
    return %arg0, %c0_i32, %c0_i32_0 : i32, i32, i32
  }
  func.func @transform_1(%arg0: i32) -> (i32, i32) {
    %c0_i32 = arith.constant 0 : i32
    %c0_i32_0 = arith.constant 0 : i32
    %c0_i32_1 = arith.constant 0 : i32
    return %c0_i32, %c0_i32_0 : i32, i32
  }
}

module attributes {stable_mosaic.version = 14 : i64} {
  func.func @_mid_body(%arg0: i32, %arg1: i32, %arg2: memref<1000x128xf32, #tpu.memory_space<vmem>>, %arg3: memref<1000x128xf32, #tpu.memory_space<vmem>>, %arg4: memref<1000x128xf32, #tpu.memory_space<vmem>>, %arg5: memref<1000x128xf32, #tpu.memory_space<vmem>>, %arg6: memref<1000x1xf32, #tpu.memory_space<vmem>>, %arg7: memref<1x256xf32, #tpu.memory_space<vmem>>, %arg8: memref<1x1xf32, #tpu.memory_space<vmem>>, %arg9: memref<256x128xf32, #tpu.memory_space<vmem>>, %arg10: memref<1000x128xf32, #tpu.memory_space<vmem>>) attributes {dimension_semantics = [#tpu.dimension_semantics<arbitrary>, #tpu.dimension_semantics<arbitrary>], iteration_bounds = array<i64: 10, 2>, scalar_prefetch = 0 : i64, scratch_operands = 0 : i64, tpu.core_type = #tpu.core_type<tc>, window_params = [{transform_indices = @transform_0, window_bounds = array<i64: 1000, 128>}, {transform_indices = @transform_1, window_bounds = array<i64: 1000, 128>}, {transform_indices = @transform_2, window_bounds = array<i64: 1000, 128>}, {transform_indices = @transform_3, window_bounds = array<i64: 1000, 128>}, {transform_indices = @transform_4, window_bounds = array<i64: 1000, 1>}, {pipeline_mode = #tpu.pipeline_mode<synchronous>, transform_indices = @transform_5, window_bounds = array<i64: 1, 256>}, {pipeline_mode = #tpu.pipeline_mode<synchronous>, transform_indices = @transform_6, window_bounds = array<i64: 1, 1>}, {transform_indices = @transform_7, window_bounds = array<i64: 256, 128>}, {transform_indices = @transform_8, window_bounds = array<i64: 1000, 128>}]} {
    %get3A = arith.constant 0 : index
    %get3A_0 = arith.constant 0 : index
    %get3A_1 = vector.load %arg6[%get3A, %get3A_0] : memref<1000x1xf32, #tpu.memory_space<vmem>>, vector<1000x1xf32>
    %add3A = arith.constant 1.000000e+00 : f32
    %add3A_2 = vector.broadcast %add3A : f32 to vector<1000x1xf32>
    %add3A_3 = arith.addf %get3A_1, %add3A_2 : vector<1000x1xf32>
    %get3A_4 = arith.constant 0 : index
    %get3A_5 = arith.constant 0 : index
    %get3A_6 = vector.load %arg2[%get3A_4, %get3A_5] : memref<1000x128xf32, #tpu.memory_space<vmem>>, vector<1000x128xf32>
    %get3A_7 = arith.constant 0 : index
    %get3A_8 = arith.constant 0 : index
    %get3A_9 = vector.load %arg4[%get3A_7, %get3A_8] : memref<1000x128xf32, #tpu.memory_space<vmem>>, vector<1000x128xf32>
    %add3A_10 = arith.addf %get3A_6, %get3A_9 : vector<1000x128xf32>
    %div3A = vector.broadcast %add3A_3 : vector<1000x1xf32> to vector<1000x128xf32>
    %div3A_11 = arith.divf %add3A_10, %div3A : vector<1000x128xf32>
    %get3A_12 = arith.constant 0 : index
    %get3A_13 = arith.constant 0 : index
    %get3A_14 = vector.load %arg7[%get3A_12, %get3A_13] : memref<1x256xf32, #tpu.memory_space<vmem>>, vector<1x128xf32>
    %add3A_15 = vector.broadcast %get3A_14 : vector<1x128xf32> to vector<1000x128xf32>
    %add3A_16 = arith.addf %div3A_11, %add3A_15 : vector<1000x128xf32>
    %get3A_17 = arith.constant 0 : index
    %get3A_18 = arith.constant 0 : index
    %get3A_19 = vector.load %arg3[%get3A_17, %get3A_18] : memref<1000x128xf32, #tpu.memory_space<vmem>>, vector<1000x128xf32>
    %get3A_20 = arith.constant 0 : index
    %get3A_21 = arith.constant 0 : index
    %get3A_22 = vector.load %arg5[%get3A_20, %get3A_21] : memref<1000x128xf32, #tpu.memory_space<vmem>>, vector<1000x128xf32>
    %add3A_23 = arith.addf %get3A_19, %get3A_22 : vector<1000x128xf32>
    %div3A_24 = vector.broadcast %add3A_3 : vector<1000x1xf32> to vector<1000x128xf32>
    %div3A_25 = arith.divf %add3A_23, %div3A_24 : vector<1000x128xf32>
    %get3A_26 = arith.constant 0 : index
    %get3A_27 = arith.constant 128 : index
    %get3A_28 = vector.load %arg7[%get3A_26, %get3A_27] : memref<1x256xf32, #tpu.memory_space<vmem>>, vector<1x128xf32>
    %add3A_29 = vector.broadcast %get3A_28 : vector<1x128xf32> to vector<1000x128xf32>
    %add3A_30 = arith.addf %div3A_25, %add3A_29 : vector<1000x128xf32>
    %concatenate3A = tpu.concatenate %add3A_16, %add3A_30 in 1 : vector<1000x128xf32>, vector<1000x128xf32> -> vector<1000x256xf32>
    %ge3A = arith.constant 0.000000e+00 : f32
    %ge3A_31 = vector.broadcast %ge3A : f32 to vector<1000x256xf32>
    %ge3A_32 = arith.cmpf oge, %concatenate3A, %ge3A_31 : vector<1000x256xf32>
    %get3A_33 = arith.constant 0 : index
    %get3A_34 = arith.constant 0 : index
    %get3A_35 = vector.load %arg8[%get3A_33, %get3A_34] : memref<1x1xf32, #tpu.memory_space<vmem>>, vector<1x1xf32>
    %get3A_36 = vector.extract %get3A_35[0, 0] : f32 from vector<1x1xf32>
    %mul3A = vector.broadcast %get3A_36 : f32 to vector<1000x256xf32>
    %mul3A_37 = arith.mulf %mul3A, %concatenate3A : vector<1000x256xf32>
    %select_n3A = arith.select %ge3A_32, %concatenate3A, %mul3A_37 : vector<1000x256xi1>, vector<1000x256xf32>
    %get3A_38 = arith.constant 0 : index
    %get3A_39 = arith.constant 0 : index
    %get3A_40 = vector.load %arg9[%get3A_38, %get3A_39] : memref<256x128xf32, #tpu.memory_space<vmem>>, vector<256x128xf32>
    %dot_general3A = arith.constant dense<0.000000e+00> : vector<1000x128xf32>
    %dot_general3A_41 = tpu.matmul %select_n3A, %get3A_40, %dot_general3A {dimension_numbers = #tpu.dot_dimension_numbers<[1], [0], [0], [1], [0, 0, 1, 1], [], []>, transpose_lhs_hint = false} : vector<1000x256xf32>, vector<256x128xf32>, vector<1000x128xf32> -> vector<1000x128xf32>
    %swap3A = arith.constant 0 : index
    %swap3A_42 = arith.constant 0 : index
    %swap3A_43 = vector.load %arg10[%swap3A, %swap3A_42] : memref<1000x128xf32, #tpu.memory_space<vmem>>, vector<1000x128xf32>
    tpu.vector_store %arg10[%swap3A, %swap3A_42], %dot_general3A_41 {strides = array<i32>} : memref<1000x128xf32, #tpu.memory_space<vmem>>, vector<1000x128xf32>,
    return
  }
  func.func @transform_0(%arg0: i32, %arg1: i32) -> (i32, i32) {
    %c0_i32 = arith.constant 0 : i32
    %c0_i32_0 = arith.constant 0 : i32
    return %arg0, %c0_i32 : i32, i32
  }
  func.func @transform_1(%arg0: i32, %arg1: i32) -> (i32, i32) {
    %c0_i32 = arith.constant 0 : i32
    %c0_i32_0 = arith.constant 0 : i32
    return %arg0, %c0_i32 : i32, i32
  }
  func.func @transform_2(%arg0: i32, %arg1: i32) -> (i32, i32) {
    %c0_i32 = arith.constant 0 : i32
    %c0_i32_0 = arith.constant 0 : i32
    return %arg0, %c0_i32 : i32, i32
  }
  func.func @transform_3(%arg0: i32, %arg1: i32) -> (i32, i32) {
    %add3A = arith.constant 10 : i32
    %add3A_0 = arith.addi %arg0, %add3A : i32
    %c0_i32 = arith.constant 0 : i32
    %c0_i32_1 = arith.constant 0 : i32
    return %add3A_0, %c0_i32 : i32, i32
  }
  func.func @transform_4(%arg0: i32, %arg1: i32) -> (i32, i32) {
    %c0_i32 = arith.constant 0 : i32
    %c0_i32_0 = arith.constant 0 : i32
    return %arg0, %c0_i32 : i32, i32
  }
  func.func @transform_5(%arg0: i32, %arg1: i32) -> (i32, i32) {
    %c0_i32 = arith.constant 0 : i32
    %c0_i32_0 = arith.constant 0 : i32
    %c0_i32_1 = arith.constant 0 : i32
    return %c0_i32, %c0_i32_0 : i32, i32
  }
  func.func @transform_6(%arg0: i32, %arg1: i32) -> (i32, i32) {
    %c0_i32 = arith.constant 0 : i32
    %c0_i32_0 = arith.constant 0 : i32
    %c0_i32_1 = arith.constant 0 : i32
    return %c0_i32, %c0_i32_0 : i32, i32
  }
  func.func @transform_7(%arg0: i32, %arg1: i32) -> (i32, i32) {
    %c0_i32 = arith.constant 0 : i32
    %c0_i32_0 = arith.constant 0 : i32
    return %c0_i32, %arg1 : i32, i32
  }
  func.func @transform_8(%arg0: i32, %arg1: i32) -> (i32, i32) {
    %mul3A = arith.constant 10 : i32
    %mul3A_0 = arith.muli %mul3A, %arg1 : i32
    %add3A = arith.addi %arg0, %mul3A_0 : i32
    %c0_i32 = arith.constant 0 : i32
    %c0_i32_1 = arith.constant 0 : i32
    return %add3A, %c0_i32 : i32, i32
  }
}

module attributes {stable_mosaic.version = 14 : i64} {
  func.func @_fin_body(%arg0: i32, %arg1: memref<1000x128xf32, #tpu.memory_space<vmem>>, %arg2: memref<1000x128xf32, #tpu.memory_space<vmem>>, %arg3: memref<1000x128xf32, #tpu.memory_space<vmem>>, %arg4: memref<1000x128xf32, #tpu.memory_space<vmem>>, %arg5: memref<1000x1xf32, #tpu.memory_space<vmem>>, %arg6: memref<1x256xf32, #tpu.memory_space<vmem>>, %arg7: memref<1x1xf32, #tpu.memory_space<vmem>>, %arg8: memref<1000x256xf32, #tpu.memory_space<vmem>>) attributes {dimension_semantics = [#tpu.dimension_semantics<arbitrary>], iteration_bounds = array<i64: 10>, scalar_prefetch = 0 : i64, scratch_operands = 0 : i64, tpu.core_type = #tpu.core_type<tc>, window_params = [{transform_indices = @transform_0, window_bounds = array<i64: 1000, 128>}, {transform_indices = @transform_1, window_bounds = array<i64: 1000, 128>}, {transform_indices = @transform_2, window_bounds = array<i64: 1000, 128>}, {transform_indices = @transform_3, window_bounds = array<i64: 1000, 128>}, {transform_indices = @transform_4, window_bounds = array<i64: 1000, 1>}, {pipeline_mode = #tpu.pipeline_mode<synchronous>, transform_indices = @transform_5, window_bounds = array<i64: 1, 256>}, {pipeline_mode = #tpu.pipeline_mode<synchronous>, transform_indices = @transform_6, window_bounds = array<i64: 1, 1>}, {transform_indices = @transform_7, window_bounds = array<i64: 1000, 256>}]} {
    %get3A = arith.constant 0 : index
    %get3A_0 = arith.constant 0 : index
    %get3A_1 = vector.load %arg5[%get3A, %get3A_0] : memref<1000x1xf32, #tpu.memory_space<vmem>>, vector<1000x1xf32>
    %add3A = arith.constant 1.000000e+00 : f32
    %add3A_2 = vector.broadcast %add3A : f32 to vector<1000x1xf32>
    %add3A_3 = arith.addf %get3A_1, %add3A_2 : vector<1000x1xf32>
    %get3A_4 = arith.constant 0 : index
    %get3A_5 = arith.constant 0 : index
    %get3A_6 = vector.load %arg1[%get3A_4, %get3A_5] : memref<1000x128xf32, #tpu.memory_space<vmem>>, vector<1000x128xf32>
    %get3A_7 = arith.constant 0 : index
    %get3A_8 = arith.constant 0 : index
    %get3A_9 = vector.load %arg3[%get3A_7, %get3A_8] : memref<1000x128xf32, #tpu.memory_space<vmem>>, vector<1000x128xf32>
    %add3A_10 = arith.addf %get3A_6, %get3A_9 : vector<1000x128xf32>
    %div3A = vector.broadcast %add3A_3 : vector<1000x1xf32> to vector<1000x128xf32>
    %div3A_11 = arith.divf %add3A_10, %div3A : vector<1000x128xf32>
    %get3A_12 = arith.constant 0 : index
    %get3A_13 = arith.constant 0 : index
    %get3A_14 = vector.load %arg6[%get3A_12, %get3A_13] : memref<1x256xf32, #tpu.memory_space<vmem>>, vector<1x128xf32>
    %add3A_15 = vector.broadcast %get3A_14 : vector<1x128xf32> to vector<1000x128xf32>
    %add3A_16 = arith.addf %div3A_11, %add3A_15 : vector<1000x128xf32>
    %get3A_17 = arith.constant 0 : index
    %get3A_18 = arith.constant 0 : index
    %get3A_19 = vector.load %arg2[%get3A_17, %get3A_18] : memref<1000x128xf32, #tpu.memory_space<vmem>>, vector<1000x128xf32>
    %get3A_20 = arith.constant 0 : index
    %get3A_21 = arith.constant 0 : index
    %get3A_22 = vector.load %arg4[%get3A_20, %get3A_21] : memref<1000x128xf32, #tpu.memory_space<vmem>>, vector<1000x128xf32>
    %add3A_23 = arith.addf %get3A_19, %get3A_22 : vector<1000x128xf32>
    %div3A_24 = vector.broadcast %add3A_3 : vector<1000x1xf32> to vector<1000x128xf32>
    %div3A_25 = arith.divf %add3A_23, %div3A_24 : vector<1000x128xf32>
    %get3A_26 = arith.constant 0 : index
    %get3A_27 = arith.constant 128 : index
    %get3A_28 = vector.load %arg6[%get3A_26, %get3A_27] : memref<1x256xf32, #tpu.memory_space<vmem>>, vector<1x128xf32>
    %add3A_29 = vector.broadcast %get3A_28 : vector<1x128xf32> to vector<1000x128xf32>
    %add3A_30 = arith.addf %div3A_25, %add3A_29 : vector<1000x128xf32>
    %concatenate3A = tpu.concatenate %add3A_16, %add3A_30 in 1 : vector<1000x128xf32>, vector<1000x128xf32> -> vector<1000x256xf32>
    %ge3A = arith.constant 0.000000e+00 : f32
    %ge3A_31 = vector.broadcast %ge3A : f32 to vector<1000x256xf32>
    %ge3A_32 = arith.cmpf oge, %concatenate3A, %ge3A_31 : vector<1000x256xf32>
    %get3A_33 = arith.constant 0 : index
    %get3A_34 = arith.constant 0 : index
    %get3A_35 = vector.load %arg7[%get3A_33, %get3A_34] : memref<1x1xf32, #tpu.memory_space<vmem>>, vector<1x1xf32>
    %get3A_36 = vector.extract %get3A_35[0, 0] : f32 from vector<1x1xf32>
    %mul3A = vector.broadcast %get3A_36 : f32 to vector<1000x256xf32>
    %mul3A_37 = arith.mulf %mul3A, %concatenate3A : vector<1000x256xf32>
    %select_n3A = arith.select %ge3A_32, %concatenate3A, %mul3A_37 : vector<1000x256xi1>, vector<1000x256xf32>
    %swap3A = arith.constant 0 : index
    %swap3A_38 = arith.constant 0 : index
    %swap3A_39 = vector.load %arg8[%swap3A, %swap3A_38] : memref<1000x256xf32, #tpu.memory_space<vmem>>, vector<1000x256xf32>
    tpu.vector_store %arg8[%swap3A, %swap3A_38], %select_n3A {strides = array<i32>} : memref<1000x256xf32, #tpu.memory_space<vmem>>, vector<1000x256xf32>,
    return
  }
  func.func @transform_0(%arg0: i32) -> (i32, i32) {
    %c0_i32 = arith.constant 0 : i32
    %c0_i32_0 = arith.constant 0 : i32
    return %arg0, %c0_i32 : i32, i32
  }
  func.func @transform_1(%arg0: i32) -> (i32, i32) {
    %c0_i32 = arith.constant 0 : i32
    %c0_i32_0 = arith.constant 0 : i32
    return %arg0, %c0_i32 : i32, i32
  }
  func.func @transform_2(%arg0: i32) -> (i32, i32) {
    %c0_i32 = arith.constant 0 : i32
    %c0_i32_0 = arith.constant 0 : i32
    return %arg0, %c0_i32 : i32, i32
  }
  func.func @transform_3(%arg0: i32) -> (i32, i32) {
    %add3A = arith.constant 10 : i32
    %add3A_0 = arith.addi %arg0, %add3A : i32
    %c0_i32 = arith.constant 0 : i32
    %c0_i32_1 = arith.constant 0 : i32
    return %add3A_0, %c0_i32 : i32, i32
  }
  func.func @transform_4(%arg0: i32) -> (i32, i32) {
    %c0_i32 = arith.constant 0 : i32
    %c0_i32_0 = arith.constant 0 : i32
    return %arg0, %c0_i32 : i32, i32
  }
  func.func @transform_5(%arg0: i32) -> (i32, i32) {
    %c0_i32 = arith.constant 0 : i32
    %c0_i32_0 = arith.constant 0 : i32
    %c0_i32_1 = arith.constant 0 : i32
    return %c0_i32, %c0_i32_0 : i32, i32
  }
  func.func @transform_6(%arg0: i32) -> (i32, i32) {
    %c0_i32 = arith.constant 0 : i32
    %c0_i32_0 = arith.constant 0 : i32
    %c0_i32_1 = arith.constant 0 : i32
    return %c0_i32, %c0_i32_0 : i32, i32
  }
  func.func @transform_7(%arg0: i32) -> (i32, i32) {
    %c0_i32 = arith.constant 0 : i32
    %c0_i32_0 = arith.constant 0 : i32
    return %arg0, %c0_i32 : i32, i32
  }
}

</mosaic_0001>

<sc_bundles>
// kernel: kernel.11.cloned.1.call-start
scs
__scs_entry_jumppad:
0x0: {  	(pc) =	sbr.rel $0x88, $3  }
0x1: {  	(tag) =	ssettag $0x0;
	lr =	simm.s32 $0x1  }
0x2: {  	[smem:$0x3F99] =	sst lr;
	_ =	strace $0xD0000000  }
0x3: {  	_ = 	snop  }
0x4: {  	_ = 	snop  }
0x5: {  	_ = 	snop  }
0x6: {  	_ = 	snop  }
0x7: {  	_ = 	snop  }
__scs_overlays_trampoline_lowered:
0x8: {  	[smem:$0x3FA8] =	sst s0  }
0x9: {  	[smem:$0x3FA9] =	sst s1  }
0xa: {  	[smem:$0x3FAA] =	sst s2  }
0xb: {  	[smem:$0x3FAB] =	sst s3  }
0xc: {  	[smem:$0x3FAC] =	sst s4  }
0xd: {  	[smem:$0x3FAD] =	sst s5  }
0xe: {  	[smem:$0x3FAE] =	sst s6  }
0xf: {  	[smem:$0x3FAF] =	sst s7  }
0x10: {  	[smem:$0x3FB0] =	sst s8  }
0x11: {  	[smem:$0x3FB1] =	sst s9;
	s0 =	simm.s32 @!p0 $0x0  }
0x12: {  	s1 =	sld [smem:$0x3F97];
	s0 =	simm.s32 @p0 $0x1  }
0x13: {  	[smem:$0x3FB2] =	sst s0;
	s0 =	simm.s32 @!p1 $0x0  }
0x14: {  	s2 =	sld [smem:$0x3F96];
	s0 =	simm.s32 @p1 $0x1  }
0x15: {  	[smem:$0x3FB3] =	sst s0;
	s0 =	simm.s32 @!p2 $0x0  }
0x16: {  	s3 =	sld [smem:$0x3FDB];
	s0 =	simm.s32 @p2 $0x1  }
0x17: {  	s4 =	simm.s32 $0x1BF5;
	[smem:$0x3FB5] =	sst s0  }
0x18: {  	s0 =	sld [smem:$0x3F98];
	_ =	swait.ge [sflag:s4], $0x0  }
0x19: {  	s7 =	sld [smem:$0x3F99]  }
0x1a: {  	s8 =	sadd.s32 $0xFFFFE003, lr  }
0x1b: {  	s9 =	sadd.s32 $0xFFFFFEF7, lr;
	s5 =	simm.s32 $0xFFFFFFFF;
	p2 =	slt.u32 s8, $0xFFFFF086  }
0x1c: {  	p1 =	slt.u32 s9, $0xF7A;
	s5 =	simm.s32 @!p2 $0x0  }
0x1d: {  	s5 =	simm.s32 @p1 $0x1;
	p0 =	seq.s32 s7, s2  }
0x1e: {  	s7 =	smul.u32 @!p0 $0xF7A, s2;
	p2 =	seq.s32 @!p0 s5, $0x0  }
0x1f: {  	s9 =	smul.u32 $0xF7A, s1;
	s8 =	simm.s32 @!p0 $0x1BF5;
	p2 =	por !p2, p0  }
0x20: {  	[sflag:s8] =	ssyncset.s32 @!p0 $0xFFFFF086;
	s6 =	sadd.s32 @!p0 s3, s7;
	s7 =	simm.s32 @!p0 $0x108  }
0x21: {  	s3 =	sadd.s32 s3, s9;
	s6 =	sadd.s32 @!p0 $0x88, s6;
	s7 =	simm.s32 @p2 $0x1082  }
0x22: {  	[simem:s7], [sflag:s8] =	dma.local @!p0 [hbm:s6], $0xF7A  }
0x23: {  	s9 =	sor.u32 $0xD0000000, s2;
	s6 =	simm.s32 $0x108;
	_ =	swait.ge @!p0 [sflag:s8], $0x0  }
0x24: {  	s3 =	sadd.s32 $0x88, s3;
	s6 =	simm.s32 @!p1 $0x1082;
	[sflag:s4] =	ssyncset.s32 $0xFFFFF086  }
0x25: {  	[simem:s6], [sflag:s4] =	dma.local [hbm:s3], $0xF7A  }
0x26: {  	[smem:$0x3F99] =	sst s1;
	(tag) =	ssettag s2;
	_ =	strace s9  }
0x27: {  	s1 =	sld [smem:$0x3FA9]  }
0x28: {  	s2 =	sld [smem:$0x3FAA]  }
0x29: {  	s4 =	sld [smem:$0x3FAC]  }
0x2a: {  	p0 =	seq.s32 s5, $0x0;
	s5 =	sld [smem:$0x3FAD]  }
0x2b: {  	s6 =	sld [smem:$0x3FAE]  }
0x2c: {  	s7 =	sld [smem:$0x3FAF]  }
0x2d: {  	s3 =	simm.s32 $0x108;
	s8 =	sld [smem:$0x3FB0]  }
0x2e: {  	s3 =	simm.s32 @!p0 $0x1082;
	s9 =	sld [smem:$0x3FB1]  }
0x2f: {  	lr =	sadd.s32 s0, s3;
	s0 =	sld [smem:$0x3FA8]  }
0x30: {  	s3 =	sld [smem:$0x3FAB]  }
0x31: {  	[smem:$0x3FB4] =	sst s10  }
0x32: {  	s10 =	sld [smem:$0x3FB2];
	_ =	sdelay $0x3  }
0x33: {  	p0 =	seq.s32 s10, $0x1;
	s10 =	sld [smem:$0x3FB4];
	_ =	sdelay $0x3  }
0x34: {  	[smem:$0x3FB4] =	sst s10  }
0x35: {  	s10 =	sld [smem:$0x3FB3];
	_ =	sdelay $0x3  }
0x36: {  	p1 =	seq.s32 s10, $0x1;
	s10 =	sld [smem:$0x3FB4];
	_ =	sdelay $0x3  }
0x37: {  	[smem:$0x3FB4] =	sst s10  }
0x38: {  	s10 =	sld [smem:$0x3FB5]  }
0x39: {  	_ = 	snop;
	(pc) =	sbr.ind lr, $3  }
0x3a: {  	_ = 	snop  }
0x3b: {  	_ = 	snop  }
0x3c: {  	p2 =	seq.s32 s10, $0x1;
	s10 =	sld [smem:$0x3FB4]  }
0x3d: {  	_ =	shalt  }
0x3e: {  	_ =	shalt  }
0x3f: {  	_ =	shalt  }
0x40: {  	_ =	shalt  }
0x41: {  	_ =	shalt  }
0x42: {  	_ =	shalt  }
0x43: {  	_ =	shalt  }
0x44: {  	_ =	shalt  }
0x45: {  	_ =	shalt  }
0x46: {  	_ =	shalt  }
0x47: {  	_ =	shalt  }
0x48: {  	_ =	shalt  }
0x49: {  	_ =	shalt  }
0x4a: {  	_ =	shalt  }
0x4b: {  	_ =	shalt  }
0x4c: {  	_ =	shalt  }
0x4d: {  	_ =	shalt  }
0x4e: {  	_ =	shalt  }
0x4f: {  	_ =	shalt  }
0x50: {  	_ =	shalt  }
0x51: {  	_ =	shalt  }
0x52: {  	_ =	shalt  }
0x53: {  	_ =	shalt  }
0x54: {  	_ =	shalt  }
0x55: {  	_ =	shalt  }
0x56: {  	_ =	shalt  }
0x57: {  	_ =	shalt  }
0x58: {  	_ =	shalt  }
0x59: {  	_ =	shalt  }
0x5a: {  	_ =	shalt  }
0x5b: {  	_ =	shalt  }
0x5c: {  	_ =	shalt  }
0x5d: {  	_ =	shalt  }
0x5e: {  	_ =	shalt  }
0x5f: {  	_ =	shalt  }
0x60: {  	_ =	shalt  }
0x61: {  	_ =	shalt  }
0x62: {  	_ =	shalt  }
0x63: {  	_ =	shalt  }
0x64: {  	_ =	shalt  }
0x65: {  	_ =	shalt  }
0x66: {  	_ =	shalt  }
0x67: {  	_ =	shalt  }
0x68: {  	_ =	shalt  }
0x69: {  	_ =	shalt  }
0x6a: {  	_ =	shalt  }
0x6b: {  	_ =	shalt  }
0x6c: {  	_ =	shalt  }
0x6d: {  	_ =	shalt  }
0x6e: {  	_ =	shalt  }
0x6f: {  	_ =	shalt  }
0x70: {  	_ =	shalt  }
0x71: {  	_ =	shalt  }
0x72: {  	_ =	shalt  }
0x73: {  	_ =	shalt  }
0x74: {  	_ =	shalt  }
0x75: {  	_ =	shalt  }
0x76: {  	_ =	shalt  }
0x77: {  	_ =	shalt  }
0x78: {  	_ =	shalt  }
0x79: {  	_ =	shalt  }
0x7a: {  	_ =	shalt  }
0x7b: {  	_ =	shalt  }
0x7c: {  	_ =	shalt  }
0x7d: {  	_ =	shalt  }
0x7e: {  	_ =	shalt  }
0x7f: {  	_ =	shalt  }
0x80: {  	_ =	shalt  }
0x81: {  	_ =	shalt  }
0x82: {  	_ =	shalt  }
0x83: {  	_ =	shalt  }
0x84: {  	_ =	shalt  }
0x85: {  	_ =	shalt  }
0x86: {  	_ =	shalt  }
0x87: {  	_ =	shalt  }
.Lfunc_end0:
.L_simem_size_0:
called_computation.1_lowered:
.L_overlay_start_0:
0x88: {  	s2 =	sld [smem:$0x3FD9]  }
0x89: {  	s3 =	sld [smem:$0x3FFE];
	_ =	sdelay $0x1  }
0x8a: {  	s1 =	srdreg.scid  }
0x8b: {  	s0 =	sand.u32 $0x1, s1  }
0x8c: {  	s17 =	sshll.u32 s0, $0xA;
	s2 =	sadd.s32 s3, s2  }
0x8d: {  	s2 =	sadd.s32 s2, s17  }
0x8e: {  	[smem:$0x3FC0] =	sst s2  }
0x8f: {  	_ = 	snop  }
0x90: {  	s2 =	sld [smem:$0x3FD0];
	(tm) =	ssettm $0x1  }
0x91: {  	s18 =	sld [smem:$0x3FFB];
	_ =	sdelay $0x3  }
0x92: {  	_ =	strace s18  }
0x93: {  	s3 =	sld [smem:$0x3FFC];
	_ =	sdelay $0x3  }
0x94: {  	_ =	strace s3  }
0x95: {  	s3 =	sld [smem:$0x3FFD];
	_ =	sdelay $0x3  }
0x96: {  	_ =	strace s3  }
0x97: {  	_ =	strace $0x8FFFFFFF  }
0x98: {  	s19 =	sld [smem:$0x3FDB];
	_ =	sdelay $0x1  }
0x99: {  	s4 =	simm.s32 $_scs_section_size  }
0x9a: {  	s5 =	simm.s32 $_size__tile_overlayer_lowered;
	s6 =	simm.s32 $_tile_overlayer_lowered  }
0x9b: {  	s22 =	simm.s32 $0x1BFF;
	s21 =	sshll.u32 s6, $0x1;
	s3 =	sadd.s32 s4, s19  }
0x9c: {  	s7 =	simm.s32 $0x0;
	s20 =	sshll.u32 s5, $0x1;
	s5 =	sadd.s32 s21, s3  }
0x9d: {  	[timem:s7], [sflag:s22] =	dma.local [hbm:s5], s20  }
0x9e: {  	_ =	swait.ge [sflag:s22], s20  }
0x9f: {  	s4 =	ssub.s32 $0x0, s20;
	[sflag:s22] =	ssyncset.done $0x0  }
0xa0: {  	[sflag:s22] =	ssyncadd.s32 s4;
	_ =	sdelay $0x1  }
0xa1: {  	s23 =	simm.s32 $0x1B8B  }
0xa2: {  	_ =	swait.ge [sflag:s23], $0x1  }
0xa3: {  	[sflag:s23] =	ssyncset.done $0x0  }
0xa4: {  	s25 =	simm.s32 $0x1B8E;
	s24 =	sld [smem:$0x3FFE];
	[sflag:s23] =	ssyncadd.s32 $0xFFFFFFFF  }
0xa5: {  	s26 =	simm.s32 $execute0_lowered;
	[smem:$0x3FD2] =	sst s25  }
0xa6: {  	s5 =	sshll.u32 s26, $0x1;
	_ =	strace $0x80000049;
	[dreg:$0x1] =	wrdreg $0xFFFFFFFF  }
0xa7: {  	s28 =	simm.s32 $_size_execute0_lowered;
	s3 =	sadd.s32 s3, s5;
	[dreg:$0x0] =	wrdreg $0x0  }
0xa8: {  	s5 =	sshll.u32 s28, $0x1;
	[dreg:$0x2] =	wrdreg s3  }
0xa9: {  	[dreg:$0x3] =	wrdreg s5  }
0xaa: {  	[dreg:$0x4] =	wrdreg $0xC0  }
0xab: {  	_ =	task [dreg:s7], $0x5FFFF  }
0xac: {  	[dreg:$0x1] =	wrdreg $0xFFFFFFFF  }
0xad: {  	[dreg:$0x0] =	wrdreg $0x60  }
0xae: {  	[dreg:$0x2] =	wrdreg s24  }
0xaf: {  	[dreg:$0x3] =	wrdreg s2  }
0xb0: {  	[dreg:$0x4] =	wrdreg $0x90000  }
0xb1: {  	[dreg:$0x5] =	wrdreg $0x9  }
0xb2: {  	_ =	task.clear_ibuf [dreg:s7], $0x6FFFF;
	_ =	strace $0x90000049  }
0xb3: {  	s29 =	simm.s32 $0x9;
	_ =	strace $0x8000004B  }
0xb4: {  	_ =	swait.ge [sflag:s29], $0x1  }
0xb5: {  	[sflag:s29] =	ssyncadd.s32 $0xFFFFFFFF  }
0xb6: {  	_ =	strace $0x9000004B  }
0xb7: {  	_ =	sfence  }
0xb8: {  	s30 =	sld [smem:$0x0];
	_ =	sdelay $0x2  }
0xb9: {  	s31 =	sshll.u32 s1, $0xD;
	s1 =	sshrl.u32 s1, $0x2  }
0xba: {  	s3 =	sand.u32 $0x4000, s31;
	s1 =	sadd.s32 s1, s30  }
0xbb: {  	s0 =	sor.u32 s3, s0;
	s1 =	sshll.u32 s1, $0x11  }
0xbc: {  	s0 =	sor.u32 s1, s0  }
0xbd: {  	s0 =	sadd.s32 $0x8F2B, s0  }
0xbe: {  	[sflag:s0] =	ssyncadd.remote.s32 $0x1  }
0xbf: {  	_ =	sfence.sel $0xFFFF  }
0xc0: {  	[dreg:$0x0] =	wrdreg $0xFFFFFFFF;
	(pc) =	sbr.abs _section_cstart, $3  }
0xc1: {  	[dreg:$0x1] =	wrdreg $0xFFFFFFFF  }
0xc2: {  	_ =	task.clear_ibuf [dreg:s7], $0x2FFFF;
	_ =	strace $0x9FFFFFFF  }
0xc3: {  	(tm) =	ssettm $0x7FFFFFFF  }
tec
execute0_lowered:
.L_overlay_start_1:
0x0: {  	(tag) =	ssettag $0x1  }
0x1: {  	s2 =	rddreg [dreg:$0x0]  }
0x2: {  	s0 =	rddreg [dreg:$0x1]  }
0x3: {  	s1 =	rddreg [dreg:$0x2];
	s4 =	srdreg.scid;
	s3 =	simm.s32 $0x0  }
0x4: {  	s19 =	stileid.u32;
	s23 =	simm.s32 $0x100;
	s24 =	simm.s32 $0x480  }
0x5: {  	s25 =	simm.s32 $0x180;
	s28 =	simm.s32 $0x1;
	s29 =	simm.s32 $0x2  }
0x6: {  	s30 =	simm.s32 $0x4;
	s31 =	simm.s32 $0xA80;
	s6 =	smul.u32 $0x500, s19  }
0x7: {  	s5 =	sand.u32 $0x1, s4;
	[smem:$0x7FF] =	sst s3;
	s11 =	smul.u32 $0xA, s19  }
0x8: {  	s10 =	sadd.s32 $0x1C00, s2;
	s9 =	sadd.s32 $0x10C00, s2;
	s12 =	smul.u32 $0x280, s19  }
0x9: {  	s4 =	sshll.u32 s5, $0x4;
	_ =	strace $0x8000004A;
	[dreg:$0x1a] =	wrdreg s9  }
0xa: {  	s8 =	ssub.s32 $0x2, s5;
	s9 =	smul.u32 $0x50000, s19;
	[dreg:$0x6] =	wrdreg s23  }
0xb: {  	s15 =	smul.u32 $0xA0, s5;
	p0 =	seq.s32 s5, $0x0;
	[dreg:$0x7] =	wrdreg s24  }
0xc: {  	[dreg:$0x8] =	wrdreg s25;
	s24 =	simm.s32 $0x300;
	s25 =	simm.s32 $0x680  }
0xd: {  	s7 =	sor.u32 s19, s4;
	s4 =	sadd.s32 $0x11400, s2;
	s6 =	sadd.s32 s6, s2  }
0xe: {  	s26 =	sshrl.u32 s8, $0x1;
	s2 =	sadd.s32 $0x5F600, s2;
	[dreg:$0xe] =	wrdreg s24  }
0xf: {  	s14 =	sadd.s32 $0x80, s12;
	s20 =	sadd.s32 $0x100, s12;
	[dreg:$0xf] =	wrdreg s25  }
0x10: {  	s24 =	simm.s32 $0xD00;
	s25 =	simm.s32 $0xA00;
	s7 =	smul.u32 $0x500, s7  }
0x11: {  	s13 =	ssub.s32 s8, s26;
	s18 =	sadd.s32 s11, s15;
	[dreg:$0x17] =	wrdreg s24  }
0x12: {  	s21 =	sshll.u32 s20, $0x7;
	s26 =	simm.s32 $0x500;
	[dreg:$0x18] =	wrdreg s25  }
0x13: {  	s15 =	sshll.u32 s20, $0x4;
	s20 =	simm.s32 $0x280;
	[dreg:$0x9] =	wrdreg s26  }
0x14: {  	s16 =	sshrl.u32 s9, $0x2;
	[dreg:$0xc] =	wrdreg s20;
	s23 =	smax.u32 s13, $0x1  }
0x15: {  	s17 =	sshll.u32 s14, $0x7;
	s13 =	simm.s32 $0x700;
	[dreg:$0x1e] =	wrdreg s23  }
0x16: {  	s14 =	sshll.u32 s14, $0x4;
	s20 =	simm.s32 $0x880;
	[dreg:$0x11] =	wrdreg s13  }
0x17: {  	s2 =	smov.u32 @p0 s0;
	s7 =	sadd.s32 s10, s7;
	[dreg:$0x13] =	wrdreg s20  }
0x18: {  	s8 =	sadd.s32 s17, s1;
	s23 =	simm.s32 $0x980;
	[dreg:$0x1b] =	wrdreg s7  }
0x19: {  	s7 =	sadd.s32 $0xBC00, s6;
	s6 =	sadd.s32 s16, s1;
	s16 =	sadd.s32 $0x180, s12  }
0x1a: {  	[dreg:$0x16] =	wrdreg s23;
	s9 =	smov.u32 s6;
	s6 =	sshll.u32 s18, $0x7  }
0x1b: {  	s17 =	sshll.u32 s16, $0x7;
	s18 =	sadd.s32 $0x200, s12;
	s6 =	sadd.s32 s6, s10  }
0x1c: {  	s10 =	sadd.s32 s21, s1;
	s11 =	sadd.s32 s17, s1;
	s17 =	simm.s32 $0x200  }
0x1d: {  	s12 =	sshll.u32 s18, $0x7;
	s22 =	sadd.s32 $0x80, s6;
	[dreg:$0xa] =	wrdreg s17  }
0x1e: {  	s21 =	sshll.u32 s18, $0x4;
	s6 =	sadd.s32 $0x100, s6;
	[dreg:$0x4] =	wrdreg s22  }
0x1f: {  	s18 =	smov.u32 s11;
	s11 =	sadd.s32 s2, s14;
	[dreg:$0x5] =	wrdreg s6  }
0x20: {  	s5 =	simm.s32 $0xE80;
	s14 =	sadd.s32 s2, s15;
	[smem:$0x7FA] =	sst s11  }
0x21: {  	s24 =	simm.s32 $0xC00;
	s15 =	simm.s32 $0x780;
	[smem:$0x7FB] =	sst s14  }
0x22: {  	s25 =	simm.s32 $0x80;
	s0 =	simm.s32 $0xE00;
	[dreg:$0x12] =	wrdreg s15  }
0x23: {  	s20 =	simm.s32 $0x1000;
	s12 =	sadd.s32 s12, s1;
	[dreg:$0x1c] =	wrdreg s18  }
0x24: {  	s6 =	smul.u32 $0x2800, s19;
	s19 =	simm.s32 $0x580;
	[dreg:$0x1d] =	wrdreg s12  }
0x25: {  	s16 =	sshll.u32 s16, $0x4;
	s22 =	simm.s32 $0x600;
	[dreg:$0xb] =	wrdreg s19  }
0x26: {  	s13 =	simm.s32 $0xF00;
	[dreg:$0xd] =	wrdreg s22;
	s19 =	sadd.s32 s2, s16  }
0x27: {  	s23 =	simm.s32 $0x800;
	s22 =	simm.s32 $0xC80;
	[smem:$0x7FC] =	sst s19  }
0x28: {  	s17 =	smov.u32 s10;
	s26 =	sadd.s32 s2, s6;
	[dreg:$0x15] =	wrdreg s22  }
0x29: {  	s14 =	simm.s32 $0xF80;
	s6 =	simm.s32 $0x380;
	[dreg:$0x1f] =	wrdreg s26  }
0x2a: {  	s15 =	simm.s32 $0x0;
	s2 =	sadd.s32 s2, s21;
	[dreg:$0x10] =	wrdreg s6  }
0x2b: {  	s16 =	smov.u32 s8;
	s21 =	simm.s32 $0x900;
	[smem:$0x7FD] =	sst s2  }
0x2c: {  	s19 =	simm.s32 $0x400;
	s22 =	simm.s32 $0x3;
	[dreg:$0x14] =	wrdreg s21  }
0x2d: {  	s21 =	simm.s32 $0x5;
	s26 =	simm.s32 $0xD80;
	s2 =	simm.s32 $0xB00  }
0x2e: {  	s6 =	simm.s32 $0xB80;
	[dreg:$0x19] =	wrdreg s26;
	s26 =	simm.s32 $0x5000  }
.LBB2_1:
0x2f: {  	s8 =	rddreg [dreg:$0x1b]  }
0x30: {  	[tilespmem:s3], [sflag:$0x3] =	stream.linear.gather [hbm4b:s8+s3], $0x400, $0x38;
	[tilespmem:$0x1D000] =	vst v63  }
0x31: {  	_ = 	snop  }
0x32: {  	[tilespmem:s19], [sflag:$0x3] =	stream.linear.gather [hbm4b:s7+s3], $0x400, $0x38;
	[tilespmem:$0x1D000] =	vst v63  }
0x33: {  	s11 =	rddreg [dreg:$0x1a]  }
0x34: {  	[tilespmem:s20], [sflag:$0x5] =	stream.linear.gather [hbm4b:s11+s3], $0x4000, $0x38;
	[tilespmem:$0x1D000] =	vst v63  }
0x35: {  	_ =	swait.ge [sflag:s21], $0x4000  }
0x36: {  	[sflag:s21] =	ssyncset.done $0x0  }
0x37: {  	[sflag:s21] =	ssyncadd.s32 $0xFFFFC000  }
0x38: {  	[spmem:s9] =	stream.linear.scatter [tilespmem:s20], [sflag:$0x5], $0x4000, $0x38;
	[tilespmem:$0x1D000] =	vst v63  }
0x39: {  	_ =	swait.ge [sflag:s21], $0x4000  }
0x3a: {  	[sflag:s21] =	ssyncset.done $0x0  }
0x3b: {  	[sflag:s21] =	ssyncadd.s32 $0xFFFFC000  }
0x3c: {  	[spmem:s16] =	stream.linear.scatter [tilespmem:s20], [sflag:$0x5], $0x4000, $0x38;
	[tilespmem:$0x1D000] =	vst v63  }
0x3d: {  	_ =	swait.ge [sflag:s21], $0x4000  }
0x3e: {  	[sflag:s21] =	ssyncset.done $0x0  }
0x3f: {  	[sflag:s21] =	ssyncadd.s32 $0xFFFFC000  }
0x40: {  	[spmem:s17] =	stream.linear.scatter [tilespmem:s20], [sflag:$0x5], $0x4000, $0x38;
	[tilespmem:$0x1D000] =	vst v63  }
0x41: {  	_ =	swait.ge [sflag:s21], $0x4000  }
0x42: {  	[sflag:s21] =	ssyncset.done $0x0  }
0x43: {  	[sflag:s21] =	ssyncadd.s32 $0xFFFFC000  }
0x44: {  	[spmem:s18] =	stream.linear.scatter [tilespmem:s20], [sflag:$0x5], $0x4000, $0x38;
	[tilespmem:$0x1D000] =	vst v63  }
0x45: {  	_ =	swait.ge [sflag:s21], $0x4000  }
0x46: {  	[sflag:s21] =	ssyncset.done $0x0  }
0x47: {  	s11 =	smov.u32 s16;
	s16 =	smov.u32 s12;
	[sflag:s21] =	ssyncadd.s32 $0xFFFFC000  }
0x48: {  	[spmem:s16] =	stream.linear.scatter [tilespmem:s20], [sflag:$0x5], $0x4000, $0x38;
	[tilespmem:$0x1D000] =	vst v63  }
0x49: {  	_ =	swait.ge [sflag:s21], $0x4000  }
0x4a: {  	[sflag:s21] =	ssyncset.done $0x0  }
0x4b: {  	[sflag:s21] =	ssyncadd.s32 $0xFFFFC000  }
0x4c: {  	[bflag:$0x0] =	sbarrier.arrive $0xFFFF  }
0x4d: {  	_ =	swait.ge [sflag:s22], $0x400  }
0x4e: {  	[sflag:s22] =	ssyncset.done $0x0  }
0x4f: {  	[sflag:s22] =	ssyncadd.s32 $0xFFFFFC00  }
0x50: {  	_ =	swait.ge [sflag:s22], $0x400  }
0x51: {  	s10 =	smov.u32 s9;
	s8 =	rddreg [dreg:$0x4];
	[sflag:s22] =	ssyncset.done $0x0  }
0x52: {  	s9 =	sadd.s32 $0x0, s7;
	[sflag:s22] =	ssyncadd.s32 $0xFFFFFC00;
	s16 =	sadd.s32 $0x0, s8  }
0x53: {  	[tilespmem:s23], [sflag:$0x4] =	stream.linear.gather [hbm4b:s16+s3], $0x400, $0x38;
	[tilespmem:$0x1D000] =	vst v63  }
0x54: {  	s18 =	sadd.s32 $0x80, s9  }
0x55: {  	[tilespmem:s24], [sflag:$0x4] =	stream.linear.gather [hbm4b:s18+s3], $0x400, $0x38;
	[tilespmem:$0x1D000] =	vst v63  }
0x56: {  	_ = 	snop  }
0x57: {  	[tilespmem:s20], [sflag:$0x1] =	stream.indirect.gather [hbm4b:s4+s25], $0x80, s3, s25, $0xb8;
	[tilespmem:$0x1D000] =	vst v63  }
0x58: {  	_ = 	snop  }
0x59: {  	[tilespmem:s26], [sflag:$0x2] =	stream.indirect.gather [hbm4b:s4+s25], $0x80, s25, s25, $0xb8;
	[tilespmem:$0x1D000] =	vst v63  }
0x5a: {  	_ =	swait.ge [sflag:s28], $0x4000  }
0x5b: {  	[sflag:s28] =	ssyncset.done $0x0  }
0x5c: {  	[sflag:s28] =	ssyncadd.s32 $0xFFFFC000  }
0x5d: {  	[spmem:s1] =	stream.indirect.scatter.add.f32 [tilespmem:s20], [sflag:$0x5], $0x80, s19, s25, $0xb8;
	[tilespmem:$0x1D000] =	vst v63  }
0x5e: {  	_ =	swait.ge [sflag:s21], $0x4000  }
0x5f: {  	[sflag:s21] =	ssyncset.done $0x0  }
0x60: {  	s8 =	rddreg [dreg:$0x6];
	[sflag:s21] =	ssyncadd.s32 $0xFFFFC000  }
0x61: {  	[tilespmem:s20], [sflag:$0x1] =	stream.indirect.gather [hbm4b:s4+s25], $0x80, s8, s25, $0xb8;
	[tilespmem:$0x1D000] =	vst v63  }
0x62: {  	_ =	swait.ge [sflag:s29], $0x4000  }
0x63: {  	[sflag:s29] =	ssyncset.done $0x0  }
0x64: {  	s9 =	rddreg [dreg:$0x7];
	[sflag:s29] =	ssyncadd.s32 $0xFFFFC000  }
0x65: {  	[spmem:s1] =	stream.indirect.scatter.add.f32 [tilespmem:s26], [sflag:$0x5], $0x80, s9, s25, $0xb8;
	[tilespmem:$0x1D000] =	vst v63  }
0x66: {  	_ =	swait.ge [sflag:s21], $0x4000  }
0x67: {  	[sflag:s21] =	ssyncset.done $0x0  }
0x68: {  	s12 =	smov.u32 s17;
	s17 =	rddreg [dreg:$0x8];
	[sflag:s21] =	ssyncadd.s32 $0xFFFFC000  }
0x69: {  	[tilespmem:s26], [sflag:$0x2] =	stream.indirect.gather [hbm4b:s4+s25], $0x80, s17, s25, $0xb8;
	[tilespmem:$0x1D000] =	vst v63  }
0x6a: {  	_ =	swait.ge [sflag:s28], $0x4000  }
0x6b: {  	[sflag:s28] =	ssyncset.done $0x0  }
0x6c: {  	s18 =	rddreg [dreg:$0x9];
	[sflag:s28] =	ssyncadd.s32 $0xFFFFC000  }
0x6d: {  	[spmem:s1] =	stream.indirect.scatter.add.f32 [tilespmem:s20], [sflag:$0x5], $0x80, s18, s25, $0xb8;
	[tilespmem:$0x1D000] =	vst v63  }
0x6e: {  	_ =	swait.ge [sflag:s21], $0x4000  }
0x6f: {  	[sflag:s21] =	ssyncset.done $0x0  }
0x70: {  	s8 =	rddreg [dreg:$0xa];
	[sflag:s21] =	ssyncadd.s32 $0xFFFFC000  }
0x71: {  	[tilespmem:s20], [sflag:$0x1] =	stream.indirect.gather [hbm4b:s4+s25], $0x80, s8, s25, $0xb8;
	[tilespmem:$0x1D000] =	vst v63  }
0x72: {  	_ =	swait.ge [sflag:s29], $0x4000  }
0x73: {  	[sflag:s29] =	ssyncset.done $0x0  }
0x74: {  	s9 =	rddreg [dreg:$0xb];
	[sflag:s29] =	ssyncadd.s32 $0xFFFFC000  }
0x75: {  	[spmem:s1] =	stream.indirect.scatter.add.f32 [tilespmem:s26], [sflag:$0x5], $0x80, s9, s25, $0xb8;
	[tilespmem:$0x1D000] =	vst v63  }
0x76: {  	_ =	swait.ge [sflag:s21], $0x4000  }
0x77: {  	[sflag:s21] =	ssyncset.done $0x0  }
0x78: {  	s17 =	rddreg [dreg:$0xc];
	[sflag:s21] =	ssyncadd.s32 $0xFFFFC000  }
0x79: {  	[tilespmem:s26], [sflag:$0x2] =	stream.indirect.gather [hbm4b:s4+s25], $0x80, s17, s25, $0xb8;
	[tilespmem:$0x1D000] =	vst v63  }
0x7a: {  	_ =	swait.ge [sflag:s28], $0x4000  }
0x7b: {  	[sflag:s28] =	ssyncset.done $0x0  }
0x7c: {  	s18 =	rddreg [dreg:$0xd];
	[sflag:s28] =	ssyncadd.s32 $0xFFFFC000  }
0x7d: {  	[spmem:s1] =	stream.indirect.scatter.add.f32 [tilespmem:s20], [sflag:$0x5], $0x80, s18, s25, $0xb8;
	[tilespmem:$0x1D000] =	vst v63  }
0x7e: {  	_ =	swait.ge [sflag:s21], $0x4000  }
0x7f: {  	[sflag:s21] =	ssyncset.done $0x0  }
0x80: {  	s8 =	rddreg [dreg:$0xe];
	[sflag:s21] =	ssyncadd.s32 $0xFFFFC000  }
0x81: {  	[tilespmem:s20], [sflag:$0x1] =	stream.indirect.gather [hbm4b:s4+s25], $0x80, s8, s25, $0xb8;
	[tilespmem:$0x1D000] =	vst v63  }
0x82: {  	_ =	swait.ge [sflag:s29], $0x4000  }
0x83: {  	[sflag:s29] =	ssyncset.done $0x0  }
0x84: {  	s9 =	rddreg [dreg:$0xf];
	[sflag:s29] =	ssyncadd.s32 $0xFFFFC000  }
0x85: {  	[spmem:s1] =	stream.indirect.scatter.add.f32 [tilespmem:s26], [sflag:$0x5], $0x80, s9, s25, $0xb8;
	[tilespmem:$0x1D000] =	vst v63  }
0x86: {  	_ =	swait.ge [sflag:s21], $0x4000  }
0x87: {  	[sflag:s21] =	ssyncset.done $0x0  }
0x88: {  	s17 =	rddreg [dreg:$0x10];
	[sflag:s21] =	ssyncadd.s32 $0xFFFFC000  }
0x89: {  	[tilespmem:s26], [sflag:$0x2] =	stream.indirect.gather [hbm4b:s4+s25], $0x80, s17, s25, $0xb8;
	[tilespmem:$0x1D000] =	vst v63  }
0x8a: {  	_ =	swait.ge [sflag:s28], $0x4000  }
0x8b: {  	[sflag:s28] =	ssyncset.done $0x0  }
0x8c: {  	s18 =	rddreg [dreg:$0x11];
	[sflag:s28] =	ssyncadd.s32 $0xFFFFC000  }
0x8d: {  	[spmem:s1] =	stream.indirect.scatter.add.f32 [tilespmem:s20], [sflag:$0x5], $0x80, s18, s25, $0xb8;
	[tilespmem:$0x1D000] =	vst v63  }
0x8e: {  	_ =	swait.ge [sflag:s21], $0x4000  }
0x8f: {  	[sflag:s21] =	ssyncset.done $0x0  }
0x90: {  	[sflag:s21] =	ssyncadd.s32 $0xFFFFC000  }
0x91: {  	_ =	swait.ge [sflag:s29], $0x4000  }
0x92: {  	[sflag:s29] =	ssyncset.done $0x0  }
0x93: {  	s8 =	rddreg [dreg:$0x12];
	[sflag:s29] =	ssyncadd.s32 $0xFFFFC000  }
0x94: {  	[spmem:s1] =	stream.indirect.scatter.add.f32 [tilespmem:s26], [sflag:$0x5], $0x80, s8, s25, $0xb8;
	[tilespmem:$0x1D000] =	vst v63  }
0x95: {  	_ =	swait.ge [sflag:s21], $0x4000  }
0x96: {  	[sflag:s21] =	ssyncset.done $0x0  }
0x97: {  	[sflag:s21] =	ssyncadd.s32 $0xFFFFC000  }
0x98: {  	_ =	swait.ge [sflag:s30], $0x400  }
0x99: {  	[sflag:s30] =	ssyncset.done $0x0  }
0x9a: {  	[sflag:s30] =	ssyncadd.s32 $0xFFFFFC00  }
0x9b: {  	p0 =	por $0x0, $0x0;
	_ =	swait.ge [sflag:s30], $0x400  }
0x9c: {  	s17 =	simm.s32 @!p0 $0x0;
	s16 =	rddreg [dreg:$0x5];
	[sflag:s30] =	ssyncset.done $0x0  }
0x9d: {  	s18 =	sadd.s32 @!p0 $0x0, s7;
	[sflag:s30] =	ssyncadd.s32 $0xFFFFFC00;
	s16 =	sadd.s32 @!p0 $0x0, s16  }
0x9e: {  	[tilespmem:s17], [sflag:$0x3] =	stream.linear.gather @!p0 [hbm4b:s16+s17], $0x400, $0x38;
	[tilespmem:$0x1D000] =	vst v63  }
0x9f: {  	s16 =	sadd.s32 @!p0 $0x100, s18;
	s18 =	simm.s32 @!p0 $0x400  }
0xa0: {  	[tilespmem:s18], [sflag:$0x3] =	stream.linear.gather @!p0 [hbm4b:s16+s17], $0x400, $0x38;
	[tilespmem:$0x1D000] =	vst v63  }
0xa1: {  	_ = 	snop  }
0xa2: {  	[tilespmem:s20], [sflag:$0x1] =	stream.indirect.gather [hbm4b:s4+s25], $0x80, s23, s25, $0xb8;
	[tilespmem:$0x1D000] =	vst v63  }
0xa3: {  	s9 =	rddreg [dreg:$0x13]  }
0xa4: {  	[tilespmem:s26], [sflag:$0x2] =	stream.indirect.gather [hbm4b:s4+s25], $0x80, s9, s25, $0xb8;
	[tilespmem:$0x1D000] =	vst v63  }
0xa5: {  	_ =	swait.ge [sflag:s28], $0x4000  }
0xa6: {  	[sflag:s28] =	ssyncset.done $0x0  }
0xa7: {  	[sflag:s28] =	ssyncadd.s32 $0xFFFFC000  }
0xa8: {  	[spmem:s1] =	stream.indirect.scatter.add.f32 [tilespmem:s20], [sflag:$0x5], $0x80, s24, s25, $0xb8;
	[tilespmem:$0x1D000] =	vst v63  }
0xa9: {  	_ =	swait.ge [sflag:s21], $0x4000  }
0xaa: {  	[sflag:s21] =	ssyncset.done $0x0  }
0xab: {  	s17 =	rddreg [dreg:$0x14];
	[sflag:s21] =	ssyncadd.s32 $0xFFFFC000  }
0xac: {  	[tilespmem:s20], [sflag:$0x1] =	stream.indirect.gather [hbm4b:s4+s25], $0x80, s17, s25, $0xb8;
	[tilespmem:$0x1D000] =	vst v63  }
0xad: {  	_ =	swait.ge [sflag:s29], $0x4000  }
0xae: {  	[sflag:s29] =	ssyncset.done $0x0  }
0xaf: {  	s18 =	rddreg [dreg:$0x15];
	[sflag:s29] =	ssyncadd.s32 $0xFFFFC000  }
0xb0: {  	[spmem:s1] =	stream.indirect.scatter.add.f32 [tilespmem:s26], [sflag:$0x5], $0x80, s18, s25, $0xb8;
	[tilespmem:$0x1D000] =	vst v63  }
0xb1: {  	_ =	swait.ge [sflag:s21], $0x4000  }
0xb2: {  	[sflag:s21] =	ssyncset.done $0x0  }
0xb3: {  	s8 =	rddreg [dreg:$0x16];
	[sflag:s21] =	ssyncadd.s32 $0xFFFFC000  }
0xb4: {  	[tilespmem:s26], [sflag:$0x2] =	stream.indirect.gather [hbm4b:s4+s25], $0x80, s8, s25, $0xb8;
	[tilespmem:$0x1D000] =	vst v63  }
0xb5: {  	_ =	swait.ge [sflag:s28], $0x4000  }
0xb6: {  	[sflag:s28] =	ssyncset.done $0x0  }
0xb7: {  	s9 =	rddreg [dreg:$0x17];
	[sflag:s28] =	ssyncadd.s32 $0xFFFFC000  }
0xb8: {  	[spmem:s1] =	stream.indirect.scatter.add.f32 [tilespmem:s20], [sflag:$0x5], $0x80, s9, s25, $0xb8;
	[tilespmem:$0x1D000] =	vst v63  }
0xb9: {  	_ =	swait.ge [sflag:s21], $0x4000  }
0xba: {  	[sflag:s21] =	ssyncset.done $0x0  }
0xbb: {  	s17 =	rddreg [dreg:$0x18];
	[sflag:s21] =	ssyncadd.s32 $0xFFFFC000  }
0xbc: {  	[tilespmem:s20], [sflag:$0x1] =	stream.indirect.gather [hbm4b:s4+s25], $0x80, s17, s25, $0xb8;
	[tilespmem:$0x1D000] =	vst v63  }
0xbd: {  	_ =	swait.ge [sflag:s29], $0x4000  }
0xbe: {  	[sflag:s29] =	ssyncset.done $0x0  }
0xbf: {  	s18 =	rddreg [dreg:$0x19];
	[sflag:s29] =	ssyncadd.s32 $0xFFFFC000  }
0xc0: {  	[spmem:s1] =	stream.indirect.scatter.add.f32 [tilespmem:s26], [sflag:$0x5], $0x80, s18, s25, $0xb8;
	[tilespmem:$0x1D000] =	vst v63  }
0xc1: {  	_ =	swait.ge [sflag:s21], $0x4000  }
0xc2: {  	[sflag:s21] =	ssyncset.done $0x0  }
0xc3: {  	[sflag:s21] =	ssyncadd.s32 $0xFFFFC000  }
0xc4: {  	[tilespmem:s26], [sflag:$0x2] =	stream.indirect.gather [hbm4b:s4+s25], $0x80, s31, s25, $0xb8;
	[tilespmem:$0x1D000] =	vst v63  }
0xc5: {  	_ =	swait.ge [sflag:s28], $0x4000  }
0xc6: {  	[sflag:s28] =	ssyncset.done $0x0  }
0xc7: {  	[sflag:s28] =	ssyncadd.s32 $0xFFFFC000  }
0xc8: {  	[spmem:s1] =	stream.indirect.scatter.add.f32 [tilespmem:s20], [sflag:$0x5], $0x80, s0, s25, $0xb8;
	[tilespmem:$0x1D000] =	vst v63  }
0xc9: {  	_ =	swait.ge [sflag:s21], $0x4000  }
0xca: {  	[sflag:s21] =	ssyncset.done $0x0  }
0xcb: {  	[sflag:s21] =	ssyncadd.s32 $0xFFFFC000  }
0xcc: {  	[tilespmem:s20], [sflag:$0x1] =	stream.indirect.gather [hbm4b:s4+s25], $0x80, s2, s25, $0xb8;
	[tilespmem:$0x1D000] =	vst v63  }
0xcd: {  	_ =	swait.ge [sflag:s29], $0x4000  }
0xce: {  	[sflag:s29] =	ssyncset.done $0x0  }
0xcf: {  	[sflag:s29] =	ssyncadd.s32 $0xFFFFC000  }
0xd0: {  	[spmem:s1] =	stream.indirect.scatter.add.f32 [tilespmem:s26], [sflag:$0x5], $0x80, s5, s25, $0xb8;
	[tilespmem:$0x1D000] =	vst v63  }
0xd1: {  	_ =	swait.ge [sflag:s21], $0x4000  }
0xd2: {  	[sflag:s21] =	ssyncset.done $0x0  }
0xd3: {  	[sflag:s21] =	ssyncadd.s32 $0xFFFFC000  }
0xd4: {  	[tilespmem:s26], [sflag:$0x2] =	stream.indirect.gather [hbm4b:s4+s25], $0x80, s6, s25, $0xb8;
	[tilespmem:$0x1D000] =	vst v63  }
0xd5: {  	_ =	swait.ge [sflag:s28], $0x4000  }
0xd6: {  	[sflag:s28] =	ssyncset.done $0x0  }
0xd7: {  	[sflag:s28] =	ssyncadd.s32 $0xFFFFC000  }
0xd8: {  	[spmem:s1] =	stream.indirect.scatter.add.f32 [tilespmem:s20], [sflag:$0x5], $0x80, s13, s25, $0xb8;
	[tilespmem:$0x1D000] =	vst v63  }
0xd9: {  	_ =	swait.ge [sflag:s21], $0x4000  }
0xda: {  	[sflag:s21] =	ssyncset.done $0x0  }
0xdb: {  	[sflag:s21] =	ssyncadd.s32 $0xFFFFC000  }
0xdc: {  	_ =	swait.ge [sflag:s29], $0x4000  }
0xdd: {  	[sflag:s29] =	ssyncset.done $0x0  }
0xde: {  	[sflag:s29] =	ssyncadd.s32 $0xFFFFC000  }
0xdf: {  	[spmem:s1] =	stream.indirect.scatter.add.f32 [tilespmem:s26], [sflag:$0x5], $0x80, s14, s25, $0xb8;
	[tilespmem:$0x1D000] =	vst v63  }
0xe0: {  	s16 =	simm.s32 $0x100;
	_ =	swait.ge [sflag:s21], $0x4000  }
.LBB2_2:
0xe1: {  	[sflag:s21] =	ssyncset.done $0x0  }
0xe2: {  	[sflag:s21] =	ssyncadd.s32 $0xFFFFC000  }
0xe3: {  	_ =	swait.ge [sflag:s22], $0x400  }
0xe4: {  	[sflag:s22] =	ssyncset.done $0x0  }
0xe5: {  	[sflag:s22] =	ssyncadd.s32 $0xFFFFFC00  }
0xe6: {  	_ =	swait.ge [sflag:s22], $0x400  }
0xe7: {  	s17 =	smov.u32 s16;
	s18 =	rddreg [dreg:$0x4];
	[sflag:s22] =	ssyncset.done $0x0  }
0xe8: {  	s8 =	sadd.s32 s17, s7;
	[sflag:s22] =	ssyncadd.s32 $0xFFFFFC00;
	s18 =	sadd.s32 s17, s18  }
0xe9: {  	[tilespmem:s23], [sflag:$0x4] =	stream.linear.gather [hbm4b:s18+s3], $0x400, $0x38;
	[tilespmem:$0x1D000] =	vst v63  }
0xea: {  	s8 =	sadd.s32 $0x80, s8  }
0xeb: {  	[tilespmem:s24], [sflag:$0x4] =	stream.linear.gather [hbm4b:s8+s3], $0x400, $0x38;
	[tilespmem:$0x1D000] =	vst v63  }
0xec: {  	_ = 	snop  }
0xed: {  	[tilespmem:s20], [sflag:$0x1] =	stream.indirect.gather [hbm4b:s4+s25], $0x80, s3, s25, $0xb8;
	[tilespmem:$0x1D000] =	vst v63  }
0xee: {  	_ = 	snop  }
0xef: {  	[tilespmem:s26], [sflag:$0x2] =	stream.indirect.gather [hbm4b:s4+s25], $0x80, s25, s25, $0xb8;
	[tilespmem:$0x1D000] =	vst v63  }
0xf0: {  	_ =	swait.ge [sflag:s28], $0x4000  }
0xf1: {  	[sflag:s28] =	ssyncset.done $0x0  }
0xf2: {  	[sflag:s28] =	ssyncadd.s32 $0xFFFFC000  }
0xf3: {  	[spmem:s1] =	stream.indirect.scatter.add.f32 [tilespmem:s20], [sflag:$0x5], $0x80, s19, s25, $0xb8;
	[tilespmem:$0x1D000] =	vst v63  }
0xf4: {  	_ =	swait.ge [sflag:s21], $0x4000  }
0xf5: {  	[sflag:s21] =	ssyncset.done $0x0  }
0xf6: {  	s9 =	rddreg [dreg:$0x6];
	[sflag:s21] =	ssyncadd.s32 $0xFFFFC000  }
0xf7: {  	[tilespmem:s20], [sflag:$0x1] =	stream.indirect.gather [hbm4b:s4+s25], $0x80, s9, s25, $0xb8;
	[tilespmem:$0x1D000] =	vst v63  }
0xf8: {  	_ =	swait.ge [sflag:s29], $0x4000  }
0xf9: {  	[sflag:s29] =	ssyncset.done $0x0  }
0xfa: {  	s18 =	rddreg [dreg:$0x7];
	[sflag:s29] =	ssyncadd.s32 $0xFFFFC000  }
0xfb: {  	[spmem:s1] =	stream.indirect.scatter.add.f32 [tilespmem:s26], [sflag:$0x5], $0x80, s18, s25, $0xb8;
	[tilespmem:$0x1D000] =	vst v63  }
0xfc: {  	_ =	swait.ge [sflag:s21], $0x4000  }
0xfd: {  	[sflag:s21] =	ssyncset.done $0x0  }
0xfe: {  	s9 =	rddreg [dreg:$0x8];
	[sflag:s21] =	ssyncadd.s32 $0xFFFFC000  }
0xff: {  	[tilespmem:s26], [sflag:$0x2] =	stream.indirect.gather [hbm4b:s4+s25], $0x80, s9, s25, $0xb8;
	[tilespmem:$0x1D000] =	vst v63  }
0x100: {  	_ =	swait.ge [sflag:s28], $0x4000  }
0x101: {  	[sflag:s28] =	ssyncset.done $0x0  }
0x102: {  	s18 =	rddreg [dreg:$0x9];
	[sflag:s28] =	ssyncadd.s32 $0xFFFFC000  }
0x103: {  	[spmem:s1] =	stream.indirect.scatter.add.f32 [tilespmem:s20], [sflag:$0x5], $0x80, s18, s25, $0xb8;
	[tilespmem:$0x1D000] =	vst v63  }
0x104: {  	_ =	swait.ge [sflag:s21], $0x4000  }
0x105: {  	[sflag:s21] =	ssyncset.done $0x0  }
0x106: {  	s9 =	rddreg [dreg:$0xa];
	[sflag:s21] =	ssyncadd.s32 $0xFFFFC000  }
0x107: {  	[tilespmem:s20], [sflag:$0x1] =	stream.indirect.gather [hbm4b:s4+s25], $0x80, s9, s25, $0xb8;
	[tilespmem:$0x1D000] =	vst v63  }
0x108: {  	_ =	swait.ge [sflag:s29], $0x4000  }
0x109: {  	[sflag:s29] =	ssyncset.done $0x0  }
0x10a: {  	s18 =	rddreg [dreg:$0xb];
	[sflag:s29] =	ssyncadd.s32 $0xFFFFC000  }
0x10b: {  	[spmem:s1] =	stream.indirect.scatter.add.f32 [tilespmem:s26], [sflag:$0x5], $0x80, s18, s25, $0xb8;
	[tilespmem:$0x1D000] =	vst v63  }
0x10c: {  	_ =	swait.ge [sflag:s21], $0x4000  }
0x10d: {  	[sflag:s21] =	ssyncset.done $0x0  }
0x10e: {  	s9 =	rddreg [dreg:$0xc];
	[sflag:s21] =	ssyncadd.s32 $0xFFFFC000  }
0x10f: {  	[tilespmem:s26], [sflag:$0x2] =	stream.indirect.gather [hbm4b:s4+s25], $0x80, s9, s25, $0xb8;
	[tilespmem:$0x1D000] =	vst v63  }
0x110: {  	_ =	swait.ge [sflag:s28], $0x4000  }
0x111: {  	[sflag:s28] =	ssyncset.done $0x0  }
0x112: {  	s18 =	rddreg [dreg:$0xd];
	[sflag:s28] =	ssyncadd.s32 $0xFFFFC000  }
0x113: {  	[spmem:s1] =	stream.indirect.scatter.add.f32 [tilespmem:s20], [sflag:$0x5], $0x80, s18, s25, $0xb8;
	[tilespmem:$0x1D000] =	vst v63  }
0x114: {  	_ =	swait.ge [sflag:s21], $0x4000  }
0x115: {  	[sflag:s21] =	ssyncset.done $0x0  }
0x116: {  	s9 =	rddreg [dreg:$0xe];
	[sflag:s21] =	ssyncadd.s32 $0xFFFFC000  }
0x117: {  	[tilespmem:s20], [sflag:$0x1] =	stream.indirect.gather [hbm4b:s4+s25], $0x80, s9, s25, $0xb8;
	[tilespmem:$0x1D000] =	vst v63  }
0x118: {  	_ =	swait.ge [sflag:s29], $0x4000  }
0x119: {  	[sflag:s29] =	ssyncset.done $0x0  }
0x11a: {  	s18 =	rddreg [dreg:$0xf];
	[sflag:s29] =	ssyncadd.s32 $0xFFFFC000  }
0x11b: {  	[spmem:s1] =	stream.indirect.scatter.add.f32 [tilespmem:s26], [sflag:$0x5], $0x80, s18, s25, $0xb8;
	[tilespmem:$0x1D000] =	vst v63  }
0x11c: {  	_ =	swait.ge [sflag:s21], $0x4000  }
0x11d: {  	[sflag:s21] =	ssyncset.done $0x0  }
0x11e: {  	s9 =	rddreg [dreg:$0x10];
	[sflag:s21] =	ssyncadd.s32 $0xFFFFC000  }
0x11f: {  	[tilespmem:s26], [sflag:$0x2] =	stream.indirect.gather [hbm4b:s4+s25], $0x80, s9, s25, $0xb8;
	[tilespmem:$0x1D000] =	vst v63  }
0x120: {  	_ =	swait.ge [sflag:s28], $0x4000  }
0x121: {  	[sflag:s28] =	ssyncset.done $0x0  }
0x122: {  	s18 =	rddreg [dreg:$0x11];
	[sflag:s28] =	ssyncadd.s32 $0xFFFFC000  }
0x123: {  	[spmem:s1] =	stream.indirect.scatter.add.f32 [tilespmem:s20], [sflag:$0x5], $0x80, s18, s25, $0xb8;
	[tilespmem:$0x1D000] =	vst v63  }
0x124: {  	_ =	swait.ge [sflag:s21], $0x4000  }
0x125: {  	[sflag:s21] =	ssyncset.done $0x0  }
0x126: {  	[sflag:s21] =	ssyncadd.s32 $0xFFFFC000  }
0x127: {  	_ =	swait.ge [sflag:s29], $0x4000  }
0x128: {  	[sflag:s29] =	ssyncset.done $0x0  }
0x129: {  	s9 =	rddreg [dreg:$0x12];
	[sflag:s29] =	ssyncadd.s32 $0xFFFFC000  }
0x12a: {  	[spmem:s1] =	stream.indirect.scatter.add.f32 [tilespmem:s26], [sflag:$0x5], $0x80, s9, s25, $0xb8;
	[tilespmem:$0x1D000] =	vst v63  }
0x12b: {  	_ =	swait.ge [sflag:s21], $0x4000  }
0x12c: {  	[sflag:s21] =	ssyncset.done $0x0  }
0x12d: {  	[sflag:s21] =	ssyncadd.s32 $0xFFFFC000  }
0x12e: {  	_ =	swait.ge [sflag:s30], $0x400  }
0x12f: {  	[sflag:s30] =	ssyncset.done $0x0  }
0x130: {  	[sflag:s30] =	ssyncadd.s32 $0xFFFFFC00  }
0x131: {  	p1 =	seq.s32 s17, $0x400;
	_ =	swait.ge [sflag:s30], $0x400  }
0x132: {  	s18 =	simm.s32 @!p1 $0x0;
	s8 =	rddreg [dreg:$0x5];
	[sflag:s30] =	ssyncset.done $0x0  }
0x133: {  	s9 =	sadd.s32 @!p1 s17, s7;
	[sflag:s30] =	ssyncadd.s32 $0xFFFFFC00;
	s8 =	sadd.s32 @!p1 s17, s8  }
0x134: {  	[tilespmem:s18], [sflag:$0x3] =	stream.linear.gather @!p1 [hbm4b:s8+s18], $0x400, $0x38;
	[tilespmem:$0x1D000] =	vst v63  }
0x135: {  	s9 =	sadd.s32 @!p1 $0x100, s9;
	s17 =	simm.s32 @!p1 $0x400  }
0x136: {  	[tilespmem:s17], [sflag:$0x3] =	stream.linear.gather @!p1 [hbm4b:s9+s18], $0x400, $0x38;
	[tilespmem:$0x1D000] =	vst v63  }
0x137: {  	_ = 	snop  }
0x138: {  	[tilespmem:s20], [sflag:$0x1] =	stream.indirect.gather [hbm4b:s4+s25], $0x80, s23, s25, $0xb8;
	[tilespmem:$0x1D000] =	vst v63  }
0x139: {  	s18 =	rddreg [dreg:$0x13]  }
0x13a: {  	[tilespmem:s26], [sflag:$0x2] =	stream.indirect.gather [hbm4b:s4+s25], $0x80, s18, s25, $0xb8;
	[tilespmem:$0x1D000] =	vst v63  }
0x13b: {  	_ =	swait.ge [sflag:s28], $0x4000  }
0x13c: {  	[sflag:s28] =	ssyncset.done $0x0  }
0x13d: {  	[sflag:s28] =	ssyncadd.s32 $0xFFFFC000  }
0x13e: {  	[spmem:s1] =	stream.indirect.scatter.add.f32 [tilespmem:s20], [sflag:$0x5], $0x80, s24, s25, $0xb8;
	[tilespmem:$0x1D000] =	vst v63  }
0x13f: {  	_ =	swait.ge [sflag:s21], $0x4000  }
0x140: {  	[sflag:s21] =	ssyncset.done $0x0  }
0x141: {  	s9 =	rddreg [dreg:$0x14];
	[sflag:s21] =	ssyncadd.s32 $0xFFFFC000  }
0x142: {  	[tilespmem:s20], [sflag:$0x1] =	stream.indirect.gather [hbm4b:s4+s25], $0x80, s9, s25, $0xb8;
	[tilespmem:$0x1D000] =	vst v63  }
0x143: {  	_ =	swait.ge [sflag:s29], $0x4000  }
0x144: {  	[sflag:s29] =	ssyncset.done $0x0  }
0x145: {  	s17 =	rddreg [dreg:$0x15];
	[sflag:s29] =	ssyncadd.s32 $0xFFFFC000  }
0x146: {  	[spmem:s1] =	stream.indirect.scatter.add.f32 [tilespmem:s26], [sflag:$0x5], $0x80, s17, s25, $0xb8;
	[tilespmem:$0x1D000] =	vst v63  }
0x147: {  	_ =	swait.ge [sflag:s21], $0x4000  }
0x148: {  	[sflag:s21] =	ssyncset.done $0x0  }
0x149: {  	s18 =	rddreg [dreg:$0x16];
	[sflag:s21] =	ssyncadd.s32 $0xFFFFC000  }
0x14a: {  	[tilespmem:s26], [sflag:$0x2] =	stream.indirect.gather [hbm4b:s4+s25], $0x80, s18, s25, $0xb8;
	[tilespmem:$0x1D000] =	vst v63  }
0x14b: {  	_ =	swait.ge [sflag:s28], $0x4000  }
0x14c: {  	[sflag:s28] =	ssyncset.done $0x0  }
0x14d: {  	s9 =	rddreg [dreg:$0x17];
	[sflag:s28] =	ssyncadd.s32 $0xFFFFC000  }
0x14e: {  	[spmem:s1] =	stream.indirect.scatter.add.f32 [tilespmem:s20], [sflag:$0x5], $0x80, s9, s25, $0xb8;
	[tilespmem:$0x1D000] =	vst v63  }
0x14f: {  	_ =	swait.ge [sflag:s21], $0x4000  }
0x150: {  	[sflag:s21] =	ssyncset.done $0x0  }
0x151: {  	s17 =	rddreg [dreg:$0x18];
	[sflag:s21] =	ssyncadd.s32 $0xFFFFC000  }
0x152: {  	[tilespmem:s20], [sflag:$0x1] =	stream.indirect.gather [hbm4b:s4+s25], $0x80, s17, s25, $0xb8;
	[tilespmem:$0x1D000] =	vst v63  }
0x153: {  	_ =	swait.ge [sflag:s29], $0x4000  }
0x154: {  	[sflag:s29] =	ssyncset.done $0x0  }
0x155: {  	s18 =	rddreg [dreg:$0x19];
	[sflag:s29] =	ssyncadd.s32 $0xFFFFC000  }
0x156: {  	[spmem:s1] =	stream.indirect.scatter.add.f32 [tilespmem:s26], [sflag:$0x5], $0x80, s18, s25, $0xb8;
	[tilespmem:$0x1D000] =	vst v63  }
0x157: {  	_ =	swait.ge [sflag:s21], $0x4000  }
0x158: {  	[sflag:s21] =	ssyncset.done $0x0  }
0x159: {  	[sflag:s21] =	ssyncadd.s32 $0xFFFFC000  }
0x15a: {  	[tilespmem:s26], [sflag:$0x2] =	stream.indirect.gather [hbm4b:s4+s25], $0x80, s31, s25, $0xb8;
	[tilespmem:$0x1D000] =	vst v63  }
0x15b: {  	_ =	swait.ge [sflag:s28], $0x4000  }
0x15c: {  	[sflag:s28] =	ssyncset.done $0x0  }
0x15d: {  	[sflag:s28] =	ssyncadd.s32 $0xFFFFC000  }
0x15e: {  	[spmem:s1] =	stream.indirect.scatter.add.f32 [tilespmem:s20], [sflag:$0x5], $0x80, s0, s25, $0xb8;
	[tilespmem:$0x1D000] =	vst v63  }
0x15f: {  	_ =	swait.ge [sflag:s21], $0x4000  }
0x160: {  	[sflag:s21] =	ssyncset.done $0x0  }
0x161: {  	[sflag:s21] =	ssyncadd.s32 $0xFFFFC000  }
0x162: {  	[tilespmem:s20], [sflag:$0x1] =	stream.indirect.gather [hbm4b:s4+s25], $0x80, s2, s25, $0xb8;
	[tilespmem:$0x1D000] =	vst v63  }
0x163: {  	_ =	swait.ge [sflag:s29], $0x4000  }
0x164: {  	[sflag:s29] =	ssyncset.done $0x0  }
0x165: {  	[sflag:s29] =	ssyncadd.s32 $0xFFFFC000  }
0x166: {  	[spmem:s1] =	stream.indirect.scatter.add.f32 [tilespmem:s26], [sflag:$0x5], $0x80, s5, s25, $0xb8;
	[tilespmem:$0x1D000] =	vst v63  }
0x167: {  	_ =	swait.ge [sflag:s21], $0x4000  }
0x168: {  	[sflag:s21] =	ssyncset.done $0x0  }
0x169: {  	[sflag:s21] =	ssyncadd.s32 $0xFFFFC000  }
0x16a: {  	[tilespmem:s26], [sflag:$0x2] =	stream.indirect.gather [hbm4b:s4+s25], $0x80, s6, s25, $0xb8;
	[tilespmem:$0x1D000] =	vst v63  }
0x16b: {  	_ =	swait.ge [sflag:s28], $0x4000  }
0x16c: {  	[sflag:s28] =	ssyncset.done $0x0  }
0x16d: {  	[sflag:s28] =	ssyncadd.s32 $0xFFFFC000  }
0x16e: {  	[spmem:s1] =	stream.indirect.scatter.add.f32 [tilespmem:s20], [sflag:$0x5], $0x80, s13, s25, $0xb8;
	[tilespmem:$0x1D000] =	vst v63  }
0x16f: {  	_ =	swait.ge [sflag:s21], $0x4000  }
0x170: {  	s16 =	sadd.s32 $0x100, s16;
	[sflag:s21] =	ssyncset.done $0x0  }
0x171: {  	p0 =	sne.s32 s16, $0x500;
	[sflag:s21] =	ssyncadd.s32 $0xFFFFC000  }
.Ltmp0:
0x172: {  	_ =	swait.ge [sflag:s29], $0x4000;
	(pc) =	sbr.rel @p0 .LBB2_2-.Ltmp0, $4  }
0x173: {  	[sflag:s29] =	ssyncset.done $0x0  }
0x174: {  	[sflag:s29] =	ssyncadd.s32 $0xFFFFC000  }
0x175: {  	[spmem:s1] =	stream.indirect.scatter.add.f32 [tilespmem:s26], [sflag:$0x5], $0x80, s14, s25, $0xb8;
	[tilespmem:$0x1D000] =	vst v63  }
0x176: {  	_ =	swait.ge [sflag:s21], $0x4000  }
0x177: {  	[sflag:s21] =	ssyncset.done $0x0  }
0x178: {  	[sflag:s21] =	ssyncadd.s32 $0xFFFFC000  }
0x179: {  	[bflag:$0x0] =	sbarrier.arrive $0xFFFF  }
0x17a: {  	[tilespmem:s20], [sflag:$0x5] =	stream.linear.gather [spmem:s10], $0x4000, $0x38;
	[tilespmem:$0x1D000] =	vst v63  }
0x17b: {  	_ =	swait.ge [sflag:s21], $0x4000  }
0x17c: {  	[sflag:s21] =	ssyncset.done $0x0  }
0x17d: {  	s8 =	rddreg [dreg:$0x1f];
	[sflag:s21] =	ssyncadd.s32 $0xFFFFC000  }
0x17e: {  	[hbm4b:s8+s3] =	stream.linear.scatter [tilespmem:s20], [sflag:$0x5], $0x4000, $0x38;
	[tilespmem:$0x1D000] =	vst v63  }
0x17f: {  	_ =	swait.ge [sflag:s21], $0x4000  }
0x180: {  	[sflag:s21] =	ssyncset.done $0x0  }
0x181: {  	[sflag:s21] =	ssyncadd.s32 $0xFFFFC000  }
0x182: {  	[tilespmem:s20], [sflag:$0x5] =	stream.linear.gather [spmem:s11], $0x4000, $0x38;
	[tilespmem:$0x1D000] =	vst v63  }
0x183: {  	_ =	swait.ge [sflag:s21], $0x4000  }
0x184: {  	s9 =	smov.u32 s10;
	s10 =	sld [smem:$0x7FA]  }
0x185: {  	[sflag:s21] =	ssyncset.done $0x0  }
0x186: {  	[sflag:s21] =	ssyncadd.s32 $0xFFFFC000  }
0x187: {  	[hbm4b:s10+s3] =	stream.linear.scatter [tilespmem:s20], [sflag:$0x5], $0x4000, $0x38;
	[tilespmem:$0x1D000] =	vst v63  }
0x188: {  	_ =	swait.ge [sflag:s21], $0x4000  }
0x189: {  	[sflag:s21] =	ssyncset.done $0x0  }
0x18a: {  	[sflag:s21] =	ssyncadd.s32 $0xFFFFC000  }
0x18b: {  	[tilespmem:s20], [sflag:$0x5] =	stream.linear.gather [spmem:s12], $0x4000, $0x38;
	[tilespmem:$0x1D000] =	vst v63  }
0x18c: {  	_ =	swait.ge [sflag:s21], $0x4000  }
0x18d: {  	s16 =	smov.u32 s11;
	s11 =	sld [smem:$0x7FB]  }
0x18e: {  	[sflag:s21] =	ssyncset.done $0x0  }
0x18f: {  	[sflag:s21] =	ssyncadd.s32 $0xFFFFC000  }
0x190: {  	[hbm4b:s11+s3] =	stream.linear.scatter [tilespmem:s20], [sflag:$0x5], $0x4000, $0x38;
	[tilespmem:$0x1D000] =	vst v63  }
0x191: {  	_ =	swait.ge [sflag:s21], $0x4000  }
0x192: {  	[sflag:s21] =	ssyncset.done $0x0  }
0x193: {  	s18 =	rddreg [dreg:$0x1c];
	[sflag:s21] =	ssyncadd.s32 $0xFFFFC000  }
0x194: {  	[tilespmem:s20], [sflag:$0x5] =	stream.linear.gather [spmem:s18], $0x4000, $0x38;
	[tilespmem:$0x1D000] =	vst v63  }
0x195: {  	_ =	swait.ge [sflag:s21], $0x4000  }
0x196: {  	s17 =	smov.u32 s12;
	s12 =	sld [smem:$0x7FC]  }
0x197: {  	[sflag:s21] =	ssyncset.done $0x0  }
0x198: {  	[sflag:s21] =	ssyncadd.s32 $0xFFFFC000  }
0x199: {  	[hbm4b:s12+s3] =	stream.linear.scatter [tilespmem:s20], [sflag:$0x5], $0x4000, $0x38;
	[tilespmem:$0x1D000] =	vst v63  }
0x19a: {  	_ =	swait.ge [sflag:s21], $0x4000  }
0x19b: {  	[sflag:s21] =	ssyncset.done $0x0  }
0x19c: {  	s12 =	rddreg [dreg:$0x1d];
	[sflag:s21] =	ssyncadd.s32 $0xFFFFC000  }
0x19d: {  	[tilespmem:s20], [sflag:$0x5] =	stream.linear.gather [spmem:s12], $0x4000, $0x38;
	[tilespmem:$0x1D000] =	vst v63  }
0x19e: {  	_ =	swait.ge [sflag:s21], $0x4000  }
0x19f: {  	s10 =	sld [smem:$0x7FD]  }
0x1a0: {  	[sflag:s21] =	ssyncset.done $0x0  }
0x1a1: {  	[sflag:s21] =	ssyncadd.s32 $0xFFFFC000  }
0x1a2: {  	[hbm4b:s10+s3] =	stream.linear.scatter [tilespmem:s20], [sflag:$0x5], $0x4000, $0x38;
	[tilespmem:$0x1D000] =	vst v63  }
0x1a3: {  	_ =	swait.ge [sflag:s21], $0x4000  }
0x1a4: {  	s15 =	sadd.s32 $0x1, s15;
	s11 =	rddreg [dreg:$0x1e]  }
0x1a5: {  	p0 =	sne.s32 s15, s11  }
.Ltmp1:
0x1a6: {  	_ = 	snop;
	(pc) =	sbr.rel @p0 .LBB2_1-.Ltmp1, $3  }
0x1a7: {  	_ =	sdelay $0x1  }
0x1a8: {  	[sflag:s21] =	ssyncset.done $0x0  }
0x1a9: {  	[sflag:s21] =	ssyncadd.s32 $0xFFFFC000  }
0x1aa: {  	_ =	sfence.sel $0x180000  }
0x1ab: {  	[bflag:$0x0] =	sbarrier.arrive $0xFFFF  }
0x1ac: {  	_ =	strace $0x9000004A  }
0x1ad: {  	s0 =	stileid.u32;
	[bflag:$0x2] =	sbarrier.arrive $0xFFFF  }
0x1ae: {  	p0 =	sne.s32 s0, $0x0;
	s0 =	rddreg [dreg:$0x3]  }
0x1af: {  	s0 =	sadd.s32 @!p0 $0x100000, s0  }
0x1b0: {  	[sflag:s0] =	ssyncadd.tile.s32 @!p0 $0x1;
	_ =	shalt  }
.Lfunc_end2:
_tile_overlayer_lowered:
.L_overlay_start_2:
0x1b1: {  	(tag) =	ssettag $0x2  }
0x1b2: {  	s0 =	rddreg [dreg:$0x0];
	s2 =	stileid.u32  }
0x1b3: {  	s1 =	rddreg [dreg:$0x1];
	p0 =	sne.s32 s2, $0x0  }
0x1b4: {  	s3 =	rddreg [dreg:$0x2];
	[bflag:$0x3] =	sbarrier.arrive $0xFFFF;
	s2 =	simm.s32 @!p0 $0x1C05  }
0x1b5: {  	[timem:s3], [sflag:s2] =	dma.local @!p0 [hbm:s0], s1  }
0x1b6: {  	s0 =	simm.s32 @!p0 $0x5  }
0x1b7: {  	_ =	swait.ge @!p0 [sflag:s0], s1  }
0x1b8: {  	s1 =	ssub.s32 @!p0 $0x0, s1;
	[sflag:s0] =	ssyncset.done @!p0 $0x0  }
0x1b9: {  	[sflag:s0] =	ssyncadd.s32 @!p0 s1  }
0x1ba: {  	[bflag:$0x3] =	sbarrier.arrive $0xFFFF  }
0x1bb: {  	_ =	shalt  }

// kernel: kernel.8.cloned.1.call-start
scs
__scs_entry_jumppad:
0x0: {  	(pc) =	sbr.rel $0x88, $3  }
0x1: {  	(tag) =	ssettag $0x0;
	lr =	simm.s32 $0x1  }
0x2: {  	[smem:$0x3F99] =	sst lr;
	_ =	strace $0xD0000000  }
0x3: {  	_ = 	snop  }
0x4: {  	_ = 	snop  }
0x5: {  	_ = 	snop  }
0x6: {  	_ = 	snop  }
0x7: {  	_ = 	snop  }
__scs_overlays_trampoline_lowered:
0x8: {  	[smem:$0x3FA8] =	sst s0  }
0x9: {  	[smem:$0x3FA9] =	sst s1  }
0xa: {  	[smem:$0x3FAA] =	sst s2  }
0xb: {  	[smem:$0x3FAB] =	sst s3  }
0xc: {  	[smem:$0x3FAC] =	sst s4  }
0xd: {  	[smem:$0x3FAD] =	sst s5  }
0xe: {  	[smem:$0x3FAE] =	sst s6  }
0xf: {  	[smem:$0x3FAF] =	sst s7  }
0x10: {  	[smem:$0x3FB0] =	sst s8  }
0x11: {  	[smem:$0x3FB1] =	sst s9;
	s0 =	simm.s32 @!p0 $0x0  }
0x12: {  	s1 =	sld [smem:$0x3F97];
	s0 =	simm.s32 @p0 $0x1  }
0x13: {  	[smem:$0x3FB2] =	sst s0;
	s0 =	simm.s32 @!p1 $0x0  }
0x14: {  	s2 =	sld [smem:$0x3F96];
	s0 =	simm.s32 @p1 $0x1  }
0x15: {  	[smem:$0x3FB3] =	sst s0;
	s0 =	simm.s32 @!p2 $0x0  }
0x16: {  	s3 =	sld [smem:$0x3FDB];
	s0 =	simm.s32 @p2 $0x1  }
0x17: {  	s4 =	simm.s32 $0x1BF5;
	[smem:$0x3FB5] =	sst s0  }
0x18: {  	s0 =	sld [smem:$0x3F98];
	_ =	swait.ge [sflag:s4], $0x0  }
0x19: {  	s7 =	sld [smem:$0x3F99]  }
0x1a: {  	s8 =	sadd.s32 $0xFFFFE003, lr  }
0x1b: {  	s9 =	sadd.s32 $0xFFFFFEF7, lr;
	s5 =	simm.s32 $0xFFFFFFFF;
	p2 =	slt.u32 s8, $0xFFFFF086  }
0x1c: {  	p1 =	slt.u32 s9, $0xF7A;
	s5 =	simm.s32 @!p2 $0x0  }
0x1d: {  	s5 =	simm.s32 @p1 $0x1;
	p0 =	seq.s32 s7, s2  }
0x1e: {  	s7 =	smul.u32 @!p0 $0xF7A, s2;
	p2 =	seq.s32 @!p0 s5, $0x0  }
0x1f: {  	s9 =	smul.u32 $0xF7A, s1;
	s8 =	simm.s32 @!p0 $0x1BF5;
	p2 =	por !p2, p0  }
0x20: {  	[sflag:s8] =	ssyncset.s32 @!p0 $0xFFFFF086;
	s6 =	sadd.s32 @!p0 s3, s7;
	s7 =	simm.s32 @!p0 $0x108  }
0x21: {  	s3 =	sadd.s32 s3, s9;
	s6 =	sadd.s32 @!p0 $0x88, s6;
	s7 =	simm.s32 @p2 $0x1082  }
0x22: {  	[simem:s7], [sflag:s8] =	dma.local @!p0 [hbm:s6], $0xF7A  }
0x23: {  	s9 =	sor.u32 $0xD0000000, s2;
	s6 =	simm.s32 $0x108;
	_ =	swait.ge @!p0 [sflag:s8], $0x0  }
0x24: {  	s3 =	sadd.s32 $0x88, s3;
	s6 =	simm.s32 @!p1 $0x1082;
	[sflag:s4] =	ssyncset.s32 $0xFFFFF086  }
0x25: {  	[simem:s6], [sflag:s4] =	dma.local [hbm:s3], $0xF7A  }
0x26: {  	[smem:$0x3F99] =	sst s1;
	(tag) =	ssettag s2;
	_ =	strace s9  }
0x27: {  	s1 =	sld [smem:$0x3FA9]  }
0x28: {  	s2 =	sld [smem:$0x3FAA]  }
0x29: {  	s4 =	sld [smem:$0x3FAC]  }
0x2a: {  	p0 =	seq.s32 s5, $0x0;
	s5 =	sld [smem:$0x3FAD]  }
0x2b: {  	s6 =	sld [smem:$0x3FAE]  }
0x2c: {  	s7 =	sld [smem:$0x3FAF]  }
0x2d: {  	s3 =	simm.s32 $0x108;
	s8 =	sld [smem:$0x3FB0]  }
0x2e: {  	s3 =	simm.s32 @!p0 $0x1082;
	s9 =	sld [smem:$0x3FB1]  }
0x2f: {  	lr =	sadd.s32 s0, s3;
	s0 =	sld [smem:$0x3FA8]  }
0x30: {  	s3 =	sld [smem:$0x3FAB]  }
0x31: {  	[smem:$0x3FB4] =	sst s10  }
0x32: {  	s10 =	sld [smem:$0x3FB2];
	_ =	sdelay $0x3  }
0x33: {  	p0 =	seq.s32 s10, $0x1;
	s10 =	sld [smem:$0x3FB4];
	_ =	sdelay $0x3  }
0x34: {  	[smem:$0x3FB4] =	sst s10  }
0x35: {  	s10 =	sld [smem:$0x3FB3];
	_ =	sdelay $0x3  }
0x36: {  	p1 =	seq.s32 s10, $0x1;
	s10 =	sld [smem:$0x3FB4];
	_ =	sdelay $0x3  }
0x37: {  	[smem:$0x3FB4] =	sst s10  }
0x38: {  	s10 =	sld [smem:$0x3FB5]  }
0x39: {  	_ = 	snop;
	(pc) =	sbr.ind lr, $3  }
0x3a: {  	_ = 	snop  }
0x3b: {  	_ = 	snop  }
0x3c: {  	p2 =	seq.s32 s10, $0x1;
	s10 =	sld [smem:$0x3FB4]  }
0x3d: {  	_ =	shalt  }
0x3e: {  	_ =	shalt  }
0x3f: {  	_ =	shalt  }
0x40: {  	_ =	shalt  }
0x41: {  	_ =	shalt  }
0x42: {  	_ =	shalt  }
0x43: {  	_ =	shalt  }
0x44: {  	_ =	shalt  }
0x45: {  	_ =	shalt  }
0x46: {  	_ =	shalt  }
0x47: {  	_ =	shalt  }
0x48: {  	_ =	shalt  }
0x49: {  	_ =	shalt  }
0x4a: {  	_ =	shalt  }
0x4b: {  	_ =	shalt  }
0x4c: {  	_ =	shalt  }
0x4d: {  	_ =	shalt  }
0x4e: {  	_ =	shalt  }
0x4f: {  	_ =	shalt  }
0x50: {  	_ =	shalt  }
0x51: {  	_ =	shalt  }
0x52: {  	_ =	shalt  }
0x53: {  	_ =	shalt  }
0x54: {  	_ =	shalt  }
0x55: {  	_ =	shalt  }
0x56: {  	_ =	shalt  }
0x57: {  	_ =	shalt  }
0x58: {  	_ =	shalt  }
0x59: {  	_ =	shalt  }
0x5a: {  	_ =	shalt  }
0x5b: {  	_ =	shalt  }
0x5c: {  	_ =	shalt  }
0x5d: {  	_ =	shalt  }
0x5e: {  	_ =	shalt  }
0x5f: {  	_ =	shalt  }
0x60: {  	_ =	shalt  }
0x61: {  	_ =	shalt  }
0x62: {  	_ =	shalt  }
0x63: {  	_ =	shalt  }
0x64: {  	_ =	shalt  }
0x65: {  	_ =	shalt  }
0x66: {  	_ =	shalt  }
0x67: {  	_ =	shalt  }
0x68: {  	_ =	shalt  }
0x69: {  	_ =	shalt  }
0x6a: {  	_ =	shalt  }
0x6b: {  	_ =	shalt  }
0x6c: {  	_ =	shalt  }
0x6d: {  	_ =	shalt  }
0x6e: {  	_ =	shalt  }
0x6f: {  	_ =	shalt  }
0x70: {  	_ =	shalt  }
0x71: {  	_ =	shalt  }
0x72: {  	_ =	shalt  }
0x73: {  	_ =	shalt  }
0x74: {  	_ =	shalt  }
0x75: {  	_ =	shalt  }
0x76: {  	_ =	shalt  }
0x77: {  	_ =	shalt  }
0x78: {  	_ =	shalt  }
0x79: {  	_ =	shalt  }
0x7a: {  	_ =	shalt  }
0x7b: {  	_ =	shalt  }
0x7c: {  	_ =	shalt  }
0x7d: {  	_ =	shalt  }
0x7e: {  	_ =	shalt  }
0x7f: {  	_ =	shalt  }
0x80: {  	_ =	shalt  }
0x81: {  	_ =	shalt  }
0x82: {  	_ =	shalt  }
0x83: {  	_ =	shalt  }
0x84: {  	_ =	shalt  }
0x85: {  	_ =	shalt  }
0x86: {  	_ =	shalt  }
0x87: {  	_ =	shalt  }
.Lfunc_end0:
.L_simem_size_0:
called_computation_lowered:
.L_overlay_start_0:
0x88: {  	s2 =	sld [smem:$0x3FD9]  }
0x89: {  	s3 =	sld [smem:$0x3FFE];
	_ =	sdelay $0x1  }
0x8a: {  	s1 =	srdreg.scid  }
0x8b: {  	s0 =	sand.u32 $0x1, s1  }
0x8c: {  	s17 =	sshll.u32 s0, $0xA;
	s2 =	sadd.s32 s3, s2  }
0x8d: {  	s2 =	sadd.s32 s2, s17  }
0x8e: {  	[smem:$0x3FC0] =	sst s2  }
0x8f: {  	_ = 	snop  }
0x90: {  	s2 =	sld [smem:$0x3FD0];
	(tm) =	ssettm $0x1  }
0x91: {  	s18 =	sld [smem:$0x3FFB];
	_ =	sdelay $0x3  }
0x92: {  	_ =	strace s18  }
0x93: {  	s3 =	sld [smem:$0x3FFC];
	_ =	sdelay $0x3  }
0x94: {  	_ =	strace s3  }
0x95: {  	s3 =	sld [smem:$0x3FFD];
	_ =	sdelay $0x3  }
0x96: {  	_ =	strace s3  }
0x97: {  	_ =	strace $0x8FFFFFFF  }
0x98: {  	s19 =	sld [smem:$0x3FDB];
	_ =	sdelay $0x1  }
0x99: {  	s4 =	simm.s32 $_scs_section_size  }
0x9a: {  	s5 =	simm.s32 $_size__tile_overlayer_lowered;
	s6 =	simm.s32 $_tile_overlayer_lowered  }
0x9b: {  	s22 =	simm.s32 $0x1BFF;
	s21 =	sshll.u32 s6, $0x1;
	s3 =	sadd.s32 s4, s19  }
0x9c: {  	s7 =	simm.s32 $0x0;
	s20 =	sshll.u32 s5, $0x1;
	s5 =	sadd.s32 s21, s3  }
0x9d: {  	[timem:s7], [sflag:s22] =	dma.local [hbm:s5], s20  }
0x9e: {  	_ =	swait.ge [sflag:s22], s20  }
0x9f: {  	s4 =	ssub.s32 $0x0, s20;
	[sflag:s22] =	ssyncset.done $0x0  }
0xa0: {  	[sflag:s22] =	ssyncadd.s32 s4;
	_ =	sdelay $0x1  }
0xa1: {  	s23 =	simm.s32 $0x1B8B  }
0xa2: {  	_ =	swait.ge [sflag:s23], $0x1  }
0xa3: {  	[sflag:s23] =	ssyncset.done $0x0  }
0xa4: {  	s25 =	simm.s32 $0x1B8E;
	s24 =	sld [smem:$0x3FFE];
	[sflag:s23] =	ssyncadd.s32 $0xFFFFFFFF  }
0xa5: {  	s26 =	simm.s32 $execute0_lowered;
	[smem:$0x3FD2] =	sst s25  }
0xa6: {  	s5 =	sshll.u32 s26, $0x1;
	_ =	strace $0x80000046;
	[dreg:$0x1] =	wrdreg $0xFFFFFFFF  }
0xa7: {  	s28 =	simm.s32 $_size_execute0_lowered;
	s3 =	sadd.s32 s3, s5;
	[dreg:$0x0] =	wrdreg $0x0  }
0xa8: {  	s5 =	sshll.u32 s28, $0x1;
	[dreg:$0x2] =	wrdreg s3  }
0xa9: {  	[dreg:$0x3] =	wrdreg s5  }
0xaa: {  	[dreg:$0x4] =	wrdreg $0xC0  }
0xab: {  	_ =	task [dreg:s7], $0x5FFFF  }
0xac: {  	[dreg:$0x1] =	wrdreg $0xFFFFFFFF  }
0xad: {  	[dreg:$0x0] =	wrdreg $0x60  }
0xae: {  	[dreg:$0x2] =	wrdreg s2  }
0xaf: {  	[dreg:$0x3] =	wrdreg s24  }
0xb0: {  	[dreg:$0x4] =	wrdreg $0x90000  }
0xb1: {  	[dreg:$0x5] =	wrdreg $0x9  }
0xb2: {  	_ =	task.clear_ibuf [dreg:s7], $0x6FFFF;
	_ =	strace $0x90000046  }
0xb3: {  	s29 =	simm.s32 $0x9;
	_ =	strace $0x80000048  }
0xb4: {  	_ =	swait.ge [sflag:s29], $0x1  }
0xb5: {  	[sflag:s29] =	ssyncadd.s32 $0xFFFFFFFF  }
0xb6: {  	_ =	strace $0x90000048  }
0xb7: {  	_ =	sfence  }
0xb8: {  	s30 =	sld [smem:$0x0];
	_ =	sdelay $0x2  }
0xb9: {  	s31 =	sshll.u32 s1, $0xD;
	s1 =	sshrl.u32 s1, $0x2  }
0xba: {  	s3 =	sand.u32 $0x4000, s31;
	s1 =	sadd.s32 s1, s30  }
0xbb: {  	s0 =	sor.u32 s3, s0;
	s1 =	sshll.u32 s1, $0x11  }
0xbc: {  	s0 =	sor.u32 s1, s0  }
0xbd: {  	s0 =	sadd.s32 $0x8F2B, s0  }
0xbe: {  	[sflag:s0] =	ssyncadd.remote.s32 $0x1  }
0xbf: {  	_ =	sfence.sel $0xFFFF  }
0xc0: {  	[dreg:$0x0] =	wrdreg $0xFFFFFFFF;
	(pc) =	sbr.abs _section_cstart, $3  }
0xc1: {  	[dreg:$0x1] =	wrdreg $0xFFFFFFFF  }
0xc2: {  	_ =	task.clear_ibuf [dreg:s7], $0x2FFFF;
	_ =	strace $0x9FFFFFFF  }
0xc3: {  	(tm) =	ssettm $0x7FFFFFFF  }
tec
execute0_lowered:
.L_overlay_start_1:
0x0: {  	(tag) =	ssettag $0x1  }
0x1: {  	s1 =	rddreg [dreg:$0x0]  }
0x2: {  	s0 =	rddreg [dreg:$0x1]  }
0x3: {  	s2 =	rddreg [dreg:$0x2];
	s3 =	srdreg.scid  }
0x4: {  	s4 =	simm.s32 $0x0;
	s18 =	stileid.u32;
	s26 =	simm.s32 $0x100  }
0x5: {  	s28 =	simm.s32 $0x1;
	s29 =	simm.s32 $0x2;
	s6 =	smul.u32 $0x500, s18  }
0x6: {  	s30 =	simm.s32 $0x4;
	s31 =	simm.s32 $0xA80;
	s9 =	smul.u32 $0x50000, s18  }
0x7: {  	s3 =	sand.u32 $0x1, s3;
	[smem:$0x7FF] =	sst s4;
	s12 =	smul.u32 $0x280, s18  }
0x8: {  	s11 =	sadd.s32 $0x1C00, s0;
	s10 =	sadd.s32 $0x10C00, s0;
	s16 =	smul.u32 $0xA, s18  }
0x9: {  	s5 =	sshll.u32 s3, $0x4;
	_ =	strace $0x80000047;
	s7 =	ssub.s32 $0x2, s3  }
0xa: {  	[dreg:$0x1a] =	wrdreg s10;
	s19 =	smul.u32 $0xA0, s3;
	p0 =	seq.s32 s3, $0x0  }
0xb: {  	[dreg:$0x6] =	wrdreg s26;
	s26 =	simm.s32 $0x680;
	s10 =	simm.s32 $0x380  }
0xc: {  	s3 =	simm.s32 $0xB00;
	s5 =	sor.u32 s18, s5;
	s6 =	sadd.s32 s6, s0  }
0xd: {  	s8 =	sshrl.u32 s7, $0x1;
	s17 =	sshrl.u32 s9, $0x2;
	s14 =	sadd.s32 $0x80, s12  }
0xe: {  	s15 =	sadd.s32 $0x100, s12;
	s23 =	sadd.s32 $0x180, s12;
	[dreg:$0xf] =	wrdreg s26  }
0xf: {  	[dreg:$0x10] =	wrdreg s10;
	s26 =	simm.s32 $0xD80;
	s5 =	smul.u32 $0x500, s5  }
0x10: {  	s13 =	ssub.s32 s7, s8;
	s7 =	sadd.s32 $0xBC00, s6;
	s9 =	sadd.s32 s17, s2  }
0x11: {  	s20 =	sshll.u32 s14, $0x7;
	s21 =	sshll.u32 s15, $0x7;
	s17 =	sadd.s32 $0x200, s12  }
0x12: {  	s14 =	sshll.u32 s14, $0x4;
	s15 =	sshll.u32 s15, $0x4;
	s6 =	sshll.u32 s23, $0x4  }
0x13: {  	[dreg:$0x19] =	wrdreg s26;
	s8 =	sadd.s32 s20, s2;
	s20 =	simm.s32 $0x200  }
0x14: {  	s22 =	sadd.s32 s21, s2;
	s21 =	simm.s32 $0x580;
	[dreg:$0xa] =	wrdreg s20  }
0x15: {  	s26 =	simm.s32 $0x5000;
	s5 =	sadd.s32 s11, s5;
	[dreg:$0xb] =	wrdreg s21  }
0x16: {  	s12 =	sshll.u32 s17, $0x7;
	s20 =	simm.s32 $0x880;
	[dreg:$0x1b] =	wrdreg s5  }
0x17: {  	s12 =	sadd.s32 s12, s2;
	s21 =	simm.s32 $0x900;
	[dreg:$0x13] =	wrdreg s20  }
0x18: {  	s5 =	sadd.s32 s16, s19;
	s16 =	sshll.u32 s23, $0x7;
	[dreg:$0x14] =	wrdreg s21  }
0x19: {  	s19 =	simm.s32 $0x500;
	s23 =	simm.s32 $0x280;
	[dreg:$0x1d] =	wrdreg s12  }
0x1a: {  	s20 =	simm.s32 $0x1000;
	s5 =	sshll.u32 s5, $0x7;
	[dreg:$0x9] =	wrdreg s19  }
0x1b: {  	s24 =	sadd.s32 s16, s2;
	s16 =	simm.s32 $0x180;
	[dreg:$0xc] =	wrdreg s23  }
0x1c: {  	s23 =	simm.s32 $0x980;
	s5 =	sadd.s32 s5, s11;
	[dreg:$0x8] =	wrdreg s16  }
0x1d: {  	s11 =	simm.s32 $0x480;
	s16 =	sshll.u32 s17, $0x4;
	[dreg:$0x16] =	wrdreg s23  }
0x1e: {  	s17 =	smov.u32 s22;
	s22 =	smax.u32 s13, $0x1;
	[dreg:$0x7] =	wrdreg s11  }
0x1f: {  	s21 =	simm.s32 $0x5;
	s25 =	sadd.s32 $0x80, s5;
	[dreg:$0x1e] =	wrdreg s22  }
0x20: {  	s13 =	simm.s32 $0x11400;
	s5 =	sadd.s32 $0x100, s5;
	[dreg:$0x4] =	wrdreg s25  }
0x21: {  	s22 =	simm.s32 $0xC80;
	[dreg:$0x5] =	wrdreg s5;
	s5 =	smul.u32 $0x2800, s18  }
0x22: {  	s18 =	smov.u32 s24;
	s24 =	simm.s32 $0x600;
	[dreg:$0x15] =	wrdreg s22  }
0x23: {  	s13 =	simm.s32 @!p0 $0x39400;
	s25 =	simm.s32 $0x300;
	[dreg:$0xd] =	wrdreg s24  }
0x24: {  	s0 =	sadd.s32 s13, s0;
	s13 =	simm.s32 $0x700;
	[dreg:$0xe] =	wrdreg s25  }
0x25: {  	s23 =	simm.s32 $0x800;
	s22 =	simm.s32 $0x3;
	[dreg:$0x11] =	wrdreg s13  }
0x26: {  	s11 =	sadd.s32 s0, s14;
	s14 =	sadd.s32 s0, s15;
	[dreg:$0x1c] =	wrdreg s18  }
0x27: {  	s15 =	simm.s32 $0x780;
	s19 =	sadd.s32 s0, s6;
	[smem:$0x7FA] =	sst s11  }
0x28: {  	s24 =	simm.s32 $0xD00;
	s25 =	simm.s32 $0xA00;
	[smem:$0x7FB] =	sst s14  }
0x29: {  	s6 =	simm.s32 $0xB80;
	s13 =	simm.s32 $0xF00;
	[smem:$0x7FC] =	sst s19  }
0x2a: {  	s5 =	sadd.s32 s0, s5;
	[dreg:$0x12] =	wrdreg s15;
	s0 =	sadd.s32 s0, s16  }
0x2b: {  	s16 =	smov.u32 s8;
	s19 =	simm.s32 $0x400;
	[dreg:$0x17] =	wrdreg s24  }
0x2c: {  	[dreg:$0x18] =	wrdreg s25;
	s24 =	simm.s32 $0xC00;
	s25 =	simm.s32 $0x80  }
0x2d: {  	s14 =	simm.s32 $0xF80;
	s15 =	simm.s32 $0x0;
	[dreg:$0x1f] =	wrdreg s5  }
0x2e: {  	[smem:$0x7FD] =	sst s0;
	s0 =	simm.s32 $0xE00;
	s5 =	simm.s32 $0xE80  }
.LBB2_1:
0x2f: {  	s8 =	rddreg [dreg:$0x1b]  }
0x30: {  	[tilespmem:s4], [sflag:$0x3] =	stream.linear.gather [hbm4b:s8+s4], $0x400, $0x38;
	[tilespmem:$0x1D000] =	vst v63  }
0x31: {  	_ = 	snop  }
0x32: {  	[tilespmem:s19], [sflag:$0x3] =	stream.linear.gather [hbm4b:s7+s4], $0x400, $0x38;
	[tilespmem:$0x1D000] =	vst v63  }
0x33: {  	s11 =	rddreg [dreg:$0x1a]  }
0x34: {  	[tilespmem:s20], [sflag:$0x5] =	stream.linear.gather [hbm4b:s11+s4], $0x4000, $0x38;
	[tilespmem:$0x1D000] =	vst v63  }
0x35: {  	_ =	swait.ge [sflag:s21], $0x4000  }
0x36: {  	[sflag:s21] =	ssyncset.done $0x0  }
0x37: {  	[sflag:s21] =	ssyncadd.s32 $0xFFFFC000  }
0x38: {  	[spmem:s9] =	stream.linear.scatter [tilespmem:s20], [sflag:$0x5], $0x4000, $0x38;
	[tilespmem:$0x1D000] =	vst v63  }
0x39: {  	_ =	swait.ge [sflag:s21], $0x4000  }
0x3a: {  	[sflag:s21] =	ssyncset.done $0x0  }
0x3b: {  	[sflag:s21] =	ssyncadd.s32 $0xFFFFC000  }
0x3c: {  	[spmem:s16] =	stream.linear.scatter [tilespmem:s20], [sflag:$0x5], $0x4000, $0x38;
	[tilespmem:$0x1D000] =	vst v63  }
0x3d: {  	_ =	swait.ge [sflag:s21], $0x4000  }
0x3e: {  	[sflag:s21] =	ssyncset.done $0x0  }
0x3f: {  	[sflag:s21] =	ssyncadd.s32 $0xFFFFC000  }
0x40: {  	[spmem:s17] =	stream.linear.scatter [tilespmem:s20], [sflag:$0x5], $0x4000, $0x38;
	[tilespmem:$0x1D000] =	vst v63  }
0x41: {  	_ =	swait.ge [sflag:s21], $0x4000  }
0x42: {  	[sflag:s21] =	ssyncset.done $0x0  }
0x43: {  	[sflag:s21] =	ssyncadd.s32 $0xFFFFC000  }
0x44: {  	[spmem:s18] =	stream.linear.scatter [tilespmem:s20], [sflag:$0x5], $0x4000, $0x38;
	[tilespmem:$0x1D000] =	vst v63  }
0x45: {  	_ =	swait.ge [sflag:s21], $0x4000  }
0x46: {  	[sflag:s21] =	ssyncset.done $0x0  }
0x47: {  	s11 =	smov.u32 s16;
	s16 =	smov.u32 s12;
	[sflag:s21] =	ssyncadd.s32 $0xFFFFC000  }
0x48: {  	[spmem:s16] =	stream.linear.scatter [tilespmem:s20], [sflag:$0x5], $0x4000, $0x38;
	[tilespmem:$0x1D000] =	vst v63  }
0x49: {  	_ =	swait.ge [sflag:s21], $0x4000  }
0x4a: {  	[sflag:s21] =	ssyncset.done $0x0  }
0x4b: {  	[sflag:s21] =	ssyncadd.s32 $0xFFFFC000  }
0x4c: {  	[bflag:$0x0] =	sbarrier.arrive $0xFFFF  }
0x4d: {  	_ =	swait.ge [sflag:s22], $0x400  }
0x4e: {  	[sflag:s22] =	ssyncset.done $0x0  }
0x4f: {  	[sflag:s22] =	ssyncadd.s32 $0xFFFFFC00  }
0x50: {  	_ =	swait.ge [sflag:s22], $0x400  }
0x51: {  	s10 =	smov.u32 s9;
	s8 =	rddreg [dreg:$0x4];
	[sflag:s22] =	ssyncset.done $0x0  }
0x52: {  	s9 =	sadd.s32 $0x0, s7;
	[sflag:s22] =	ssyncadd.s32 $0xFFFFFC00;
	s16 =	sadd.s32 $0x0, s8  }
0x53: {  	[tilespmem:s23], [sflag:$0x4] =	stream.linear.gather [hbm4b:s16+s4], $0x400, $0x38;
	[tilespmem:$0x1D000] =	vst v63  }
0x54: {  	s18 =	sadd.s32 $0x80, s9  }
0x55: {  	[tilespmem:s24], [sflag:$0x4] =	stream.linear.gather [hbm4b:s18+s4], $0x400, $0x38;
	[tilespmem:$0x1D000] =	vst v63  }
0x56: {  	_ = 	snop  }
0x57: {  	[tilespmem:s20], [sflag:$0x1] =	stream.indirect.gather [hbm4b:s1+s25], $0x80, s4, s25, $0xb8;
	[tilespmem:$0x1D000] =	vst v63  }
0x58: {  	_ = 	snop  }
0x59: {  	[tilespmem:s26], [sflag:$0x2] =	stream.indirect.gather [hbm4b:s1+s25], $0x80, s25, s25, $0xb8;
	[tilespmem:$0x1D000] =	vst v63  }
0x5a: {  	_ =	swait.ge [sflag:s28], $0x4000  }
0x5b: {  	[sflag:s28] =	ssyncset.done $0x0  }
0x5c: {  	[sflag:s28] =	ssyncadd.s32 $0xFFFFC000  }
0x5d: {  	[spmem:s2] =	stream.indirect.scatter.add.f32 [tilespmem:s20], [sflag:$0x5], $0x80, s19, s25, $0xb8;
	[tilespmem:$0x1D000] =	vst v63  }
0x5e: {  	_ =	swait.ge [sflag:s21], $0x4000  }
0x5f: {  	[sflag:s21] =	ssyncset.done $0x0  }
0x60: {  	s8 =	rddreg [dreg:$0x6];
	[sflag:s21] =	ssyncadd.s32 $0xFFFFC000  }
0x61: {  	[tilespmem:s20], [sflag:$0x1] =	stream.indirect.gather [hbm4b:s1+s25], $0x80, s8, s25, $0xb8;
	[tilespmem:$0x1D000] =	vst v63  }
0x62: {  	_ =	swait.ge [sflag:s29], $0x4000  }
0x63: {  	[sflag:s29] =	ssyncset.done $0x0  }
0x64: {  	s9 =	rddreg [dreg:$0x7];
	[sflag:s29] =	ssyncadd.s32 $0xFFFFC000  }
0x65: {  	[spmem:s2] =	stream.indirect.scatter.add.f32 [tilespmem:s26], [sflag:$0x5], $0x80, s9, s25, $0xb8;
	[tilespmem:$0x1D000] =	vst v63  }
0x66: {  	_ =	swait.ge [sflag:s21], $0x4000  }
0x67: {  	[sflag:s21] =	ssyncset.done $0x0  }
0x68: {  	s12 =	smov.u32 s17;
	s17 =	rddreg [dreg:$0x8];
	[sflag:s21] =	ssyncadd.s32 $0xFFFFC000  }
0x69: {  	[tilespmem:s26], [sflag:$0x2] =	stream.indirect.gather [hbm4b:s1+s25], $0x80, s17, s25, $0xb8;
	[tilespmem:$0x1D000] =	vst v63  }
0x6a: {  	_ =	swait.ge [sflag:s28], $0x4000  }
0x6b: {  	[sflag:s28] =	ssyncset.done $0x0  }
0x6c: {  	s18 =	rddreg [dreg:$0x9];
	[sflag:s28] =	ssyncadd.s32 $0xFFFFC000  }
0x6d: {  	[spmem:s2] =	stream.indirect.scatter.add.f32 [tilespmem:s20], [sflag:$0x5], $0x80, s18, s25, $0xb8;
	[tilespmem:$0x1D000] =	vst v63  }
0x6e: {  	_ =	swait.ge [sflag:s21], $0x4000  }
0x6f: {  	[sflag:s21] =	ssyncset.done $0x0  }
0x70: {  	s8 =	rddreg [dreg:$0xa];
	[sflag:s21] =	ssyncadd.s32 $0xFFFFC000  }
0x71: {  	[tilespmem:s20], [sflag:$0x1] =	stream.indirect.gather [hbm4b:s1+s25], $0x80, s8, s25, $0xb8;
	[tilespmem:$0x1D000] =	vst v63  }
0x72: {  	_ =	swait.ge [sflag:s29], $0x4000  }
0x73: {  	[sflag:s29] =	ssyncset.done $0x0  }
0x74: {  	s9 =	rddreg [dreg:$0xb];
	[sflag:s29] =	ssyncadd.s32 $0xFFFFC000  }
0x75: {  	[spmem:s2] =	stream.indirect.scatter.add.f32 [tilespmem:s26], [sflag:$0x5], $0x80, s9, s25, $0xb8;
	[tilespmem:$0x1D000] =	vst v63  }
0x76: {  	_ =	swait.ge [sflag:s21], $0x4000  }
0x77: {  	[sflag:s21] =	ssyncset.done $0x0  }
0x78: {  	s17 =	rddreg [dreg:$0xc];
	[sflag:s21] =	ssyncadd.s32 $0xFFFFC000  }
0x79: {  	[tilespmem:s26], [sflag:$0x2] =	stream.indirect.gather [hbm4b:s1+s25], $0x80, s17, s25, $0xb8;
	[tilespmem:$0x1D000] =	vst v63  }
0x7a: {  	_ =	swait.ge [sflag:s28], $0x4000  }
0x7b: {  	[sflag:s28] =	ssyncset.done $0x0  }
0x7c: {  	s18 =	rddreg [dreg:$0xd];
	[sflag:s28] =	ssyncadd.s32 $0xFFFFC000  }
0x7d: {  	[spmem:s2] =	stream.indirect.scatter.add.f32 [tilespmem:s20], [sflag:$0x5], $0x80, s18, s25, $0xb8;
	[tilespmem:$0x1D000] =	vst v63  }
0x7e: {  	_ =	swait.ge [sflag:s21], $0x4000  }
0x7f: {  	[sflag:s21] =	ssyncset.done $0x0  }
0x80: {  	s8 =	rddreg [dreg:$0xe];
	[sflag:s21] =	ssyncadd.s32 $0xFFFFC000  }
0x81: {  	[tilespmem:s20], [sflag:$0x1] =	stream.indirect.gather [hbm4b:s1+s25], $0x80, s8, s25, $0xb8;
	[tilespmem:$0x1D000] =	vst v63  }
0x82: {  	_ =	swait.ge [sflag:s29], $0x4000  }
0x83: {  	[sflag:s29] =	ssyncset.done $0x0  }
0x84: {  	s9 =	rddreg [dreg:$0xf];
	[sflag:s29] =	ssyncadd.s32 $0xFFFFC000  }
0x85: {  	[spmem:s2] =	stream.indirect.scatter.add.f32 [tilespmem:s26], [sflag:$0x5], $0x80, s9, s25, $0xb8;
	[tilespmem:$0x1D000] =	vst v63  }
0x86: {  	_ =	swait.ge [sflag:s21], $0x4000  }
0x87: {  	[sflag:s21] =	ssyncset.done $0x0  }
0x88: {  	s17 =	rddreg [dreg:$0x10];
	[sflag:s21] =	ssyncadd.s32 $0xFFFFC000  }
0x89: {  	[tilespmem:s26], [sflag:$0x2] =	stream.indirect.gather [hbm4b:s1+s25], $0x80, s17, s25, $0xb8;
	[tilespmem:$0x1D000] =	vst v63  }
0x8a: {  	_ =	swait.ge [sflag:s28], $0x4000  }
0x8b: {  	[sflag:s28] =	ssyncset.done $0x0  }
0x8c: {  	s18 =	rddreg [dreg:$0x11];
	[sflag:s28] =	ssyncadd.s32 $0xFFFFC000  }
0x8d: {  	[spmem:s2] =	stream.indirect.scatter.add.f32 [tilespmem:s20], [sflag:$0x5], $0x80, s18, s25, $0xb8;
	[tilespmem:$0x1D000] =	vst v63  }
0x8e: {  	_ =	swait.ge [sflag:s21], $0x4000  }
0x8f: {  	[sflag:s21] =	ssyncset.done $0x0  }
0x90: {  	[sflag:s21] =	ssyncadd.s32 $0xFFFFC000  }
0x91: {  	_ =	swait.ge [sflag:s29], $0x4000  }
0x92: {  	[sflag:s29] =	ssyncset.done $0x0  }
0x93: {  	s8 =	rddreg [dreg:$0x12];
	[sflag:s29] =	ssyncadd.s32 $0xFFFFC000  }
0x94: {  	[spmem:s2] =	stream.indirect.scatter.add.f32 [tilespmem:s26], [sflag:$0x5], $0x80, s8, s25, $0xb8;
	[tilespmem:$0x1D000] =	vst v63  }
0x95: {  	_ =	swait.ge [sflag:s21], $0x4000  }
0x96: {  	[sflag:s21] =	ssyncset.done $0x0  }
0x97: {  	[sflag:s21] =	ssyncadd.s32 $0xFFFFC000  }
0x98: {  	_ =	swait.ge [sflag:s30], $0x400  }
0x99: {  	[sflag:s30] =	ssyncset.done $0x0  }
0x9a: {  	[sflag:s30] =	ssyncadd.s32 $0xFFFFFC00  }
0x9b: {  	p0 =	por $0x0, $0x0;
	_ =	swait.ge [sflag:s30], $0x400  }
0x9c: {  	s17 =	simm.s32 @!p0 $0x0;
	s16 =	rddreg [dreg:$0x5];
	[sflag:s30] =	ssyncset.done $0x0  }
0x9d: {  	s18 =	sadd.s32 @!p0 $0x0, s7;
	[sflag:s30] =	ssyncadd.s32 $0xFFFFFC00;
	s16 =	sadd.s32 @!p0 $0x0, s16  }
0x9e: {  	[tilespmem:s17], [sflag:$0x3] =	stream.linear.gather @!p0 [hbm4b:s16+s17], $0x400, $0x38;
	[tilespmem:$0x1D000] =	vst v63  }
0x9f: {  	s16 =	sadd.s32 @!p0 $0x100, s18;
	s18 =	simm.s32 @!p0 $0x400  }
0xa0: {  	[tilespmem:s18], [sflag:$0x3] =	stream.linear.gather @!p0 [hbm4b:s16+s17], $0x400, $0x38;
	[tilespmem:$0x1D000] =	vst v63  }
0xa1: {  	_ = 	snop  }
0xa2: {  	[tilespmem:s20], [sflag:$0x1] =	stream.indirect.gather [hbm4b:s1+s25], $0x80, s23, s25, $0xb8;
	[tilespmem:$0x1D000] =	vst v63  }
0xa3: {  	s9 =	rddreg [dreg:$0x13]  }
0xa4: {  	[tilespmem:s26], [sflag:$0x2] =	stream.indirect.gather [hbm4b:s1+s25], $0x80, s9, s25, $0xb8;
	[tilespmem:$0x1D000] =	vst v63  }
0xa5: {  	_ =	swait.ge [sflag:s28], $0x4000  }
0xa6: {  	[sflag:s28] =	ssyncset.done $0x0  }
0xa7: {  	[sflag:s28] =	ssyncadd.s32 $0xFFFFC000  }
0xa8: {  	[spmem:s2] =	stream.indirect.scatter.add.f32 [tilespmem:s20], [sflag:$0x5], $0x80, s24, s25, $0xb8;
	[tilespmem:$0x1D000] =	vst v63  }
0xa9: {  	_ =	swait.ge [sflag:s21], $0x4000  }
0xaa: {  	[sflag:s21] =	ssyncset.done $0x0  }
0xab: {  	s17 =	rddreg [dreg:$0x14];
	[sflag:s21] =	ssyncadd.s32 $0xFFFFC000  }
0xac: {  	[tilespmem:s20], [sflag:$0x1] =	stream.indirect.gather [hbm4b:s1+s25], $0x80, s17, s25, $0xb8;
	[tilespmem:$0x1D000] =	vst v63  }
0xad: {  	_ =	swait.ge [sflag:s29], $0x4000  }
0xae: {  	[sflag:s29] =	ssyncset.done $0x0  }
0xaf: {  	s18 =	rddreg [dreg:$0x15];
	[sflag:s29] =	ssyncadd.s32 $0xFFFFC000  }
0xb0: {  	[spmem:s2] =	stream.indirect.scatter.add.f32 [tilespmem:s26], [sflag:$0x5], $0x80, s18, s25, $0xb8;
	[tilespmem:$0x1D000] =	vst v63  }
0xb1: {  	_ =	swait.ge [sflag:s21], $0x4000  }
0xb2: {  	[sflag:s21] =	ssyncset.done $0x0  }
0xb3: {  	s8 =	rddreg [dreg:$0x16];
	[sflag:s21] =	ssyncadd.s32 $0xFFFFC000  }
0xb4: {  	[tilespmem:s26], [sflag:$0x2] =	stream.indirect.gather [hbm4b:s1+s25], $0x80, s8, s25, $0xb8;
	[tilespmem:$0x1D000] =	vst v63  }
0xb5: {  	_ =	swait.ge [sflag:s28], $0x4000  }
0xb6: {  	[sflag:s28] =	ssyncset.done $0x0  }
0xb7: {  	s9 =	rddreg [dreg:$0x17];
	[sflag:s28] =	ssyncadd.s32 $0xFFFFC000  }
0xb8: {  	[spmem:s2] =	stream.indirect.scatter.add.f32 [tilespmem:s20], [sflag:$0x5], $0x80, s9, s25, $0xb8;
	[tilespmem:$0x1D000] =	vst v63  }
0xb9: {  	_ =	swait.ge [sflag:s21], $0x4000  }
0xba: {  	[sflag:s21] =	ssyncset.done $0x0  }
0xbb: {  	s17 =	rddreg [dreg:$0x18];
	[sflag:s21] =	ssyncadd.s32 $0xFFFFC000  }
0xbc: {  	[tilespmem:s20], [sflag:$0x1] =	stream.indirect.gather [hbm4b:s1+s25], $0x80, s17, s25, $0xb8;
	[tilespmem:$0x1D000] =	vst v63  }
0xbd: {  	_ =	swait.ge [sflag:s29], $0x4000  }
0xbe: {  	[sflag:s29] =	ssyncset.done $0x0  }
0xbf: {  	s18 =	rddreg [dreg:$0x19];
	[sflag:s29] =	ssyncadd.s32 $0xFFFFC000  }
0xc0: {  	[spmem:s2] =	stream.indirect.scatter.add.f32 [tilespmem:s26], [sflag:$0x5], $0x80, s18, s25, $0xb8;
	[tilespmem:$0x1D000] =	vst v63  }
0xc1: {  	_ =	swait.ge [sflag:s21], $0x4000  }
0xc2: {  	[sflag:s21] =	ssyncset.done $0x0  }
0xc3: {  	[sflag:s21] =	ssyncadd.s32 $0xFFFFC000  }
0xc4: {  	[tilespmem:s26], [sflag:$0x2] =	stream.indirect.gather [hbm4b:s1+s25], $0x80, s31, s25, $0xb8;
	[tilespmem:$0x1D000] =	vst v63  }
0xc5: {  	_ =	swait.ge [sflag:s28], $0x4000  }
0xc6: {  	[sflag:s28] =	ssyncset.done $0x0  }
0xc7: {  	[sflag:s28] =	ssyncadd.s32 $0xFFFFC000  }
0xc8: {  	[spmem:s2] =	stream.indirect.scatter.add.f32 [tilespmem:s20], [sflag:$0x5], $0x80, s0, s25, $0xb8;
	[tilespmem:$0x1D000] =	vst v63  }
0xc9: {  	_ =	swait.ge [sflag:s21], $0x4000  }
0xca: {  	[sflag:s21] =	ssyncset.done $0x0  }
0xcb: {  	[sflag:s21] =	ssyncadd.s32 $0xFFFFC000  }
0xcc: {  	[tilespmem:s20], [sflag:$0x1] =	stream.indirect.gather [hbm4b:s1+s25], $0x80, s3, s25, $0xb8;
	[tilespmem:$0x1D000] =	vst v63  }
0xcd: {  	_ =	swait.ge [sflag:s29], $0x4000  }
0xce: {  	[sflag:s29] =	ssyncset.done $0x0  }
0xcf: {  	[sflag:s29] =	ssyncadd.s32 $0xFFFFC000  }
0xd0: {  	[spmem:s2] =	stream.indirect.scatter.add.f32 [tilespmem:s26], [sflag:$0x5], $0x80, s5, s25, $0xb8;
	[tilespmem:$0x1D000] =	vst v63  }
0xd1: {  	_ =	swait.ge [sflag:s21], $0x4000  }
0xd2: {  	[sflag:s21] =	ssyncset.done $0x0  }
0xd3: {  	[sflag:s21] =	ssyncadd.s32 $0xFFFFC000  }
0xd4: {  	[tilespmem:s26], [sflag:$0x2] =	stream.indirect.gather [hbm4b:s1+s25], $0x80, s6, s25, $0xb8;
	[tilespmem:$0x1D000] =	vst v63  }
0xd5: {  	_ =	swait.ge [sflag:s28], $0x4000  }
0xd6: {  	[sflag:s28] =	ssyncset.done $0x0  }
0xd7: {  	[sflag:s28] =	ssyncadd.s32 $0xFFFFC000  }
0xd8: {  	[spmem:s2] =	stream.indirect.scatter.add.f32 [tilespmem:s20], [sflag:$0x5], $0x80, s13, s25, $0xb8;
	[tilespmem:$0x1D000] =	vst v63  }
0xd9: {  	_ =	swait.ge [sflag:s21], $0x4000  }
0xda: {  	[sflag:s21] =	ssyncset.done $0x0  }
0xdb: {  	[sflag:s21] =	ssyncadd.s32 $0xFFFFC000  }
0xdc: {  	_ =	swait.ge [sflag:s29], $0x4000  }
0xdd: {  	[sflag:s29] =	ssyncset.done $0x0  }
0xde: {  	[sflag:s29] =	ssyncadd.s32 $0xFFFFC000  }
0xdf: {  	[spmem:s2] =	stream.indirect.scatter.add.f32 [tilespmem:s26], [sflag:$0x5], $0x80, s14, s25, $0xb8;
	[tilespmem:$0x1D000] =	vst v63  }
0xe0: {  	s16 =	simm.s32 $0x100;
	_ =	swait.ge [sflag:s21], $0x4000  }
.LBB2_2:
0xe1: {  	[sflag:s21] =	ssyncset.done $0x0  }
0xe2: {  	[sflag:s21] =	ssyncadd.s32 $0xFFFFC000  }
0xe3: {  	_ =	swait.ge [sflag:s22], $0x400  }
0xe4: {  	[sflag:s22] =	ssyncset.done $0x0  }
0xe5: {  	[sflag:s22] =	ssyncadd.s32 $0xFFFFFC00  }
0xe6: {  	_ =	swait.ge [sflag:s22], $0x400  }
0xe7: {  	s17 =	smov.u32 s16;
	s18 =	rddreg [dreg:$0x4];
	[sflag:s22] =	ssyncset.done $0x0  }
0xe8: {  	s8 =	sadd.s32 s17, s7;
	[sflag:s22] =	ssyncadd.s32 $0xFFFFFC00;
	s18 =	sadd.s32 s17, s18  }
0xe9: {  	[tilespmem:s23], [sflag:$0x4] =	stream.linear.gather [hbm4b:s18+s4], $0x400, $0x38;
	[tilespmem:$0x1D000] =	vst v63  }
0xea: {  	s8 =	sadd.s32 $0x80, s8  }
0xeb: {  	[tilespmem:s24], [sflag:$0x4] =	stream.linear.gather [hbm4b:s8+s4], $0x400, $0x38;
	[tilespmem:$0x1D000] =	vst v63  }
0xec: {  	_ = 	snop  }
0xed: {  	[tilespmem:s20], [sflag:$0x1] =	stream.indirect.gather [hbm4b:s1+s25], $0x80, s4, s25, $0xb8;
	[tilespmem:$0x1D000] =	vst v63  }
0xee: {  	_ = 	snop  }
0xef: {  	[tilespmem:s26], [sflag:$0x2] =	stream.indirect.gather [hbm4b:s1+s25], $0x80, s25, s25, $0xb8;
	[tilespmem:$0x1D000] =	vst v63  }
0xf0: {  	_ =	swait.ge [sflag:s28], $0x4000  }
0xf1: {  	[sflag:s28] =	ssyncset.done $0x0  }
0xf2: {  	[sflag:s28] =	ssyncadd.s32 $0xFFFFC000  }
0xf3: {  	[spmem:s2] =	stream.indirect.scatter.add.f32 [tilespmem:s20], [sflag:$0x5], $0x80, s19, s25, $0xb8;
	[tilespmem:$0x1D000] =	vst v63  }
0xf4: {  	_ =	swait.ge [sflag:s21], $0x4000  }
0xf5: {  	[sflag:s21] =	ssyncset.done $0x0  }
0xf6: {  	s9 =	rddreg [dreg:$0x6];
	[sflag:s21] =	ssyncadd.s32 $0xFFFFC000  }
0xf7: {  	[tilespmem:s20], [sflag:$0x1] =	stream.indirect.gather [hbm4b:s1+s25], $0x80, s9, s25, $0xb8;
	[tilespmem:$0x1D000] =	vst v63  }
0xf8: {  	_ =	swait.ge [sflag:s29], $0x4000  }
0xf9: {  	[sflag:s29] =	ssyncset.done $0x0  }
0xfa: {  	s18 =	rddreg [dreg:$0x7];
	[sflag:s29] =	ssyncadd.s32 $0xFFFFC000  }
0xfb: {  	[spmem:s2] =	stream.indirect.scatter.add.f32 [tilespmem:s26], [sflag:$0x5], $0x80, s18, s25, $0xb8;
	[tilespmem:$0x1D000] =	vst v63  }
0xfc: {  	_ =	swait.ge [sflag:s21], $0x4000  }
0xfd: {  	[sflag:s21] =	ssyncset.done $0x0  }
0xfe: {  	s9 =	rddreg [dreg:$0x8];
	[sflag:s21] =	ssyncadd.s32 $0xFFFFC000  }
0xff: {  	[tilespmem:s26], [sflag:$0x2] =	stream.indirect.gather [hbm4b:s1+s25], $0x80, s9, s25, $0xb8;
	[tilespmem:$0x1D000] =	vst v63  }
0x100: {  	_ =	swait.ge [sflag:s28], $0x4000  }
0x101: {  	[sflag:s28] =	ssyncset.done $0x0  }
0x102: {  	s18 =	rddreg [dreg:$0x9];
	[sflag:s28] =	ssyncadd.s32 $0xFFFFC000  }
0x103: {  	[spmem:s2] =	stream.indirect.scatter.add.f32 [tilespmem:s20], [sflag:$0x5], $0x80, s18, s25, $0xb8;
	[tilespmem:$0x1D000] =	vst v63  }
0x104: {  	_ =	swait.ge [sflag:s21], $0x4000  }
0x105: {  	[sflag:s21] =	ssyncset.done $0x0  }
0x106: {  	s9 =	rddreg [dreg:$0xa];
	[sflag:s21] =	ssyncadd.s32 $0xFFFFC000  }
0x107: {  	[tilespmem:s20], [sflag:$0x1] =	stream.indirect.gather [hbm4b:s1+s25], $0x80, s9, s25, $0xb8;
	[tilespmem:$0x1D000] =	vst v63  }
0x108: {  	_ =	swait.ge [sflag:s29], $0x4000  }
0x109: {  	[sflag:s29] =	ssyncset.done $0x0  }
0x10a: {  	s18 =	rddreg [dreg:$0xb];
	[sflag:s29] =	ssyncadd.s32 $0xFFFFC000  }
0x10b: {  	[spmem:s2] =	stream.indirect.scatter.add.f32 [tilespmem:s26], [sflag:$0x5], $0x80, s18, s25, $0xb8;
	[tilespmem:$0x1D000] =	vst v63  }
0x10c: {  	_ =	swait.ge [sflag:s21], $0x4000  }
0x10d: {  	[sflag:s21] =	ssyncset.done $0x0  }
0x10e: {  	s9 =	rddreg [dreg:$0xc];
	[sflag:s21] =	ssyncadd.s32 $0xFFFFC000  }
0x10f: {  	[tilespmem:s26], [sflag:$0x2] =	stream.indirect.gather [hbm4b:s1+s25], $0x80, s9, s25, $0xb8;
	[tilespmem:$0x1D000] =	vst v63  }
0x110: {  	_ =	swait.ge [sflag:s28], $0x4000  }
0x111: {  	[sflag:s28] =	ssyncset.done $0x0  }
0x112: {  	s18 =	rddreg [dreg:$0xd];
	[sflag:s28] =	ssyncadd.s32 $0xFFFFC000  }
0x113: {  	[spmem:s2] =	stream.indirect.scatter.add.f32 [tilespmem:s20], [sflag:$0x5], $0x80, s18, s25, $0xb8;
	[tilespmem:$0x1D000] =	vst v63  }
0x114: {  	_ =	swait.ge [sflag:s21], $0x4000  }
0x115: {  	[sflag:s21] =	ssyncset.done $0x0  }
0x116: {  	s9 =	rddreg [dreg:$0xe];
	[sflag:s21] =	ssyncadd.s32 $0xFFFFC000  }
0x117: {  	[tilespmem:s20], [sflag:$0x1] =	stream.indirect.gather [hbm4b:s1+s25], $0x80, s9, s25, $0xb8;
	[tilespmem:$0x1D000] =	vst v63  }
0x118: {  	_ =	swait.ge [sflag:s29], $0x4000  }
0x119: {  	[sflag:s29] =	ssyncset.done $0x0  }
0x11a: {  	s18 =	rddreg [dreg:$0xf];
	[sflag:s29] =	ssyncadd.s32 $0xFFFFC000  }
0x11b: {  	[spmem:s2] =	stream.indirect.scatter.add.f32 [tilespmem:s26], [sflag:$0x5], $0x80, s18, s25, $0xb8;
	[tilespmem:$0x1D000] =	vst v63  }
0x11c: {  	_ =	swait.ge [sflag:s21], $0x4000  }
0x11d: {  	[sflag:s21] =	ssyncset.done $0x0  }
0x11e: {  	s9 =	rddreg [dreg:$0x10];
	[sflag:s21] =	ssyncadd.s32 $0xFFFFC000  }
0x11f: {  	[tilespmem:s26], [sflag:$0x2] =	stream.indirect.gather [hbm4b:s1+s25], $0x80, s9, s25, $0xb8;
	[tilespmem:$0x1D000] =	vst v63  }
0x120: {  	_ =	swait.ge [sflag:s28], $0x4000  }
0x121: {  	[sflag:s28] =	ssyncset.done $0x0  }
0x122: {  	s18 =	rddreg [dreg:$0x11];
	[sflag:s28] =	ssyncadd.s32 $0xFFFFC000  }
0x123: {  	[spmem:s2] =	stream.indirect.scatter.add.f32 [tilespmem:s20], [sflag:$0x5], $0x80, s18, s25, $0xb8;
	[tilespmem:$0x1D000] =	vst v63  }
0x124: {  	_ =	swait.ge [sflag:s21], $0x4000  }
0x125: {  	[sflag:s21] =	ssyncset.done $0x0  }
0x126: {  	[sflag:s21] =	ssyncadd.s32 $0xFFFFC000  }
0x127: {  	_ =	swait.ge [sflag:s29], $0x4000  }
0x128: {  	[sflag:s29] =	ssyncset.done $0x0  }
0x129: {  	s9 =	rddreg [dreg:$0x12];
	[sflag:s29] =	ssyncadd.s32 $0xFFFFC000  }
0x12a: {  	[spmem:s2] =	stream.indirect.scatter.add.f32 [tilespmem:s26], [sflag:$0x5], $0x80, s9, s25, $0xb8;
	[tilespmem:$0x1D000] =	vst v63  }
0x12b: {  	_ =	swait.ge [sflag:s21], $0x4000  }
0x12c: {  	[sflag:s21] =	ssyncset.done $0x0  }
0x12d: {  	[sflag:s21] =	ssyncadd.s32 $0xFFFFC000  }
0x12e: {  	_ =	swait.ge [sflag:s30], $0x400  }
0x12f: {  	[sflag:s30] =	ssyncset.done $0x0  }
0x130: {  	[sflag:s30] =	ssyncadd.s32 $0xFFFFFC00  }
0x131: {  	p1 =	seq.s32 s17, $0x400;
	_ =	swait.ge [sflag:s30], $0x400  }
0x132: {  	s18 =	simm.s32 @!p1 $0x0;
	s8 =	rddreg [dreg:$0x5];
	[sflag:s30] =	ssyncset.done $0x0  }
0x133: {  	s9 =	sadd.s32 @!p1 s17, s7;
	[sflag:s30] =	ssyncadd.s32 $0xFFFFFC00;
	s8 =	sadd.s32 @!p1 s17, s8  }
0x134: {  	[tilespmem:s18], [sflag:$0x3] =	stream.linear.gather @!p1 [hbm4b:s8+s18], $0x400, $0x38;
	[tilespmem:$0x1D000] =	vst v63  }
0x135: {  	s9 =	sadd.s32 @!p1 $0x100, s9;
	s17 =	simm.s32 @!p1 $0x400  }
0x136: {  	[tilespmem:s17], [sflag:$0x3] =	stream.linear.gather @!p1 [hbm4b:s9+s18], $0x400, $0x38;
	[tilespmem:$0x1D000] =	vst v63  }
0x137: {  	_ = 	snop  }
0x138: {  	[tilespmem:s20], [sflag:$0x1] =	stream.indirect.gather [hbm4b:s1+s25], $0x80, s23, s25, $0xb8;
	[tilespmem:$0x1D000] =	vst v63  }
0x139: {  	s18 =	rddreg [dreg:$0x13]  }
0x13a: {  	[tilespmem:s26], [sflag:$0x2] =	stream.indirect.gather [hbm4b:s1+s25], $0x80, s18, s25, $0xb8;
	[tilespmem:$0x1D000] =	vst v63  }
0x13b: {  	_ =	swait.ge [sflag:s28], $0x4000  }
0x13c: {  	[sflag:s28] =	ssyncset.done $0x0  }
0x13d: {  	[sflag:s28] =	ssyncadd.s32 $0xFFFFC000  }
0x13e: {  	[spmem:s2] =	stream.indirect.scatter.add.f32 [tilespmem:s20], [sflag:$0x5], $0x80, s24, s25, $0xb8;
	[tilespmem:$0x1D000] =	vst v63  }
0x13f: {  	_ =	swait.ge [sflag:s21], $0x4000  }
0x140: {  	[sflag:s21] =	ssyncset.done $0x0  }
0x141: {  	s9 =	rddreg [dreg:$0x14];
	[sflag:s21] =	ssyncadd.s32 $0xFFFFC000  }
0x142: {  	[tilespmem:s20], [sflag:$0x1] =	stream.indirect.gather [hbm4b:s1+s25], $0x80, s9, s25, $0xb8;
	[tilespmem:$0x1D000] =	vst v63  }
0x143: {  	_ =	swait.ge [sflag:s29], $0x4000  }
0x144: {  	[sflag:s29] =	ssyncset.done $0x0  }
0x145: {  	s17 =	rddreg [dreg:$0x15];
	[sflag:s29] =	ssyncadd.s32 $0xFFFFC000  }
0x146: {  	[spmem:s2] =	stream.indirect.scatter.add.f32 [tilespmem:s26], [sflag:$0x5], $0x80, s17, s25, $0xb8;
	[tilespmem:$0x1D000] =	vst v63  }
0x147: {  	_ =	swait.ge [sflag:s21], $0x4000  }
0x148: {  	[sflag:s21] =	ssyncset.done $0x0  }
0x149: {  	s18 =	rddreg [dreg:$0x16];
	[sflag:s21] =	ssyncadd.s32 $0xFFFFC000  }
0x14a: {  	[tilespmem:s26], [sflag:$0x2] =	stream.indirect.gather [hbm4b:s1+s25], $0x80, s18, s25, $0xb8;
	[tilespmem:$0x1D000] =	vst v63  }
0x14b: {  	_ =	swait.ge [sflag:s28], $0x4000  }
0x14c: {  	[sflag:s28] =	ssyncset.done $0x0  }
0x14d: {  	s9 =	rddreg [dreg:$0x17];
	[sflag:s28] =	ssyncadd.s32 $0xFFFFC000  }
0x14e: {  	[spmem:s2] =	stream.indirect.scatter.add.f32 [tilespmem:s20], [sflag:$0x5], $0x80, s9, s25, $0xb8;
	[tilespmem:$0x1D000] =	vst v63  }
0x14f: {  	_ =	swait.ge [sflag:s21], $0x4000  }
0x150: {  	[sflag:s21] =	ssyncset.done $0x0  }
0x151: {  	s17 =	rddreg [dreg:$0x18];
	[sflag:s21] =	ssyncadd.s32 $0xFFFFC000  }
0x152: {  	[tilespmem:s20], [sflag:$0x1] =	stream.indirect.gather [hbm4b:s1+s25], $0x80, s17, s25, $0xb8;
	[tilespmem:$0x1D000] =	vst v63  }
0x153: {  	_ =	swait.ge [sflag:s29], $0x4000  }
0x154: {  	[sflag:s29] =	ssyncset.done $0x0  }
0x155: {  	s18 =	rddreg [dreg:$0x19];
	[sflag:s29] =	ssyncadd.s32 $0xFFFFC000  }
0x156: {  	[spmem:s2] =	stream.indirect.scatter.add.f32 [tilespmem:s26], [sflag:$0x5], $0x80, s18, s25, $0xb8;
	[tilespmem:$0x1D000] =	vst v63  }
0x157: {  	_ =	swait.ge [sflag:s21], $0x4000  }
0x158: {  	[sflag:s21] =	ssyncset.done $0x0  }
0x159: {  	[sflag:s21] =	ssyncadd.s32 $0xFFFFC000  }
0x15a: {  	[tilespmem:s26], [sflag:$0x2] =	stream.indirect.gather [hbm4b:s1+s25], $0x80, s31, s25, $0xb8;
	[tilespmem:$0x1D000] =	vst v63  }
0x15b: {  	_ =	swait.ge [sflag:s28], $0x4000  }
0x15c: {  	[sflag:s28] =	ssyncset.done $0x0  }
0x15d: {  	[sflag:s28] =	ssyncadd.s32 $0xFFFFC000  }
0x15e: {  	[spmem:s2] =	stream.indirect.scatter.add.f32 [tilespmem:s20], [sflag:$0x5], $0x80, s0, s25, $0xb8;
	[tilespmem:$0x1D000] =	vst v63  }
0x15f: {  	_ =	swait.ge [sflag:s21], $0x4000  }
0x160: {  	[sflag:s21] =	ssyncset.done $0x0  }
0x161: {  	[sflag:s21] =	ssyncadd.s32 $0xFFFFC000  }
0x162: {  	[tilespmem:s20], [sflag:$0x1] =	stream.indirect.gather [hbm4b:s1+s25], $0x80, s3, s25, $0xb8;
	[tilespmem:$0x1D000] =	vst v63  }
0x163: {  	_ =	swait.ge [sflag:s29], $0x4000  }
0x164: {  	[sflag:s29] =	ssyncset.done $0x0  }
0x165: {  	[sflag:s29] =	ssyncadd.s32 $0xFFFFC000  }
0x166: {  	[spmem:s2] =	stream.indirect.scatter.add.f32 [tilespmem:s26], [sflag:$0x5], $0x80, s5, s25, $0xb8;
	[tilespmem:$0x1D000] =	vst v63  }
0x167: {  	_ =	swait.ge [sflag:s21], $0x4000  }
0x168: {  	[sflag:s21] =	ssyncset.done $0x0  }
0x169: {  	[sflag:s21] =	ssyncadd.s32 $0xFFFFC000  }
0x16a: {  	[tilespmem:s26], [sflag:$0x2] =	stream.indirect.gather [hbm4b:s1+s25], $0x80, s6, s25, $0xb8;
	[tilespmem:$0x1D000] =	vst v63  }
0x16b: {  	_ =	swait.ge [sflag:s28], $0x4000  }
0x16c: {  	[sflag:s28] =	ssyncset.done $0x0  }
0x16d: {  	[sflag:s28] =	ssyncadd.s32 $0xFFFFC000  }
0x16e: {  	[spmem:s2] =	stream.indirect.scatter.add.f32 [tilespmem:s20], [sflag:$0x5], $0x80, s13, s25, $0xb8;
	[tilespmem:$0x1D000] =	vst v63  }
0x16f: {  	_ =	swait.ge [sflag:s21], $0x4000  }
0x170: {  	s16 =	sadd.s32 $0x100, s16;
	[sflag:s21] =	ssyncset.done $0x0  }
0x171: {  	p0 =	sne.s32 s16, $0x500;
	[sflag:s21] =	ssyncadd.s32 $0xFFFFC000  }
.Ltmp0:
0x172: {  	_ =	swait.ge [sflag:s29], $0x4000;
	(pc) =	sbr.rel @p0 .LBB2_2-.Ltmp0, $4  }
0x173: {  	[sflag:s29] =	ssyncset.done $0x0  }
0x174: {  	[sflag:s29] =	ssyncadd.s32 $0xFFFFC000  }
0x175: {  	[spmem:s2] =	stream.indirect.scatter.add.f32 [tilespmem:s26], [sflag:$0x5], $0x80, s14, s25, $0xb8;
	[tilespmem:$0x1D000] =	vst v63  }
0x176: {  	_ =	swait.ge [sflag:s21], $0x4000  }
0x177: {  	[sflag:s21] =	ssyncset.done $0x0  }
0x178: {  	[sflag:s21] =	ssyncadd.s32 $0xFFFFC000  }
0x179: {  	[bflag:$0x0] =	sbarrier.arrive $0xFFFF  }
0x17a: {  	[tilespmem:s20], [sflag:$0x5] =	stream.linear.gather [spmem:s10], $0x4000, $0x38;
	[tilespmem:$0x1D000] =	vst v63  }
0x17b: {  	_ =	swait.ge [sflag:s21], $0x4000  }
0x17c: {  	[sflag:s21] =	ssyncset.done $0x0  }
0x17d: {  	s8 =	rddreg [dreg:$0x1f];
	[sflag:s21] =	ssyncadd.s32 $0xFFFFC000  }
0x17e: {  	[hbm4b:s8+s4] =	stream.linear.scatter [tilespmem:s20], [sflag:$0x5], $0x4000, $0x38;
	[tilespmem:$0x1D000] =	vst v63  }
0x17f: {  	_ =	swait.ge [sflag:s21], $0x4000  }
0x180: {  	[sflag:s21] =	ssyncset.done $0x0  }
0x181: {  	[sflag:s21] =	ssyncadd.s32 $0xFFFFC000  }
0x182: {  	[tilespmem:s20], [sflag:$0x5] =	stream.linear.gather [spmem:s11], $0x4000, $0x38;
	[tilespmem:$0x1D000] =	vst v63  }
0x183: {  	_ =	swait.ge [sflag:s21], $0x4000  }
0x184: {  	s9 =	smov.u32 s10;
	s10 =	sld [smem:$0x7FA]  }
0x185: {  	[sflag:s21] =	ssyncset.done $0x0  }
0x186: {  	[sflag:s21] =	ssyncadd.s32 $0xFFFFC000  }
0x187: {  	[hbm4b:s10+s4] =	stream.linear.scatter [tilespmem:s20], [sflag:$0x5], $0x4000, $0x38;
	[tilespmem:$0x1D000] =	vst v63  }
0x188: {  	_ =	swait.ge [sflag:s21], $0x4000  }
0x189: {  	[sflag:s21] =	ssyncset.done $0x0  }
0x18a: {  	[sflag:s21] =	ssyncadd.s32 $0xFFFFC000  }
0x18b: {  	[tilespmem:s20], [sflag:$0x5] =	stream.linear.gather [spmem:s12], $0x4000, $0x38;
	[tilespmem:$0x1D000] =	vst v63  }
0x18c: {  	_ =	swait.ge [sflag:s21], $0x4000  }
0x18d: {  	s16 =	smov.u32 s11;
	s11 =	sld [smem:$0x7FB]  }
0x18e: {  	[sflag:s21] =	ssyncset.done $0x0  }
0x18f: {  	[sflag:s21] =	ssyncadd.s32 $0xFFFFC000  }
0x190: {  	[hbm4b:s11+s4] =	stream.linear.scatter [tilespmem:s20], [sflag:$0x5], $0x4000, $0x38;
	[tilespmem:$0x1D000] =	vst v63  }
0x191: {  	_ =	swait.ge [sflag:s21], $0x4000  }
0x192: {  	[sflag:s21] =	ssyncset.done $0x0  }
0x193: {  	s18 =	rddreg [dreg:$0x1c];
	[sflag:s21] =	ssyncadd.s32 $0xFFFFC000  }
0x194: {  	[tilespmem:s20], [sflag:$0x5] =	stream.linear.gather [spmem:s18], $0x4000, $0x38;
	[tilespmem:$0x1D000] =	vst v63  }
0x195: {  	_ =	swait.ge [sflag:s21], $0x4000  }
0x196: {  	s17 =	smov.u32 s12;
	s12 =	sld [smem:$0x7FC]  }
0x197: {  	[sflag:s21] =	ssyncset.done $0x0  }
0x198: {  	[sflag:s21] =	ssyncadd.s32 $0xFFFFC000  }
0x199: {  	[hbm4b:s12+s4] =	stream.linear.scatter [tilespmem:s20], [sflag:$0x5], $0x4000, $0x38;
	[tilespmem:$0x1D000] =	vst v63  }
0x19a: {  	_ =	swait.ge [sflag:s21], $0x4000  }
0x19b: {  	[sflag:s21] =	ssyncset.done $0x0  }
0x19c: {  	s12 =	rddreg [dreg:$0x1d];
	[sflag:s21] =	ssyncadd.s32 $0xFFFFC000  }
0x19d: {  	[tilespmem:s20], [sflag:$0x5] =	stream.linear.gather [spmem:s12], $0x4000, $0x38;
	[tilespmem:$0x1D000] =	vst v63  }
0x19e: {  	_ =	swait.ge [sflag:s21], $0x4000  }
0x19f: {  	s10 =	sld [smem:$0x7FD]  }
0x1a0: {  	[sflag:s21] =	ssyncset.done $0x0  }
0x1a1: {  	[sflag:s21] =	ssyncadd.s32 $0xFFFFC000  }
0x1a2: {  	[hbm4b:s10+s4] =	stream.linear.scatter [tilespmem:s20], [sflag:$0x5], $0x4000, $0x38;
	[tilespmem:$0x1D000] =	vst v63  }
0x1a3: {  	_ =	swait.ge [sflag:s21], $0x4000  }
0x1a4: {  	s15 =	sadd.s32 $0x1, s15;
	s11 =	rddreg [dreg:$0x1e]  }
0x1a5: {  	p0 =	sne.s32 s15, s11  }
.Ltmp1:
0x1a6: {  	_ = 	snop;
	(pc) =	sbr.rel @p0 .LBB2_1-.Ltmp1, $3  }
0x1a7: {  	_ =	sdelay $0x1  }
0x1a8: {  	[sflag:s21] =	ssyncset.done $0x0  }
0x1a9: {  	[sflag:s21] =	ssyncadd.s32 $0xFFFFC000  }
0x1aa: {  	_ =	sfence.sel $0x180000  }
0x1ab: {  	[bflag:$0x0] =	sbarrier.arrive $0xFFFF  }
0x1ac: {  	_ =	strace $0x90000047  }
0x1ad: {  	s0 =	stileid.u32;
	[bflag:$0x2] =	sbarrier.arrive $0xFFFF  }
0x1ae: {  	p0 =	sne.s32 s0, $0x0;
	s0 =	rddreg [dreg:$0x3]  }
0x1af: {  	s0 =	sadd.s32 @!p0 $0x100000, s0  }
0x1b0: {  	[sflag:s0] =	ssyncadd.tile.s32 @!p0 $0x1;
	_ =	shalt  }
.Lfunc_end2:
_tile_overlayer_lowered:
.L_overlay_start_2:
0x1b1: {  	(tag) =	ssettag $0x2  }
0x1b2: {  	s0 =	rddreg [dreg:$0x0];
	s2 =	stileid.u32  }
0x1b3: {  	s1 =	rddreg [dreg:$0x1];
	p0 =	sne.s32 s2, $0x0  }
0x1b4: {  	s3 =	rddreg [dreg:$0x2];
	[bflag:$0x3] =	sbarrier.arrive $0xFFFF;
	s2 =	simm.s32 @!p0 $0x1C05  }
0x1b5: {  	[timem:s3], [sflag:s2] =	dma.local @!p0 [hbm:s0], s1  }
0x1b6: {  	s0 =	simm.s32 @!p0 $0x5  }
0x1b7: {  	_ =	swait.ge @!p0 [sflag:s0], s1  }
0x1b8: {  	s1 =	ssub.s32 @!p0 $0x0, s1;
	[sflag:s0] =	ssyncset.done @!p0 $0x0  }
0x1b9: {  	[sflag:s0] =	ssyncadd.s32 @!p0 s1  }
0x1ba: {  	[bflag:$0x3] =	sbarrier.arrive $0xFFFF  }
0x1bb: {  	_ =	shalt  }

</sc_bundles>
